<compile_context>
chip_gen: v7x
topology: tpu7x:2x2x1
jax: 0.10.2.dev20260603
libtpu: 0.0.44.dev20260713+nightly
codegen_flags: <defaults>
</compile_context>

<pallas_src>
import dataclasses
import functools

import jax
import jax.numpy as jnp
from jax import lax
from jax.experimental import pallas as pl
from jax.experimental.pallas import tpu as pltpu
from jax.experimental.pallas import tpu_sc as plsc

NC = 2
NS = 16
NW = NC * NS

_SC_PARAMS = pltpu.CompilerParams()
if "needs_layout_passes" in pltpu.CompilerParams.__dataclass_fields__:
    _SC_PARAMS = dataclasses.replace(_SC_PARAMS, needs_layout_passes=False)

_LEAK = 1.0 / 5.5
_EPS = 1e-5




def _sc_gather(pd, coef, ps, dst, src):
    N, D = pd.shape
    E = dst.shape[0]
    ept = E // NW
    ch = 80
    nchunk = ept // ch
    mesh = plsc.VectorSubcoreMesh(core_axis_name="c", subcore_axis_name="s")

    @functools.partial(
        pl.kernel,
        out_type=(
            jax.ShapeDtypeStruct((E, D), jnp.float32),
            jax.ShapeDtypeStruct((E,), jnp.float32),
            jax.ShapeDtypeStruct((E, D), jnp.float32),
        ),
        mesh=mesh,
        compiler_params=_SC_PARAMS,
        scratch_types=[
            pltpu.VMEM((ch,), jnp.int32),
            pltpu.VMEM((ch,), jnp.int32),
            pltpu.VMEM((ch, D), jnp.float32),
            pltpu.VMEM((ch,), jnp.float32),
            pltpu.VMEM((ch, D), jnp.float32),
            pltpu.VMEM((N,), jnp.float32),
            pltpu.SemaphoreType.DMA,
            pltpu.SemaphoreType.DMA,
        ],
    )
    def k(pd_hbm, coef_hbm, ps_hbm, dst_hbm, src_hbm, dg_out, ce_out, sg_out,
          idxd, idxs, bufd, bufc, bufs, ctab, semd, sems):
        c = lax.axis_index("c")
        s = lax.axis_index("s")
        wid = s * NC + c
        pltpu.sync_copy(coef_hbm, ctab)

        @pl.loop(0, nchunk)
        def _(t):
            base = wid * ept + t * ch
            pltpu.sync_copy(dst_hbm.at[pl.ds(base, ch)], idxd)
            pltpu.sync_copy(src_hbm.at[pl.ds(base, ch)], idxs)
            cp1 = pltpu.async_copy(pd_hbm.at[idxd], bufd, semd)
            cp3 = pltpu.async_copy(ps_hbm.at[idxs], bufs, sems)

            @pl.loop(0, ch // 16)
            def _(i):
                iv = idxd[pl.ds(i * 16, 16)]
                bufc[pl.ds(i * 16, 16)] = plsc.load_gather(ctab, [iv])

            cp1.wait()
            cp3.wait()
            pltpu.sync_copy(bufd, dg_out.at[pl.ds(base, ch)])
            pltpu.sync_copy(bufc, ce_out.at[pl.ds(base, ch)])
            pltpu.sync_copy(bufs, sg_out.at[pl.ds(base, ch)])

    return k(pd, coef, ps, dst, src)




def _full(shape):
    return pl.BlockSpec(shape, lambda i: (0,) * len(shape))


def _node_pass1(nf, seg0, seg1, degc, in_w, nloop_w, src_w, dst_w,
                nbias2, nw1, nb12):
    N, D = nf.shape
    nb = 2000
    grid = N // nb

    def body(nf_r, seg0_r, seg1_r, deg_r, in_w_r, nloop_r, src_w_r,
             dst_w_r, nbias_r, nw1_r, nb1_r,
             h_o, ps_o, pd_o, ce_o, s1_o, s2_o):
        segs = seg0_r[...] + seg1_r[...]
        pre = (jnp.dot(nf_r[...], nloop_r[...], preferred_element_type=jnp.float32)
               - jnp.dot(segs, in_w_r[...], preferred_element_type=jnp.float32)
               + nbias_r[...])
        h = jnp.dot(pre, nw1_r[...], preferred_element_type=jnp.float32) + nb1_r[...]
        h_o[...] = h
        ps_o[...] = jnp.dot(nf_r[...], src_w_r[...], preferred_element_type=jnp.float32)
        pd_o[...] = jnp.dot(nf_r[...], dst_w_r[...], preferred_element_type=jnp.float32)
        ce_o[...] = 2.0 * (1.0 + jnp.log2(1.0 + deg_r[...]))
        p1 = jnp.sum(h, axis=0, keepdims=True)
        p2 = jnp.sum(h * h, axis=0, keepdims=True)

        @pl.when(pl.program_id(0) == 0)
        def _():
            s1_o[...] = p1
            s2_o[...] = p2

        @pl.when(pl.program_id(0) > 0)
        def _():
            s1_o[...] += p1
            s2_o[...] += p2

    blk = lambda *shape: pl.BlockSpec(shape, lambda i: (i,) + (0,) * (len(shape) - 1))
    return pl.pallas_call(
        body,
        grid=(grid,),
        in_specs=[blk(nb, D), blk(nb, D), blk(nb, D), blk(nb, 1),
                  _full((D, D)), _full((D, D)), _full((D, D)), _full((D, D)),
                  _full((1, D)), _full((D, D)), _full((1, D))],
        out_specs=[blk(nb, D), blk(nb, D), blk(nb, D), blk(nb, 1),
                   _full((1, D)), _full((1, D))],
        out_shape=[
            jax.ShapeDtypeStruct((N, D), jnp.float32),
            jax.ShapeDtypeStruct((N, D), jnp.float32),
            jax.ShapeDtypeStruct((N, D), jnp.float32),
            jax.ShapeDtypeStruct((N, 1), jnp.float32),
            jax.ShapeDtypeStruct((1, D), jnp.float32),
            jax.ShapeDtypeStruct((1, D), jnp.float32),
        ],
    )(nf, seg0, seg1, degc, in_w, nloop_w, src_w, dst_w, nbias2, nw1, nb12)


def _edge_pass1(ef, dg, ce, sg, eloop_w, src_w, dst_w, ebias2, ew1, eb12):
    E, D = ef.shape
    be = 1280
    grid = E // be

    def body(ef_r, dg_r, ce_r, sg_r, eloop_r, src_w_r, dst_w_r, ebias_r,
             ew1_r, eb1_r, h_o, s1_o, s2_o):
        a = jnp.dot(ef_r[...], eloop_r[...], preferred_element_type=jnp.float32)
        b = jnp.dot(ef_r[...], src_w_r[...] - dst_w_r[...],
                    preferred_element_type=jnp.float32)
        pre = a + ce_r[...] * b + dg_r[...] - sg_r[...] + ebias_r[...]
        h = jnp.dot(pre, ew1_r[...], preferred_element_type=jnp.float32) + eb1_r[...]
        h_o[...] = h
        p1 = jnp.sum(h, axis=0, keepdims=True)
        p2 = jnp.sum(h * h, axis=0, keepdims=True)

        @pl.when(pl.program_id(0) == 0)
        def _():
            s1_o[...] = p1
            s2_o[...] = p2

        @pl.when(pl.program_id(0) > 0)
        def _():
            s1_o[...] += p1
            s2_o[...] += p2

    blk = lambda *shape: pl.BlockSpec(shape, lambda i: (i,) + (0,) * (len(shape) - 1))
    return pl.pallas_call(
        body,
        grid=(grid,),
        in_specs=[blk(be, D), blk(be, D), blk(be, 1), blk(be, D),
                  _full((D, D)), _full((D, D)), _full((D, D)),
                  _full((1, D)), _full((D, D)), _full((1, D))],
        out_specs=[blk(be, D), _full((1, D)), _full((1, D))],
        out_shape=[
            jax.ShapeDtypeStruct((E, D), jnp.float32),
            jax.ShapeDtypeStruct((1, D), jnp.float32),
            jax.ShapeDtypeStruct((1, D), jnp.float32),
        ],
    )(ef, dg, ce, sg, eloop_w, src_w, dst_w, ebias2, ew1, eb12)


def _pass2(h, scale, shift, w2, b22, rows_per_block):
    M, D = h.shape
    grid = M // rows_per_block

    def body(h_r, scale_r, shift_r, w2_r, b2_r, o_r):
        x = h_r[...] * scale_r[...] + shift_r[...]
        x = jnp.where(x >= 0, x, x * _LEAK)
        o_r[...] = jnp.dot(x, w2_r[...], preferred_element_type=jnp.float32) + b2_r[...]

    blk = lambda *shape: pl.BlockSpec(shape, lambda i: (i,) + (0,) * (len(shape) - 1))
    return pl.pallas_call(
        body,
        grid=(grid,),
        in_specs=[blk(rows_per_block, D), _full((1, D)), _full((1, D)),
                  _full((D, D)), _full((1, D))],
        out_specs=blk(rows_per_block, D),
        out_shape=jax.ShapeDtypeStruct((M, D), jnp.float32),
    )(h, scale, shift, w2, b22)


def _bn_coeffs(s1, s2, gamma, beta, count):
    mu = s1 / count
    var = s2 / count - mu * mu
    scale = gamma.reshape(1, -1) / jnp.sqrt(var + _EPS)
    shift = beta.reshape(1, -1) - mu * scale
    return scale, shift




def kernel(node_feat, edge_feat, edge_index, in_w, out_w, src_w, dst_w,
           nloop_w, eloop_w, nbias, ebias,
           nw1, nb1, ngamma, nbeta, nw2, nb2,
           ew1, eb1, egamma, ebeta, ew2, eb2):
    N, D = node_feat.shape
    E = edge_feat.shape[0]
    src = edge_index[0]
    dst = edge_index[1]

    seg = jax.ops.segment_sum(edge_feat, dst, num_segments=N)
    zseg = jnp.zeros((N, D), jnp.float32)
    degc = jax.ops.segment_sum(jnp.ones((E,), jnp.float32), src,
                               num_segments=N).reshape(N, 1)

    h_n, ps, pd, coef, ns1, ns2 = _node_pass1(
        node_feat, seg, zseg, degc,
        in_w, nloop_w, src_w, dst_w,
        nbias.reshape(1, D), nw1, nb1.reshape(1, D))

    nscale, nshift = _bn_coeffs(ns1, ns2, ngamma, nbeta, float(N))
    nout = _pass2(h_n, nscale, nshift, nw2, nb2.reshape(1, D), 2000)

    dg, ce, sg = _sc_gather(pd, coef[:, 0], ps, dst, src)

    h_e, es1, es2 = _edge_pass1(edge_feat, dg, ce.reshape(E, 1), sg,
                                eloop_w, src_w, dst_w,
                                ebias.reshape(1, D), ew1, eb1.reshape(1, D))
    escale, eshift = _bn_coeffs(es1, es2, egamma, ebeta, float(E))
    eout = _pass2(h_e, escale, eshift, ew2, eb2.reshape(1, D), 1280)

    return (nout, eout)

# --- scband reference (transcript-rebuilt; emitter-appended) ---
"""Pipeline reference for scband-dual-graph-conv-71021579206977 (READ-ONLY COPY).

The authoritative reference and input builder live on the scoring server;
editing this copy changes nothing except your own understanding.
"""

import jax, jax.numpy as jnp
import numpy as np

N, E, D, H = 10000, 320000, 128, 128


def _leaky(x):
    return jnp.where(x >= 0, x, x * (1.0 / 5.5))


def _bn(x, gamma, beta, eps=1e-5):
    mu = jnp.mean(x, axis=0, keepdims=True)
    var = jnp.var(x, axis=0, keepdims=True)
    return (x - mu) / jnp.sqrt(var + eps) * gamma + beta


def _mlp(x, w1, b1, gamma, beta, w2, b2):
    h = x @ w1 + b1
    h = _bn(h, gamma, beta)
    h = _leaky(h)
    return h @ w2 + b2


def setup_inputs(seed: int = 0) -> dict:
    key = jax.random.key(seed)
    ks = jax.random.split(key, 24)
    s = float(np.sqrt(6.0 / (D + H)))  # xavier_uniform bound
    def xav(k, div=1.0):
        return jax.random.uniform(k, (D, H), jnp.float32, -s, s) / div
    inp = {
        'node_feat': jax.random.normal(ks[0], (N, D), jnp.float32),
        'edge_feat': jax.random.normal(ks[1], (E, D), jnp.float32),
        'edge_index': jax.random.randint(ks[2], (2, E), 0, N),
        'in_w': xav(ks[3], 4.0),
        'out_w': xav(ks[4], 4.0),
        'src_w': xav(ks[5], 4.0),
        'dst_w': xav(ks[6], 4.0),
        'nloop_w': xav(ks[7], 4.0),
        'eloop_w': xav(ks[8], 4.0),
        'nbias': jnp.zeros((H,), jnp.float32),
        'ebias': jnp.zeros((H,), jnp.float32),
        'nw1': jax.random.uniform(ks[9], (H, H), jnp.float32, -s, s),
        'nb1': jnp.zeros((H,), jnp.float32),
        'ngamma': jnp.ones((H,), jnp.float32),
        'nbeta': jnp.zeros((H,), jnp.float32),
        'nw2': jax.random.uniform(ks[10], (H, H), jnp.float32, -s, s),
        'nb2': jnp.zeros((H,), jnp.float32),
        'ew1': jax.random.uniform(ks[11], (H, H), jnp.float32, -s, s),
        'eb1': jnp.zeros((H,), jnp.float32),
        'egamma': jnp.ones((H,), jnp.float32),
        'ebeta': jnp.zeros((H,), jnp.float32),
        'ew2': jax.random.uniform(ks[12], (H, H), jnp.float32, -s, s),
        'eb2': jnp.zeros((H,), jnp.float32),
    }
    return inp


def reference(node_feat, edge_feat, edge_index, in_w, out_w, src_w, dst_w,
              nloop_w, eloop_w, nbias, ebias,
              nw1, nb1, ngamma, nbeta, nw2, nb2,
              ew1, eb1, egamma, ebeta, ew2, eb2):
    src = edge_index[0]
    dst = edge_index[1]
    # out_degrees per node (count of edges with node as src)
    out_deg = jax.ops.segment_sum(jnp.ones((E,), jnp.float32), src, num_segments=N)
    src_h = jnp.take(node_feat, src, axis=0)
    dst_h = jnp.take(node_feat, dst, axis=0)
    # message func (no is_rev, no norm)
    edge_msg = dst_h @ dst_w - src_h @ src_w          # stored as edata['agg']
    node_msg = -(edge_feat @ in_w)
    # reduce: sum messages into dst nodes
    agg = jax.ops.segment_sum(node_msg, dst, num_segments=N)
    # node update
    nout = node_feat @ nloop_w + agg + nbias
    nout = _mlp(nout, nw1, nb1, ngamma, nbeta, nw2, nb2)
    # edge update
    d = jnp.take(out_deg, dst, axis=0)[:, None]
    d = jnp.log2(1.0 + d)
    add = 2.0 * (1.0 + d) * (edge_feat @ (src_w - dst_w))
    eout = edge_feat @ eloop_w + edge_msg + add + ebias
    eout = _mlp(eout, ew1, eb1, egamma, ebeta, ew2, eb2)
    return (nout, eout)

if __name__ == "__main__":
    import jax
    _d = setup_inputs()
    print(jax.jit(kernel)(*tuple(_d.values())))

</pallas_src>

<mosaic_0001>
#map = affine_map<(d0, d1) -> (0, 0)>
#map1 = affine_map<(d0, d1) -> (0)>
module attributes {stable_mosaic.version = 14 : i64} {
  func.func @k(%arg0: i32, %arg1: i32, %arg2: memref<10000x128xf32, #tpu.memory_space<hbm>>, %arg3: memref<10000xf32, #tpu.memory_space<hbm>>, %arg4: memref<10000x128xf32, #tpu.memory_space<hbm>>, %arg5: memref<320000xi32, #tpu.memory_space<hbm>>, %arg6: memref<320000xi32, #tpu.memory_space<hbm>>, %arg7: memref<320000x128xf32, #tpu.memory_space<hbm>>, %arg8: memref<320000xf32, #tpu.memory_space<hbm>>, %arg9: memref<320000x128xf32, #tpu.memory_space<hbm>>, %arg10: memref<80xi32, #tpu.memory_space<vmem>>, %arg11: memref<80xi32, #tpu.memory_space<vmem>>, %arg12: memref<80x128xf32, #tpu.memory_space<vmem>>, %arg13: memref<80xf32, #tpu.memory_space<vmem>>, %arg14: memref<80x128xf32, #tpu.memory_space<vmem>>, %arg15: memref<10000xf32, #tpu.memory_space<vmem>>, %arg16: memref<!tpu.dma_semaphore, #tpu.memory_space<semaphore_mem>>, %arg17: memref<!tpu.dma_semaphore, #tpu.memory_space<semaphore_mem>>) attributes {dimension_semantics = [#tpu.dimension_semantics<core_parallel>, #tpu.dimension_semantics<subcore_parallel>], iteration_bounds = array<i64: 2, 16>, scalar_prefetch = 0 : i64, scratch_operands = 8 : i64, tpu.core_type = #tpu.core_type<sc_vector_subcore>, window_params = [{transform_indices = #map}, {transform_indices = #map1}, {transform_indices = #map}, {transform_indices = #map1}, {transform_indices = #map1}, {transform_indices = #map}, {transform_indices = #map1}, {transform_indices = #map}]} {
    %mul3A = arith.constant 2 : i32
    %mul3A_0 = arith.muli %arg1, %mul3A : i32
    %add3A = arith.addi %mul3A_0, %arg0 : i32
    "tpu.region"() ({
      %run_scoped3A = tpu.sem_alloc : memref<!tpu.dma_semaphore, #tpu.memory_space<semaphore_mem>>
      tpu.enqueue_dma source(%arg3 : memref<10000xf32, #tpu.memory_space<hbm>>) target(%arg15 : memref<10000xf32, #tpu.memory_space<vmem>>) target_semaphore(%run_scoped3A : memref<!tpu.dma_semaphore, #tpu.memory_space<semaphore_mem>>)
      tpu.wait_dma2 semaphore(%run_scoped3A : memref<!tpu.dma_semaphore, #tpu.memory_space<semaphore_mem>>) src(%arg3 : memref<10000xf32, #tpu.memory_space<hbm>>) dst(%arg15 : memref<10000xf32, #tpu.memory_space<vmem>>)
      tpu.yield
    }) : () -> ()
    %scan3A = arith.constant 0 : i32
    %scan3A_1 = arith.constant 125 : i32
    %scan3A_2 = arith.addi %scan3A, %scan3A_1 : i32
    %scan3A_3 = arith.constant 1 : i32
    scf.for %scan3A_5 = %scan3A to %scan3A_2 step %scan3A_3  : i32 {
      %mul3A_6 = arith.constant 1 : i32
      %mul3A_7 = arith.muli %scan3A_5, %mul3A_6 : i32
      %add3A_8 = arith.constant 0 : i32
      %add3A_9 = arith.addi %add3A_8, %mul3A_7 : i32
      %mul3A_10 = arith.constant 10000 : i32
      %mul3A_11 = arith.muli %add3A, %mul3A_10 : i32
      %mul3A_12 = arith.constant 80 : i32
      %mul3A_13 = arith.muli %add3A_9, %mul3A_12 : i32
      %add3A_14 = arith.addi %mul3A_11, %mul3A_13 : i32
      "tpu.region"() ({
        %run_scoped3A = tpu.sem_alloc : memref<!tpu.dma_semaphore, #tpu.memory_space<semaphore_mem>>
        %dma_start3A_30 = tpu.memref_slice %arg5[%add3A_14] : memref<320000xi32, #tpu.memory_space<hbm>> -> memref<80xi32, #tpu.memory_space<hbm>>
        %dma_start3A_31 = tpu.memref_slice %arg5[%add3A_14] : memref<320000xi32, #tpu.memory_space<hbm>> -> memref<80xi32, #tpu.memory_space<hbm>>
        tpu.enqueue_dma source(%dma_start3A_31 : memref<80xi32, #tpu.memory_space<hbm>>) target(%arg10 : memref<80xi32, #tpu.memory_space<vmem>>) target_semaphore(%run_scoped3A : memref<!tpu.dma_semaphore, #tpu.memory_space<semaphore_mem>>)
        %dma_wait3A_32 = tpu.memref_slice %arg5[%add3A_14] : memref<320000xi32, #tpu.memory_space<hbm>> -> memref<80xi32, #tpu.memory_space<hbm>>
        %dma_wait3A_33 = tpu.memref_slice %arg5[%add3A_14] : memref<320000xi32, #tpu.memory_space<hbm>> -> memref<80xi32, #tpu.memory_space<hbm>>
        tpu.wait_dma2 semaphore(%run_scoped3A : memref<!tpu.dma_semaphore, #tpu.memory_space<semaphore_mem>>) src(%dma_wait3A_33 : memref<80xi32, #tpu.memory_space<hbm>>) dst(%arg10 : memref<80xi32, #tpu.memory_space<vmem>>)
        tpu.yield
      }) : () -> ()
      "tpu.region"() ({
        %run_scoped3A = tpu.sem_alloc : memref<!tpu.dma_semaphore, #tpu.memory_space<semaphore_mem>>
        %dma_start3A_30 = tpu.memref_slice %arg6[%add3A_14] : memref<320000xi32, #tpu.memory_space<hbm>> -> memref<80xi32, #tpu.memory_space<hbm>>
        %dma_start3A_31 = tpu.memref_slice %arg6[%add3A_14] : memref<320000xi32, #tpu.memory_space<hbm>> -> memref<80xi32, #tpu.memory_space<hbm>>
        tpu.enqueue_dma source(%dma_start3A_31 : memref<80xi32, #tpu.memory_space<hbm>>) target(%arg11 : memref<80xi32, #tpu.memory_space<vmem>>) target_semaphore(%run_scoped3A : memref<!tpu.dma_semaphore, #tpu.memory_space<semaphore_mem>>)
        %dma_wait3A_32 = tpu.memref_slice %arg6[%add3A_14] : memref<320000xi32, #tpu.memory_space<hbm>> -> memref<80xi32, #tpu.memory_space<hbm>>
        %dma_wait3A_33 = tpu.memref_slice %arg6[%add3A_14] : memref<320000xi32, #tpu.memory_space<hbm>> -> memref<80xi32, #tpu.memory_space<hbm>>
        tpu.wait_dma2 semaphore(%run_scoped3A : memref<!tpu.dma_semaphore, #tpu.memory_space<semaphore_mem>>) src(%dma_wait3A_33 : memref<80xi32, #tpu.memory_space<hbm>>) dst(%arg11 : memref<80xi32, #tpu.memory_space<vmem>>)
        tpu.yield
      }) : () -> ()
      %dma_start3A = arith.constant 0 : i32
      %dma_start3A_15 = arith.constant 0 : i32
      %dma_start3A_16 = tpu.memref_slice %arg2[%dma_start3A, %dma_start3A_15] : memref<10000x128xf32, #tpu.memory_space<hbm>> -> memref<10000x128xf32, #tpu.memory_space<hbm>>
      tpu.enqueue_indirect_dma source(%dma_start3A_16 : memref<10000x128xf32, #tpu.memory_space<hbm>>) target(%arg12 : memref<80x128xf32, #tpu.memory_space<vmem>>) offsets(%arg10 : memref<80xi32, #tpu.memory_space<vmem>>) semaphore(%arg16 : memref<!tpu.dma_semaphore, #tpu.memory_space<semaphore_mem>>)
      %dma_start3A_17 = arith.constant 0 : i32
      %dma_start3A_18 = arith.constant 0 : i32
      %dma_start3A_19 = tpu.memref_slice %arg4[%dma_start3A_17, %dma_start3A_18] : memref<10000x128xf32, #tpu.memory_space<hbm>> -> memref<10000x128xf32, #tpu.memory_space<hbm>>
      tpu.enqueue_indirect_dma source(%dma_start3A_19 : memref<10000x128xf32, #tpu.memory_space<hbm>>) target(%arg14 : memref<80x128xf32, #tpu.memory_space<vmem>>) offsets(%arg11 : memref<80xi32, #tpu.memory_space<vmem>>) semaphore(%arg17 : memref<!tpu.dma_semaphore, #tpu.memory_space<semaphore_mem>>)
      %scan3A_20 = arith.constant 0 : i32
      %scan3A_21 = arith.constant 5 : i32
      %scan3A_22 = arith.addi %scan3A_20, %scan3A_21 : i32
      %scan3A_23 = arith.constant 1 : i32
      scf.for %scan3A_30 = %scan3A_20 to %scan3A_22 step %scan3A_23  : i32 {
        %mul3A_31 = arith.constant 1 : i32
        %mul3A_32 = arith.muli %scan3A_30, %mul3A_31 : i32
        %add3A_33 = arith.constant 0 : i32
        %add3A_34 = arith.addi %add3A_33, %mul3A_32 : i32
        %mul3A_35 = arith.constant 16 : i32
        %mul3A_36 = arith.muli %add3A_34, %mul3A_35 : i32
        %get3A = arith.index_cast %mul3A_36 : i32 to index
        %get3A_37 = tpu.vector_load %arg10[%get3A] {strides = array<i32>} : memref<80xi32, #tpu.memory_space<vmem>>, vector<16xi32>,
        %gather3A = tpu.vector_load_idx %arg15[%get3A_37] : memref<10000xf32, #tpu.memory_space<vmem>>[vector<16xi32>], vector<16xf32>,
        %mul3A_38 = arith.constant 16 : i32
        %mul3A_39 = arith.muli %add3A_34, %mul3A_38 : i32
        %swap3A = arith.index_cast %mul3A_39 : i32 to index
        %swap3A_40 = tpu.vector_load %arg13[%swap3A] {strides = array<i32>} : memref<80xf32, #tpu.memory_space<vmem>>, vector<16xf32>,
        tpu.vector_store %arg13[%swap3A], %gather3A {strides = array<i32>} : memref<80xf32, #tpu.memory_space<vmem>>, vector<16xf32>,
      }
      %scan3A_24 = arith.constant 5 : i32
      %dma_wait3A = arith.constant 0 : i32
      %dma_wait3A_25 = arith.constant 0 : i32
      %dma_wait3A_26 = tpu.memref_slice %arg2[%dma_wait3A, %dma_wait3A_25] : memref<10000x128xf32, #tpu.memory_space<hbm>> -> memref<10000x128xf32, #tpu.memory_space<hbm>>
      tpu.wait_indirect_dma semaphore(%arg16 : memref<!tpu.dma_semaphore, #tpu.memory_space<semaphore_mem>>) src(%dma_wait3A_26 : memref<10000x128xf32, #tpu.memory_space<hbm>>) dst(%arg12 : memref<80x128xf32, #tpu.memory_space<vmem>>)
      %dma_wait3A_27 = arith.constant 0 : i32
      %dma_wait3A_28 = arith.constant 0 : i32
      %dma_wait3A_29 = tpu.memref_slice %arg4[%dma_wait3A_27, %dma_wait3A_28] : memref<10000x128xf32, #tpu.memory_space<hbm>> -> memref<10000x128xf32, #tpu.memory_space<hbm>>
      tpu.wait_indirect_dma semaphore(%arg17 : memref<!tpu.dma_semaphore, #tpu.memory_space<semaphore_mem>>) src(%dma_wait3A_29 : memref<10000x128xf32, #tpu.memory_space<hbm>>) dst(%arg14 : memref<80x128xf32, #tpu.memory_space<vmem>>)
      "tpu.region"() ({
        %run_scoped3A = tpu.sem_alloc : memref<!tpu.dma_semaphore, #tpu.memory_space<semaphore_mem>>
        %dma_start3A_30 = arith.constant 0 : i32
        %dma_start3A_31 = tpu.memref_slice %arg7[%add3A_14, %dma_start3A_30] : memref<320000x128xf32, #tpu.memory_space<hbm>> -> memref<80x128xf32, #tpu.memory_space<hbm>>
        %dma_start3A_32 = arith.constant 0 : i32
        %dma_start3A_33 = tpu.memref_slice %arg7[%add3A_14, %dma_start3A_32] : memref<320000x128xf32, #tpu.memory_space<hbm>> -> memref<80x128xf32, #tpu.memory_space<hbm>>
        tpu.enqueue_dma source(%arg12 : memref<80x128xf32, #tpu.memory_space<vmem>>) target(%dma_start3A_33 : memref<80x128xf32, #tpu.memory_space<hbm>>) target_semaphore(%run_scoped3A : memref<!tpu.dma_semaphore, #tpu.memory_space<semaphore_mem>>)
        %dma_wait3A_34 = arith.constant 0 : i32
        %dma_wait3A_35 = tpu.memref_slice %arg7[%add3A_14, %dma_wait3A_34] : memref<320000x128xf32, #tpu.memory_space<hbm>> -> memref<80x128xf32, #tpu.memory_space<hbm>>
        %dma_wait3A_36 = arith.constant 0 : i32
        %dma_wait3A_37 = tpu.memref_slice %arg7[%add3A_14, %dma_wait3A_36] : memref<320000x128xf32, #tpu.memory_space<hbm>> -> memref<80x128xf32, #tpu.memory_space<hbm>>
        tpu.wait_dma2 semaphore(%run_scoped3A : memref<!tpu.dma_semaphore, #tpu.memory_space<semaphore_mem>>) src(%arg12 : memref<80x128xf32, #tpu.memory_space<vmem>>) dst(%dma_wait3A_37 : memref<80x128xf32, #tpu.memory_space<hbm>>)
        tpu.yield
      }) : () -> ()
      "tpu.region"() ({
        %run_scoped3A = tpu.sem_alloc : memref<!tpu.dma_semaphore, #tpu.memory_space<semaphore_mem>>
        %dma_start3A_30 = tpu.memref_slice %arg8[%add3A_14] : memref<320000xf32, #tpu.memory_space<hbm>> -> memref<80xf32, #tpu.memory_space<hbm>>
        %dma_start3A_31 = tpu.memref_slice %arg8[%add3A_14] : memref<320000xf32, #tpu.memory_space<hbm>> -> memref<80xf32, #tpu.memory_space<hbm>>
        tpu.enqueue_dma source(%arg13 : memref<80xf32, #tpu.memory_space<vmem>>) target(%dma_start3A_31 : memref<80xf32, #tpu.memory_space<hbm>>) target_semaphore(%run_scoped3A : memref<!tpu.dma_semaphore, #tpu.memory_space<semaphore_mem>>)
        %dma_wait3A_32 = tpu.memref_slice %arg8[%add3A_14] : memref<320000xf32, #tpu.memory_space<hbm>> -> memref<80xf32, #tpu.memory_space<hbm>>
        %dma_wait3A_33 = tpu.memref_slice %arg8[%add3A_14] : memref<320000xf32, #tpu.memory_space<hbm>> -> memref<80xf32, #tpu.memory_space<hbm>>
        tpu.wait_dma2 semaphore(%run_scoped3A : memref<!tpu.dma_semaphore, #tpu.memory_space<semaphore_mem>>) src(%arg13 : memref<80xf32, #tpu.memory_space<vmem>>) dst(%dma_wait3A_33 : memref<80xf32, #tpu.memory_space<hbm>>)
        tpu.yield
      }) : () -> ()
      "tpu.region"() ({
        %run_scoped3A = tpu.sem_alloc : memref<!tpu.dma_semaphore, #tpu.memory_space<semaphore_mem>>
        %dma_start3A_30 = arith.constant 0 : i32
        %dma_start3A_31 = tpu.memref_slice %arg9[%add3A_14, %dma_start3A_30] : memref<320000x128xf32, #tpu.memory_space<hbm>> -> memref<80x128xf32, #tpu.memory_space<hbm>>
        %dma_start3A_32 = arith.constant 0 : i32
        %dma_start3A_33 = tpu.memref_slice %arg9[%add3A_14, %dma_start3A_32] : memref<320000x128xf32, #tpu.memory_space<hbm>> -> memref<80x128xf32, #tpu.memory_space<hbm>>
        tpu.enqueue_dma source(%arg14 : memref<80x128xf32, #tpu.memory_space<vmem>>) target(%dma_start3A_33 : memref<80x128xf32, #tpu.memory_space<hbm>>) target_semaphore(%run_scoped3A : memref<!tpu.dma_semaphore, #tpu.memory_space<semaphore_mem>>)
        %dma_wait3A_34 = arith.constant 0 : i32
        %dma_wait3A_35 = tpu.memref_slice %arg9[%add3A_14, %dma_wait3A_34] : memref<320000x128xf32, #tpu.memory_space<hbm>> -> memref<80x128xf32, #tpu.memory_space<hbm>>
        %dma_wait3A_36 = arith.constant 0 : i32
        %dma_wait3A_37 = tpu.memref_slice %arg9[%add3A_14, %dma_wait3A_36] : memref<320000x128xf32, #tpu.memory_space<hbm>> -> memref<80x128xf32, #tpu.memory_space<hbm>>
        tpu.wait_dma2 semaphore(%run_scoped3A : memref<!tpu.dma_semaphore, #tpu.memory_space<semaphore_mem>>) src(%arg14 : memref<80x128xf32, #tpu.memory_space<vmem>>) dst(%dma_wait3A_37 : memref<80x128xf32, #tpu.memory_space<hbm>>)
        tpu.yield
      }) : () -> ()
    }
    %scan3A_4 = arith.constant 125 : i32
    return
  }
}

module attributes {stable_mosaic.version = 14 : i64} {
  func.func @body(%arg0: i32, %arg1: memref<2000x128xf32, #tpu.memory_space<vmem>>, %arg2: memref<2000x128xf32, #tpu.memory_space<vmem>>, %arg3: memref<2000x128xf32, #tpu.memory_space<vmem>>, %arg4: memref<2000x1xf32, #tpu.memory_space<vmem>>, %arg5: memref<128x128xf32, #tpu.memory_space<vmem>>, %arg6: memref<128x128xf32, #tpu.memory_space<vmem>>, %arg7: memref<128x128xf32, #tpu.memory_space<vmem>>, %arg8: memref<128x128xf32, #tpu.memory_space<vmem>>, %arg9: memref<1x128xf32, #tpu.memory_space<vmem>>, %arg10: memref<128x128xf32, #tpu.memory_space<vmem>>, %arg11: memref<1x128xf32, #tpu.memory_space<vmem>>, %arg12: memref<2000x128xf32, #tpu.memory_space<vmem>>, %arg13: memref<2000x128xf32, #tpu.memory_space<vmem>>, %arg14: memref<2000x128xf32, #tpu.memory_space<vmem>>, %arg15: memref<2000x1xf32, #tpu.memory_space<vmem>>, %arg16: memref<1x128xf32, #tpu.memory_space<vmem>>, %arg17: memref<1x128xf32, #tpu.memory_space<vmem>>) attributes {dimension_semantics = [#tpu.dimension_semantics<arbitrary>], iteration_bounds = array<i64: 5>, scalar_prefetch = 0 : i64, scratch_operands = 0 : i64, tpu.core_type = #tpu.core_type<tc>, window_params = [{transform_indices = @transform_0, window_bounds = array<i64: 2000, 128>}, {transform_indices = @transform_1, window_bounds = array<i64: 2000, 128>}, {transform_indices = @transform_2, window_bounds = array<i64: 2000, 128>}, {transform_indices = @transform_3, window_bounds = array<i64: 2000, 1>}, {pipeline_mode = #tpu.pipeline_mode<synchronous>, transform_indices = @transform_4, window_bounds = array<i64: 128, 128>}, {pipeline_mode = #tpu.pipeline_mode<synchronous>, transform_indices = @transform_5, window_bounds = array<i64: 128, 128>}, {pipeline_mode = #tpu.pipeline_mode<synchronous>, transform_indices = @transform_6, window_bounds = array<i64: 128, 128>}, {pipeline_mode = #tpu.pipeline_mode<synchronous>, transform_indices = @transform_7, window_bounds = array<i64: 128, 128>}, {pipeline_mode = #tpu.pipeline_mode<synchronous>, transform_indices = @transform_8, window_bounds = array<i64: 1, 128>}, {pipeline_mode = #tpu.pipeline_mode<synchronous>, transform_indices = @transform_9, window_bounds = array<i64: 128, 128>}, {pipeline_mode = #tpu.pipeline_mode<synchronous>, transform_indices = @transform_10, window_bounds = array<i64: 1, 128>}, {transform_indices = @transform_11, window_bounds = array<i64: 2000, 128>}, {transform_indices = @transform_12, window_bounds = array<i64: 2000, 128>}, {transform_indices = @transform_13, window_bounds = array<i64: 2000, 128>}, {transform_indices = @transform_14, window_bounds = array<i64: 2000, 1>}, {pipeline_mode = #tpu.pipeline_mode<synchronous>, transform_indices = @transform_15, window_bounds = array<i64: 1, 128>}, {pipeline_mode = #tpu.pipeline_mode<synchronous>, transform_indices = @transform_16, window_bounds = array<i64: 1, 128>}]} {
    %get3A = arith.constant 0 : index
    %get3A_0 = arith.constant 0 : index
    %get3A_1 = vector.load %arg2[%get3A, %get3A_0] : memref<2000x128xf32, #tpu.memory_space<vmem>>, vector<2000x128xf32>
    %get3A_2 = arith.constant 0 : index
    %get3A_3 = arith.constant 0 : index
    %get3A_4 = vector.load %arg3[%get3A_2, %get3A_3] : memref<2000x128xf32, #tpu.memory_space<vmem>>, vector<2000x128xf32>
    %add3A = arith.addf %get3A_1, %get3A_4 : vector<2000x128xf32>
    %get3A_5 = arith.constant 0 : index
    %get3A_6 = arith.constant 0 : index
    %get3A_7 = vector.load %arg1[%get3A_5, %get3A_6] : memref<2000x128xf32, #tpu.memory_space<vmem>>, vector<2000x128xf32>
    %get3A_8 = arith.constant 0 : index
    %get3A_9 = arith.constant 0 : index
    %get3A_10 = vector.load %arg6[%get3A_8, %get3A_9] : memref<128x128xf32, #tpu.memory_space<vmem>>, vector<128x128xf32>
    %dot_general3A = arith.constant dense<0.000000e+00> : vector<2000x128xf32>
    %dot_general3A_11 = tpu.matmul %get3A_7, %get3A_10, %dot_general3A {dimension_numbers = #tpu.dot_dimension_numbers<[1], [0], [0], [1], [0, 0, 1, 1], [], []>, transpose_lhs_hint = false} : vector<2000x128xf32>, vector<128x128xf32>, vector<2000x128xf32> -> vector<2000x128xf32>
    %get3A_12 = arith.constant 0 : index
    %get3A_13 = arith.constant 0 : index
    %get3A_14 = vector.load %arg5[%get3A_12, %get3A_13] : memref<128x128xf32, #tpu.memory_space<vmem>>, vector<128x128xf32>
    %dot_general3A_15 = arith.constant dense<0.000000e+00> : vector<2000x128xf32>
    %dot_general3A_16 = tpu.matmul %add3A, %get3A_14, %dot_general3A_15 {dimension_numbers = #tpu.dot_dimension_numbers<[1], [0], [0], [1], [0, 0, 1, 1], [], []>, transpose_lhs_hint = false} : vector<2000x128xf32>, vector<128x128xf32>, vector<2000x128xf32> -> vector<2000x128xf32>
    %sub3A = arith.subf %dot_general3A_11, %dot_general3A_16 : vector<2000x128xf32>
    %get3A_17 = arith.constant 0 : index
    %get3A_18 = arith.constant 0 : index
    %get3A_19 = vector.load %arg9[%get3A_17, %get3A_18] : memref<1x128xf32, #tpu.memory_space<vmem>>, vector<1x128xf32>
    %add3A_20 = vector.broadcast %get3A_19 : vector<1x128xf32> to vector<2000x128xf32>
    %add3A_21 = arith.addf %sub3A, %add3A_20 : vector<2000x128xf32>
    %get3A_22 = arith.constant 0 : index
    %get3A_23 = arith.constant 0 : index
    %get3A_24 = vector.load %arg10[%get3A_22, %get3A_23] : memref<128x128xf32, #tpu.memory_space<vmem>>, vector<128x128xf32>
    %dot_general3A_25 = arith.constant dense<0.000000e+00> : vector<2000x128xf32>
    %dot_general3A_26 = tpu.matmul %add3A_21, %get3A_24, %dot_general3A_25 {dimension_numbers = #tpu.dot_dimension_numbers<[1], [0], [0], [1], [0, 0, 1, 1], [], []>, transpose_lhs_hint = false} : vector<2000x128xf32>, vector<128x128xf32>, vector<2000x128xf32> -> vector<2000x128xf32>
    %get3A_27 = arith.constant 0 : index
    %get3A_28 = arith.constant 0 : index
    %get3A_29 = vector.load %arg11[%get3A_27, %get3A_28] : memref<1x128xf32, #tpu.memory_space<vmem>>, vector<1x128xf32>
    %add3A_30 = vector.broadcast %get3A_29 : vector<1x128xf32> to vector<2000x128xf32>
    %add3A_31 = arith.addf %dot_general3A_26, %add3A_30 : vector<2000x128xf32>
    %swap3A = arith.constant 0 : index
    %swap3A_32 = arith.constant 0 : index
    %swap3A_33 = vector.load %arg12[%swap3A, %swap3A_32] : memref<2000x128xf32, #tpu.memory_space<vmem>>, vector<2000x128xf32>
    tpu.vector_store %arg12[%swap3A, %swap3A_32], %add3A_31 {strides = array<i32>} : memref<2000x128xf32, #tpu.memory_space<vmem>>, vector<2000x128xf32>,
    %get3A_34 = arith.constant 0 : index
    %get3A_35 = arith.constant 0 : index
    %get3A_36 = vector.load %arg1[%get3A_34, %get3A_35] : memref<2000x128xf32, #tpu.memory_space<vmem>>, vector<2000x128xf32>
    %get3A_37 = arith.constant 0 : index
    %get3A_38 = arith.constant 0 : index
    %get3A_39 = vector.load %arg7[%get3A_37, %get3A_38] : memref<128x128xf32, #tpu.memory_space<vmem>>, vector<128x128xf32>
    %dot_general3A_40 = arith.constant dense<0.000000e+00> : vector<2000x128xf32>
    %dot_general3A_41 = tpu.matmul %get3A_36, %get3A_39, %dot_general3A_40 {dimension_numbers = #tpu.dot_dimension_numbers<[1], [0], [0], [1], [0, 0, 1, 1], [], []>, transpose_lhs_hint = false} : vector<2000x128xf32>, vector<128x128xf32>, vector<2000x128xf32> -> vector<2000x128xf32>
    %swap3A_42 = arith.constant 0 : index
    %swap3A_43 = arith.constant 0 : index
    %swap3A_44 = vector.load %arg13[%swap3A_42, %swap3A_43] : memref<2000x128xf32, #tpu.memory_space<vmem>>, vector<2000x128xf32>
    tpu.vector_store %arg13[%swap3A_42, %swap3A_43], %dot_general3A_41 {strides = array<i32>} : memref<2000x128xf32, #tpu.memory_space<vmem>>, vector<2000x128xf32>,
    %get3A_45 = arith.constant 0 : index
    %get3A_46 = arith.constant 0 : index
    %get3A_47 = vector.load %arg1[%get3A_45, %get3A_46] : memref<2000x128xf32, #tpu.memory_space<vmem>>, vector<2000x128xf32>
    %get3A_48 = arith.constant 0 : index
    %get3A_49 = arith.constant 0 : index
    %get3A_50 = vector.load %arg8[%get3A_48, %get3A_49] : memref<128x128xf32, #tpu.memory_space<vmem>>, vector<128x128xf32>
    %dot_general3A_51 = arith.constant dense<0.000000e+00> : vector<2000x128xf32>
    %dot_general3A_52 = tpu.matmul %get3A_47, %get3A_50, %dot_general3A_51 {dimension_numbers = #tpu.dot_dimension_numbers<[1], [0], [0], [1], [0, 0, 1, 1], [], []>, transpose_lhs_hint = false} : vector<2000x128xf32>, vector<128x128xf32>, vector<2000x128xf32> -> vector<2000x128xf32>
    %swap3A_53 = arith.constant 0 : index
    %swap3A_54 = arith.constant 0 : index
    %swap3A_55 = vector.load %arg14[%swap3A_53, %swap3A_54] : memref<2000x128xf32, #tpu.memory_space<vmem>>, vector<2000x128xf32>
    tpu.vector_store %arg14[%swap3A_53, %swap3A_54], %dot_general3A_52 {strides = array<i32>} : memref<2000x128xf32, #tpu.memory_space<vmem>>, vector<2000x128xf32>,
    %get3A_56 = arith.constant 0 : index
    %get3A_57 = arith.constant 0 : index
    %get3A_58 = vector.load %arg4[%get3A_56, %get3A_57] : memref<2000x1xf32, #tpu.memory_space<vmem>>, vector<2000x1xf32>
    %add3A_59 = arith.constant 1.000000e+00 : f32
    %add3A_60 = vector.broadcast %add3A_59 : f32 to vector<2000x1xf32>
    %add3A_61 = arith.addf %add3A_60, %get3A_58 : vector<2000x1xf32>
    %log3A = math.log %add3A_61 : vector<2000x1xf32>
    %log3A_62 = arith.constant 2.000000e+00 : f32
    %log3A_63 = math.log %log3A_62 : f32
    %div3A = vector.broadcast %log3A_63 : f32 to vector<2000x1xf32>
    %div3A_64 = arith.divf %log3A, %div3A : vector<2000x1xf32>
    %add3A_65 = arith.constant 1.000000e+00 : f32
    %add3A_66 = vector.broadcast %add3A_65 : f32 to vector<2000x1xf32>
    %add3A_67 = arith.addf %add3A_66, %div3A_64 : vector<2000x1xf32>
    %mul3A = arith.constant 2.000000e+00 : f32
    %mul3A_68 = vector.broadcast %mul3A : f32 to vector<2000x1xf32>
    %mul3A_69 = arith.mulf %mul3A_68, %add3A_67 : vector<2000x1xf32>
    %swap3A_70 = arith.constant 0 : index
    %swap3A_71 = arith.constant 0 : index
    %swap3A_72 = vector.load %arg15[%swap3A_70, %swap3A_71] : memref<2000x1xf32, #tpu.memory_space<vmem>>, vector<2000x1xf32>
    tpu.vector_store %arg15[%swap3A_70, %swap3A_71], %mul3A_69 {strides = array<i32>} : memref<2000x1xf32, #tpu.memory_space<vmem>>, vector<2000x1xf32>,
    %reduce_sum3A = arith.constant dense<0.000000e+00> : vector<128xf32>
    %reduce_sum3A_73 = vector.multi_reduction <add>, %add3A_31, %reduce_sum3A [0] : vector<2000x128xf32> to vector<128xf32>
    %broadcast_in_dim3A = vector.shape_cast %reduce_sum3A_73 : vector<128xf32> to vector<1x128xf32>
    %mul3A_74 = arith.mulf %add3A_31, %add3A_31 : vector<2000x128xf32>
    %reduce_sum3A_75 = arith.constant dense<0.000000e+00> : vector<128xf32>
    %reduce_sum3A_76 = vector.multi_reduction <add>, %mul3A_74, %reduce_sum3A_75 [0] : vector<2000x128xf32> to vector<128xf32>
    %broadcast_in_dim3A_77 = vector.shape_cast %reduce_sum3A_76 : vector<128xf32> to vector<1x128xf32>
    %eq3A = arith.constant 0 : i32
    %eq3A_78 = arith.cmpi eq, %arg0, %eq3A : i32
    %convert_element_type3A = arith.extui %eq3A_78 : i1 to i32
    %cond3A = arith.constant 0 : i32
    %cond3A_79 = arith.cmpi ne, %convert_element_type3A, %cond3A : i32
    scf.if %cond3A_79 {
      %swap3A_84 = arith.constant 0 : index
      %swap3A_85 = arith.constant 0 : index
      %swap3A_86 = vector.load %arg16[%swap3A_84, %swap3A_85] : memref<1x128xf32, #tpu.memory_space<vmem>>, vector<1x128xf32>
      tpu.vector_store %arg16[%swap3A_84, %swap3A_85], %broadcast_in_dim3A {strides = array<i32>} : memref<1x128xf32, #tpu.memory_space<vmem>>, vector<1x128xf32>,
      %swap3A_87 = arith.constant 0 : index
      %swap3A_88 = arith.constant 0 : index
      %swap3A_89 = vector.load %arg17[%swap3A_87, %swap3A_88] : memref<1x128xf32, #tpu.memory_space<vmem>>, vector<1x128xf32>
      tpu.vector_store %arg17[%swap3A_87, %swap3A_88], %broadcast_in_dim3A_77 {strides = array<i32>} : memref<1x128xf32, #tpu.memory_space<vmem>>, vector<1x128xf32>,
    } else {
    }
    %gt3A = arith.constant 0 : i32
    %gt3A_80 = arith.cmpi sgt, %arg0, %gt3A : i32
    %convert_element_type3A_81 = arith.extui %gt3A_80 : i1 to i32
    %cond3A_82 = arith.constant 0 : i32
    %cond3A_83 = arith.cmpi ne, %convert_element_type3A_81, %cond3A_82 : i32
    scf.if %cond3A_83 {
      %get3A_84 = arith.constant 0 : index
      %get3A_85 = arith.constant 0 : index
      %get3A_86 = vector.load %arg16[%get3A_84, %get3A_85] : memref<1x128xf32, #tpu.memory_space<vmem>>, vector<1x128xf32>
      %add3A_87 = arith.addf %get3A_86, %broadcast_in_dim3A : vector<1x128xf32>
      %swap3A_88 = arith.constant 0 : index
      %swap3A_89 = arith.constant 0 : index
      %swap3A_90 = vector.load %arg16[%swap3A_88, %swap3A_89] : memref<1x128xf32, #tpu.memory_space<vmem>>, vector<1x128xf32>
      tpu.vector_store %arg16[%swap3A_88, %swap3A_89], %add3A_87 {strides = array<i32>} : memref<1x128xf32, #tpu.memory_space<vmem>>, vector<1x128xf32>,
      %get3A_91 = arith.constant 0 : index
      %get3A_92 = arith.constant 0 : index
      %get3A_93 = vector.load %arg17[%get3A_91, %get3A_92] : memref<1x128xf32, #tpu.memory_space<vmem>>, vector<1x128xf32>
      %add3A_94 = arith.addf %get3A_93, %broadcast_in_dim3A_77 : vector<1x128xf32>
      %swap3A_95 = arith.constant 0 : index
      %swap3A_96 = arith.constant 0 : index
      %swap3A_97 = vector.load %arg17[%swap3A_95, %swap3A_96] : memref<1x128xf32, #tpu.memory_space<vmem>>, vector<1x128xf32>
      tpu.vector_store %arg17[%swap3A_95, %swap3A_96], %add3A_94 {strides = array<i32>} : memref<1x128xf32, #tpu.memory_space<vmem>>, vector<1x128xf32>,
    } else {
    }
    return
  }
  func.func @transform_0(%arg0: i32) -> (i32, i32) {
    %c0_i32 = arith.constant 0 : i32
    %c0_i32_0 = arith.constant 0 : i32
    return %arg0, %c0_i32 : i32, i32
  }
  func.func @transform_1(%arg0: i32) -> (i32, i32) {
    %c0_i32 = arith.constant 0 : i32
    %c0_i32_0 = arith.constant 0 : i32
    return %arg0, %c0_i32 : i32, i32
  }
  func.func @transform_2(%arg0: i32) -> (i32, i32) {
    %c0_i32 = arith.constant 0 : i32
    %c0_i32_0 = arith.constant 0 : i32
    return %arg0, %c0_i32 : i32, i32
  }
  func.func @transform_3(%arg0: i32) -> (i32, i32) {
    %c0_i32 = arith.constant 0 : i32
    %c0_i32_0 = arith.constant 0 : i32
    return %arg0, %c0_i32 : i32, i32
  }
  func.func @transform_4(%arg0: i32) -> (i32, i32) {
    %c0_i32 = arith.constant 0 : i32
    %c0_i32_0 = arith.constant 0 : i32
    %c0_i32_1 = arith.constant 0 : i32
    return %c0_i32, %c0_i32_0 : i32, i32
  }
  func.func @transform_5(%arg0: i32) -> (i32, i32) {
    %c0_i32 = arith.constant 0 : i32
    %c0_i32_0 = arith.constant 0 : i32
    %c0_i32_1 = arith.constant 0 : i32
    return %c0_i32, %c0_i32_0 : i32, i32
  }
  func.func @transform_6(%arg0: i32) -> (i32, i32) {
    %c0_i32 = arith.constant 0 : i32
    %c0_i32_0 = arith.constant 0 : i32
    %c0_i32_1 = arith.constant 0 : i32
    return %c0_i32, %c0_i32_0 : i32, i32
  }
  func.func @transform_7(%arg0: i32) -> (i32, i32) {
    %c0_i32 = arith.constant 0 : i32
    %c0_i32_0 = arith.constant 0 : i32
    %c0_i32_1 = arith.constant 0 : i32
    return %c0_i32, %c0_i32_0 : i32, i32
  }
  func.func @transform_8(%arg0: i32) -> (i32, i32) {
    %c0_i32 = arith.constant 0 : i32
    %c0_i32_0 = arith.constant 0 : i32
    %c0_i32_1 = arith.constant 0 : i32
    return %c0_i32, %c0_i32_0 : i32, i32
  }
  func.func @transform_9(%arg0: i32) -> (i32, i32) {
    %c0_i32 = arith.constant 0 : i32
    %c0_i32_0 = arith.constant 0 : i32
    %c0_i32_1 = arith.constant 0 : i32
    return %c0_i32, %c0_i32_0 : i32, i32
  }
  func.func @transform_10(%arg0: i32) -> (i32, i32) {
    %c0_i32 = arith.constant 0 : i32
    %c0_i32_0 = arith.constant 0 : i32
    %c0_i32_1 = arith.constant 0 : i32
    return %c0_i32, %c0_i32_0 : i32, i32
  }
  func.func @transform_11(%arg0: i32) -> (i32, i32) {
    %c0_i32 = arith.constant 0 : i32
    %c0_i32_0 = arith.constant 0 : i32
    return %arg0, %c0_i32 : i32, i32
  }
  func.func @transform_12(%arg0: i32) -> (i32, i32) {
    %c0_i32 = arith.constant 0 : i32
    %c0_i32_0 = arith.constant 0 : i32
    return %arg0, %c0_i32 : i32, i32
  }
  func.func @transform_13(%arg0: i32) -> (i32, i32) {
    %c0_i32 = arith.constant 0 : i32
    %c0_i32_0 = arith.constant 0 : i32
    return %arg0, %c0_i32 : i32, i32
  }
  func.func @transform_14(%arg0: i32) -> (i32, i32) {
    %c0_i32 = arith.constant 0 : i32
    %c0_i32_0 = arith.constant 0 : i32
    return %arg0, %c0_i32 : i32, i32
  }
  func.func @transform_15(%arg0: i32) -> (i32, i32) {
    %c0_i32 = arith.constant 0 : i32
    %c0_i32_0 = arith.constant 0 : i32
    %c0_i32_1 = arith.constant 0 : i32
    return %c0_i32, %c0_i32_0 : i32, i32
  }
  func.func @transform_16(%arg0: i32) -> (i32, i32) {
    %c0_i32 = arith.constant 0 : i32
    %c0_i32_0 = arith.constant 0 : i32
    %c0_i32_1 = arith.constant 0 : i32
    return %c0_i32, %c0_i32_0 : i32, i32
  }
}

module attributes {stable_mosaic.version = 14 : i64} {
  func.func @body(%arg0: i32, %arg1: memref<2000x128xf32, #tpu.memory_space<vmem>>, %arg2: memref<1x128xf32, #tpu.memory_space<vmem>>, %arg3: memref<1x128xf32, #tpu.memory_space<vmem>>, %arg4: memref<128x128xf32, #tpu.memory_space<vmem>>, %arg5: memref<1x128xf32, #tpu.memory_space<vmem>>, %arg6: memref<2000x128xf32, #tpu.memory_space<vmem>>) attributes {dimension_semantics = [#tpu.dimension_semantics<arbitrary>], iteration_bounds = array<i64: 5>, scalar_prefetch = 0 : i64, scratch_operands = 0 : i64, tpu.core_type = #tpu.core_type<tc>, window_params = [{transform_indices = @transform_0, window_bounds = array<i64: 2000, 128>}, {pipeline_mode = #tpu.pipeline_mode<synchronous>, transform_indices = @transform_1, window_bounds = array<i64: 1, 128>}, {pipeline_mode = #tpu.pipeline_mode<synchronous>, transform_indices = @transform_2, window_bounds = array<i64: 1, 128>}, {pipeline_mode = #tpu.pipeline_mode<synchronous>, transform_indices = @transform_3, window_bounds = array<i64: 128, 128>}, {pipeline_mode = #tpu.pipeline_mode<synchronous>, transform_indices = @transform_4, window_bounds = array<i64: 1, 128>}, {transform_indices = @transform_5, window_bounds = array<i64: 2000, 128>}]} {
    %get3A = arith.constant 0 : index
    %get3A_0 = arith.constant 0 : index
    %get3A_1 = vector.load %arg1[%get3A, %get3A_0] : memref<2000x128xf32, #tpu.memory_space<vmem>>, vector<2000x128xf32>
    %get3A_2 = arith.constant 0 : index
    %get3A_3 = arith.constant 0 : index
    %get3A_4 = vector.load %arg2[%get3A_2, %get3A_3] : memref<1x128xf32, #tpu.memory_space<vmem>>, vector<1x128xf32>
    %mul3A = vector.broadcast %get3A_4 : vector<1x128xf32> to vector<2000x128xf32>
    %mul3A_5 = arith.mulf %get3A_1, %mul3A : vector<2000x128xf32>
    %get3A_6 = arith.constant 0 : index
    %get3A_7 = arith.constant 0 : index
    %get3A_8 = vector.load %arg3[%get3A_6, %get3A_7] : memref<1x128xf32, #tpu.memory_space<vmem>>, vector<1x128xf32>
    %add3A = vector.broadcast %get3A_8 : vector<1x128xf32> to vector<2000x128xf32>
    %add3A_9 = arith.addf %mul3A_5, %add3A : vector<2000x128xf32>
    %ge3A = arith.constant 0.000000e+00 : f32
    %ge3A_10 = vector.broadcast %ge3A : f32 to vector<2000x128xf32>
    %ge3A_11 = arith.cmpf oge, %add3A_9, %ge3A_10 : vector<2000x128xf32>
    %mul3A_12 = arith.constant 0.181818187 : f32
    %mul3A_13 = vector.broadcast %mul3A_12 : f32 to vector<2000x128xf32>
    %mul3A_14 = arith.mulf %add3A_9, %mul3A_13 : vector<2000x128xf32>
    %select_n3A = arith.select %ge3A_11, %add3A_9, %mul3A_14 : vector<2000x128xi1>, vector<2000x128xf32>
    %get3A_15 = arith.constant 0 : index
    %get3A_16 = arith.constant 0 : index
    %get3A_17 = vector.load %arg4[%get3A_15, %get3A_16] : memref<128x128xf32, #tpu.memory_space<vmem>>, vector<128x128xf32>
    %dot_general3A = arith.constant dense<0.000000e+00> : vector<2000x128xf32>
    %dot_general3A_18 = tpu.matmul %select_n3A, %get3A_17, %dot_general3A {dimension_numbers = #tpu.dot_dimension_numbers<[1], [0], [0], [1], [0, 0, 1, 1], [], []>, transpose_lhs_hint = false} : vector<2000x128xf32>, vector<128x128xf32>, vector<2000x128xf32> -> vector<2000x128xf32>
    %get3A_19 = arith.constant 0 : index
    %get3A_20 = arith.constant 0 : index
    %get3A_21 = vector.load %arg5[%get3A_19, %get3A_20] : memref<1x128xf32, #tpu.memory_space<vmem>>, vector<1x128xf32>
    %add3A_22 = vector.broadcast %get3A_21 : vector<1x128xf32> to vector<2000x128xf32>
    %add3A_23 = arith.addf %dot_general3A_18, %add3A_22 : vector<2000x128xf32>
    %swap3A = arith.constant 0 : index
    %swap3A_24 = arith.constant 0 : index
    %swap3A_25 = vector.load %arg6[%swap3A, %swap3A_24] : memref<2000x128xf32, #tpu.memory_space<vmem>>, vector<2000x128xf32>
    tpu.vector_store %arg6[%swap3A, %swap3A_24], %add3A_23 {strides = array<i32>} : memref<2000x128xf32, #tpu.memory_space<vmem>>, vector<2000x128xf32>,
    return
  }
  func.func @transform_0(%arg0: i32) -> (i32, i32) {
    %c0_i32 = arith.constant 0 : i32
    %c0_i32_0 = arith.constant 0 : i32
    return %arg0, %c0_i32 : i32, i32
  }
  func.func @transform_1(%arg0: i32) -> (i32, i32) {
    %c0_i32 = arith.constant 0 : i32
    %c0_i32_0 = arith.constant 0 : i32
    %c0_i32_1 = arith.constant 0 : i32
    return %c0_i32, %c0_i32_0 : i32, i32
  }
  func.func @transform_2(%arg0: i32) -> (i32, i32) {
    %c0_i32 = arith.constant 0 : i32
    %c0_i32_0 = arith.constant 0 : i32
    %c0_i32_1 = arith.constant 0 : i32
    return %c0_i32, %c0_i32_0 : i32, i32
  }
  func.func @transform_3(%arg0: i32) -> (i32, i32) {
    %c0_i32 = arith.constant 0 : i32
    %c0_i32_0 = arith.constant 0 : i32
    %c0_i32_1 = arith.constant 0 : i32
    return %c0_i32, %c0_i32_0 : i32, i32
  }
  func.func @transform_4(%arg0: i32) -> (i32, i32) {
    %c0_i32 = arith.constant 0 : i32
    %c0_i32_0 = arith.constant 0 : i32
    %c0_i32_1 = arith.constant 0 : i32
    return %c0_i32, %c0_i32_0 : i32, i32
  }
  func.func @transform_5(%arg0: i32) -> (i32, i32) {
    %c0_i32 = arith.constant 0 : i32
    %c0_i32_0 = arith.constant 0 : i32
    return %arg0, %c0_i32 : i32, i32
  }
}

module attributes {stable_mosaic.version = 14 : i64} {
  func.func @body(%arg0: i32, %arg1: memref<1280x128xf32, #tpu.memory_space<vmem>>, %arg2: memref<1280x128xf32, #tpu.memory_space<vmem>>, %arg3: memref<1280x1xf32, #tpu.memory_space<vmem>>, %arg4: memref<1280x128xf32, #tpu.memory_space<vmem>>, %arg5: memref<128x128xf32, #tpu.memory_space<vmem>>, %arg6: memref<128x128xf32, #tpu.memory_space<vmem>>, %arg7: memref<128x128xf32, #tpu.memory_space<vmem>>, %arg8: memref<1x128xf32, #tpu.memory_space<vmem>>, %arg9: memref<128x128xf32, #tpu.memory_space<vmem>>, %arg10: memref<1x128xf32, #tpu.memory_space<vmem>>, %arg11: memref<1280x128xf32, #tpu.memory_space<vmem>>, %arg12: memref<1x128xf32, #tpu.memory_space<vmem>>, %arg13: memref<1x128xf32, #tpu.memory_space<vmem>>) attributes {dimension_semantics = [#tpu.dimension_semantics<arbitrary>], iteration_bounds = array<i64: 250>, scalar_prefetch = 0 : i64, scratch_operands = 0 : i64, tpu.core_type = #tpu.core_type<tc>, window_params = [{transform_indices = @transform_0, window_bounds = array<i64: 1280, 128>}, {transform_indices = @transform_1, window_bounds = array<i64: 1280, 128>}, {transform_indices = @transform_2, window_bounds = array<i64: 1280, 1>}, {transform_indices = @transform_3, window_bounds = array<i64: 1280, 128>}, {pipeline_mode = #tpu.pipeline_mode<synchronous>, transform_indices = @transform_4, window_bounds = array<i64: 128, 128>}, {pipeline_mode = #tpu.pipeline_mode<synchronous>, transform_indices = @transform_5, window_bounds = array<i64: 128, 128>}, {pipeline_mode = #tpu.pipeline_mode<synchronous>, transform_indices = @transform_6, window_bounds = array<i64: 128, 128>}, {pipeline_mode = #tpu.pipeline_mode<synchronous>, transform_indices = @transform_7, window_bounds = array<i64: 1, 128>}, {pipeline_mode = #tpu.pipeline_mode<synchronous>, transform_indices = @transform_8, window_bounds = array<i64: 128, 128>}, {pipeline_mode = #tpu.pipeline_mode<synchronous>, transform_indices = @transform_9, window_bounds = array<i64: 1, 128>}, {transform_indices = @transform_10, window_bounds = array<i64: 1280, 128>}, {pipeline_mode = #tpu.pipeline_mode<synchronous>, transform_indices = @transform_11, window_bounds = array<i64: 1, 128>}, {pipeline_mode = #tpu.pipeline_mode<synchronous>, transform_indices = @transform_12, window_bounds = array<i64: 1, 128>}]} {
    %get3A = arith.constant 0 : index
    %get3A_0 = arith.constant 0 : index
    %get3A_1 = vector.load %arg1[%get3A, %get3A_0] : memref<1280x128xf32, #tpu.memory_space<vmem>>, vector<1280x128xf32>
    %get3A_2 = arith.constant 0 : index
    %get3A_3 = arith.constant 0 : index
    %get3A_4 = vector.load %arg5[%get3A_2, %get3A_3] : memref<128x128xf32, #tpu.memory_space<vmem>>, vector<128x128xf32>
    %dot_general3A = arith.constant dense<0.000000e+00> : vector<1280x128xf32>
    %dot_general3A_5 = tpu.matmul %get3A_1, %get3A_4, %dot_general3A {dimension_numbers = #tpu.dot_dimension_numbers<[1], [0], [0], [1], [0, 0, 1, 1], [], []>, transpose_lhs_hint = false} : vector<1280x128xf32>, vector<128x128xf32>, vector<1280x128xf32> -> vector<1280x128xf32>
    %get3A_6 = arith.constant 0 : index
    %get3A_7 = arith.constant 0 : index
    %get3A_8 = vector.load %arg1[%get3A_6, %get3A_7] : memref<1280x128xf32, #tpu.memory_space<vmem>>, vector<1280x128xf32>
    %get3A_9 = arith.constant 0 : index
    %get3A_10 = arith.constant 0 : index
    %get3A_11 = vector.load %arg6[%get3A_9, %get3A_10] : memref<128x128xf32, #tpu.memory_space<vmem>>, vector<128x128xf32>
    %get3A_12 = arith.constant 0 : index
    %get3A_13 = arith.constant 0 : index
    %get3A_14 = vector.load %arg7[%get3A_12, %get3A_13] : memref<128x128xf32, #tpu.memory_space<vmem>>, vector<128x128xf32>
    %sub3A = arith.subf %get3A_11, %get3A_14 : vector<128x128xf32>
    %dot_general3A_15 = arith.constant dense<0.000000e+00> : vector<1280x128xf32>
    %dot_general3A_16 = tpu.matmul %get3A_8, %sub3A, %dot_general3A_15 {dimension_numbers = #tpu.dot_dimension_numbers<[1], [0], [0], [1], [0, 0, 1, 1], [], []>, transpose_lhs_hint = false} : vector<1280x128xf32>, vector<128x128xf32>, vector<1280x128xf32> -> vector<1280x128xf32>
    %get3A_17 = arith.constant 0 : index
    %get3A_18 = arith.constant 0 : index
    %get3A_19 = vector.load %arg3[%get3A_17, %get3A_18] : memref<1280x1xf32, #tpu.memory_space<vmem>>, vector<1280x1xf32>
    %mul3A = vector.broadcast %get3A_19 : vector<1280x1xf32> to vector<1280x128xf32>
    %mul3A_20 = arith.mulf %mul3A, %dot_general3A_16 : vector<1280x128xf32>
    %add3A = arith.addf %dot_general3A_5, %mul3A_20 : vector<1280x128xf32>
    %get3A_21 = arith.constant 0 : index
    %get3A_22 = arith.constant 0 : index
    %get3A_23 = vector.load %arg2[%get3A_21, %get3A_22] : memref<1280x128xf32, #tpu.memory_space<vmem>>, vector<1280x128xf32>
    %add3A_24 = arith.addf %add3A, %get3A_23 : vector<1280x128xf32>
    %get3A_25 = arith.constant 0 : index
    %get3A_26 = arith.constant 0 : index
    %get3A_27 = vector.load %arg4[%get3A_25, %get3A_26] : memref<1280x128xf32, #tpu.memory_space<vmem>>, vector<1280x128xf32>
    %sub3A_28 = arith.subf %add3A_24, %get3A_27 : vector<1280x128xf32>
    %get3A_29 = arith.constant 0 : index
    %get3A_30 = arith.constant 0 : index
    %get3A_31 = vector.load %arg8[%get3A_29, %get3A_30] : memref<1x128xf32, #tpu.memory_space<vmem>>, vector<1x128xf32>
    %add3A_32 = vector.broadcast %get3A_31 : vector<1x128xf32> to vector<1280x128xf32>
    %add3A_33 = arith.addf %sub3A_28, %add3A_32 : vector<1280x128xf32>
    %get3A_34 = arith.constant 0 : index
    %get3A_35 = arith.constant 0 : index
    %get3A_36 = vector.load %arg9[%get3A_34, %get3A_35] : memref<128x128xf32, #tpu.memory_space<vmem>>, vector<128x128xf32>
    %dot_general3A_37 = arith.constant dense<0.000000e+00> : vector<1280x128xf32>
    %dot_general3A_38 = tpu.matmul %add3A_33, %get3A_36, %dot_general3A_37 {dimension_numbers = #tpu.dot_dimension_numbers<[1], [0], [0], [1], [0, 0, 1, 1], [], []>, transpose_lhs_hint = false} : vector<1280x128xf32>, vector<128x128xf32>, vector<1280x128xf32> -> vector<1280x128xf32>
    %get3A_39 = arith.constant 0 : index
    %get3A_40 = arith.constant 0 : index
    %get3A_41 = vector.load %arg10[%get3A_39, %get3A_40] : memref<1x128xf32, #tpu.memory_space<vmem>>, vector<1x128xf32>
    %add3A_42 = vector.broadcast %get3A_41 : vector<1x128xf32> to vector<1280x128xf32>
    %add3A_43 = arith.addf %dot_general3A_38, %add3A_42 : vector<1280x128xf32>
    %swap3A = arith.constant 0 : index
    %swap3A_44 = arith.constant 0 : index
    %swap3A_45 = vector.load %arg11[%swap3A, %swap3A_44] : memref<1280x128xf32, #tpu.memory_space<vmem>>, vector<1280x128xf32>
    tpu.vector_store %arg11[%swap3A, %swap3A_44], %add3A_43 {strides = array<i32>} : memref<1280x128xf32, #tpu.memory_space<vmem>>, vector<1280x128xf32>,
    %reduce_sum3A = arith.constant dense<0.000000e+00> : vector<128xf32>
    %reduce_sum3A_46 = vector.multi_reduction <add>, %add3A_43, %reduce_sum3A [0] : vector<1280x128xf32> to vector<128xf32>
    %broadcast_in_dim3A = vector.shape_cast %reduce_sum3A_46 : vector<128xf32> to vector<1x128xf32>
    %mul3A_47 = arith.mulf %add3A_43, %add3A_43 : vector<1280x128xf32>
    %reduce_sum3A_48 = arith.constant dense<0.000000e+00> : vector<128xf32>
    %reduce_sum3A_49 = vector.multi_reduction <add>, %mul3A_47, %reduce_sum3A_48 [0] : vector<1280x128xf32> to vector<128xf32>
    %broadcast_in_dim3A_50 = vector.shape_cast %reduce_sum3A_49 : vector<128xf32> to vector<1x128xf32>
    %eq3A = arith.constant 0 : i32
    %eq3A_51 = arith.cmpi eq, %arg0, %eq3A : i32
    %convert_element_type3A = arith.extui %eq3A_51 : i1 to i32
    %cond3A = arith.constant 0 : i32
    %cond3A_52 = arith.cmpi ne, %convert_element_type3A, %cond3A : i32
    scf.if %cond3A_52 {
      %swap3A_57 = arith.constant 0 : index
      %swap3A_58 = arith.constant 0 : index
      %swap3A_59 = vector.load %arg12[%swap3A_57, %swap3A_58] : memref<1x128xf32, #tpu.memory_space<vmem>>, vector<1x128xf32>
      tpu.vector_store %arg12[%swap3A_57, %swap3A_58], %broadcast_in_dim3A {strides = array<i32>} : memref<1x128xf32, #tpu.memory_space<vmem>>, vector<1x128xf32>,
      %swap3A_60 = arith.constant 0 : index
      %swap3A_61 = arith.constant 0 : index
      %swap3A_62 = vector.load %arg13[%swap3A_60, %swap3A_61] : memref<1x128xf32, #tpu.memory_space<vmem>>, vector<1x128xf32>
      tpu.vector_store %arg13[%swap3A_60, %swap3A_61], %broadcast_in_dim3A_50 {strides = array<i32>} : memref<1x128xf32, #tpu.memory_space<vmem>>, vector<1x128xf32>,
    } else {
    }
    %gt3A = arith.constant 0 : i32
    %gt3A_53 = arith.cmpi sgt, %arg0, %gt3A : i32
    %convert_element_type3A_54 = arith.extui %gt3A_53 : i1 to i32
    %cond3A_55 = arith.constant 0 : i32
    %cond3A_56 = arith.cmpi ne, %convert_element_type3A_54, %cond3A_55 : i32
    scf.if %cond3A_56 {
      %get3A_57 = arith.constant 0 : index
      %get3A_58 = arith.constant 0 : index
      %get3A_59 = vector.load %arg12[%get3A_57, %get3A_58] : memref<1x128xf32, #tpu.memory_space<vmem>>, vector<1x128xf32>
      %add3A_60 = arith.addf %get3A_59, %broadcast_in_dim3A : vector<1x128xf32>
      %swap3A_61 = arith.constant 0 : index
      %swap3A_62 = arith.constant 0 : index
      %swap3A_63 = vector.load %arg12[%swap3A_61, %swap3A_62] : memref<1x128xf32, #tpu.memory_space<vmem>>, vector<1x128xf32>
      tpu.vector_store %arg12[%swap3A_61, %swap3A_62], %add3A_60 {strides = array<i32>} : memref<1x128xf32, #tpu.memory_space<vmem>>, vector<1x128xf32>,
      %get3A_64 = arith.constant 0 : index
      %get3A_65 = arith.constant 0 : index
      %get3A_66 = vector.load %arg13[%get3A_64, %get3A_65] : memref<1x128xf32, #tpu.memory_space<vmem>>, vector<1x128xf32>
      %add3A_67 = arith.addf %get3A_66, %broadcast_in_dim3A_50 : vector<1x128xf32>
      %swap3A_68 = arith.constant 0 : index
      %swap3A_69 = arith.constant 0 : index
      %swap3A_70 = vector.load %arg13[%swap3A_68, %swap3A_69] : memref<1x128xf32, #tpu.memory_space<vmem>>, vector<1x128xf32>
      tpu.vector_store %arg13[%swap3A_68, %swap3A_69], %add3A_67 {strides = array<i32>} : memref<1x128xf32, #tpu.memory_space<vmem>>, vector<1x128xf32>,
    } else {
    }
    return
  }
  func.func @transform_0(%arg0: i32) -> (i32, i32) {
    %c0_i32 = arith.constant 0 : i32
    %c0_i32_0 = arith.constant 0 : i32
    return %arg0, %c0_i32 : i32, i32
  }
  func.func @transform_1(%arg0: i32) -> (i32, i32) {
    %c0_i32 = arith.constant 0 : i32
    %c0_i32_0 = arith.constant 0 : i32
    return %arg0, %c0_i32 : i32, i32
  }
  func.func @transform_2(%arg0: i32) -> (i32, i32) {
    %c0_i32 = arith.constant 0 : i32
    %c0_i32_0 = arith.constant 0 : i32
    return %arg0, %c0_i32 : i32, i32
  }
  func.func @transform_3(%arg0: i32) -> (i32, i32) {
    %c0_i32 = arith.constant 0 : i32
    %c0_i32_0 = arith.constant 0 : i32
    return %arg0, %c0_i32 : i32, i32
  }
  func.func @transform_4(%arg0: i32) -> (i32, i32) {
    %c0_i32 = arith.constant 0 : i32
    %c0_i32_0 = arith.constant 0 : i32
    %c0_i32_1 = arith.constant 0 : i32
    return %c0_i32, %c0_i32_0 : i32, i32
  }
  func.func @transform_5(%arg0: i32) -> (i32, i32) {
    %c0_i32 = arith.constant 0 : i32
    %c0_i32_0 = arith.constant 0 : i32
    %c0_i32_1 = arith.constant 0 : i32
    return %c0_i32, %c0_i32_0 : i32, i32
  }
  func.func @transform_6(%arg0: i32) -> (i32, i32) {
    %c0_i32 = arith.constant 0 : i32
    %c0_i32_0 = arith.constant 0 : i32
    %c0_i32_1 = arith.constant 0 : i32
    return %c0_i32, %c0_i32_0 : i32, i32
  }
  func.func @transform_7(%arg0: i32) -> (i32, i32) {
    %c0_i32 = arith.constant 0 : i32
    %c0_i32_0 = arith.constant 0 : i32
    %c0_i32_1 = arith.constant 0 : i32
    return %c0_i32, %c0_i32_0 : i32, i32
  }
  func.func @transform_8(%arg0: i32) -> (i32, i32) {
    %c0_i32 = arith.constant 0 : i32
    %c0_i32_0 = arith.constant 0 : i32
    %c0_i32_1 = arith.constant 0 : i32
    return %c0_i32, %c0_i32_0 : i32, i32
  }
  func.func @transform_9(%arg0: i32) -> (i32, i32) {
    %c0_i32 = arith.constant 0 : i32
    %c0_i32_0 = arith.constant 0 : i32
    %c0_i32_1 = arith.constant 0 : i32
    return %c0_i32, %c0_i32_0 : i32, i32
  }
  func.func @transform_10(%arg0: i32) -> (i32, i32) {
    %c0_i32 = arith.constant 0 : i32
    %c0_i32_0 = arith.constant 0 : i32
    return %arg0, %c0_i32 : i32, i32
  }
  func.func @transform_11(%arg0: i32) -> (i32, i32) {
    %c0_i32 = arith.constant 0 : i32
    %c0_i32_0 = arith.constant 0 : i32
    %c0_i32_1 = arith.constant 0 : i32
    return %c0_i32, %c0_i32_0 : i32, i32
  }
  func.func @transform_12(%arg0: i32) -> (i32, i32) {
    %c0_i32 = arith.constant 0 : i32
    %c0_i32_0 = arith.constant 0 : i32
    %c0_i32_1 = arith.constant 0 : i32
    return %c0_i32, %c0_i32_0 : i32, i32
  }
}

module attributes {stable_mosaic.version = 14 : i64} {
  func.func @body(%arg0: i32, %arg1: memref<1280x128xf32, #tpu.memory_space<vmem>>, %arg2: memref<1x128xf32, #tpu.memory_space<vmem>>, %arg3: memref<1x128xf32, #tpu.memory_space<vmem>>, %arg4: memref<128x128xf32, #tpu.memory_space<vmem>>, %arg5: memref<1x128xf32, #tpu.memory_space<vmem>>, %arg6: memref<1280x128xf32, #tpu.memory_space<vmem>>) attributes {dimension_semantics = [#tpu.dimension_semantics<arbitrary>], iteration_bounds = array<i64: 250>, scalar_prefetch = 0 : i64, scratch_operands = 0 : i64, tpu.core_type = #tpu.core_type<tc>, window_params = [{transform_indices = @transform_0, window_bounds = array<i64: 1280, 128>}, {pipeline_mode = #tpu.pipeline_mode<synchronous>, transform_indices = @transform_1, window_bounds = array<i64: 1, 128>}, {pipeline_mode = #tpu.pipeline_mode<synchronous>, transform_indices = @transform_2, window_bounds = array<i64: 1, 128>}, {pipeline_mode = #tpu.pipeline_mode<synchronous>, transform_indices = @transform_3, window_bounds = array<i64: 128, 128>}, {pipeline_mode = #tpu.pipeline_mode<synchronous>, transform_indices = @transform_4, window_bounds = array<i64: 1, 128>}, {transform_indices = @transform_5, window_bounds = array<i64: 1280, 128>}]} {
    %get3A = arith.constant 0 : index
    %get3A_0 = arith.constant 0 : index
    %get3A_1 = vector.load %arg1[%get3A, %get3A_0] : memref<1280x128xf32, #tpu.memory_space<vmem>>, vector<1280x128xf32>
    %get3A_2 = arith.constant 0 : index
    %get3A_3 = arith.constant 0 : index
    %get3A_4 = vector.load %arg2[%get3A_2, %get3A_3] : memref<1x128xf32, #tpu.memory_space<vmem>>, vector<1x128xf32>
    %mul3A = vector.broadcast %get3A_4 : vector<1x128xf32> to vector<1280x128xf32>
    %mul3A_5 = arith.mulf %get3A_1, %mul3A : vector<1280x128xf32>
    %get3A_6 = arith.constant 0 : index
    %get3A_7 = arith.constant 0 : index
    %get3A_8 = vector.load %arg3[%get3A_6, %get3A_7] : memref<1x128xf32, #tpu.memory_space<vmem>>, vector<1x128xf32>
    %add3A = vector.broadcast %get3A_8 : vector<1x128xf32> to vector<1280x128xf32>
    %add3A_9 = arith.addf %mul3A_5, %add3A : vector<1280x128xf32>
    %ge3A = arith.constant 0.000000e+00 : f32
    %ge3A_10 = vector.broadcast %ge3A : f32 to vector<1280x128xf32>
    %ge3A_11 = arith.cmpf oge, %add3A_9, %ge3A_10 : vector<1280x128xf32>
    %mul3A_12 = arith.constant 0.181818187 : f32
    %mul3A_13 = vector.broadcast %mul3A_12 : f32 to vector<1280x128xf32>
    %mul3A_14 = arith.mulf %add3A_9, %mul3A_13 : vector<1280x128xf32>
    %select_n3A = arith.select %ge3A_11, %add3A_9, %mul3A_14 : vector<1280x128xi1>, vector<1280x128xf32>
    %get3A_15 = arith.constant 0 : index
    %get3A_16 = arith.constant 0 : index
    %get3A_17 = vector.load %arg4[%get3A_15, %get3A_16] : memref<128x128xf32, #tpu.memory_space<vmem>>, vector<128x128xf32>
    %dot_general3A = arith.constant dense<0.000000e+00> : vector<1280x128xf32>
    %dot_general3A_18 = tpu.matmul %select_n3A, %get3A_17, %dot_general3A {dimension_numbers = #tpu.dot_dimension_numbers<[1], [0], [0], [1], [0, 0, 1, 1], [], []>, transpose_lhs_hint = false} : vector<1280x128xf32>, vector<128x128xf32>, vector<1280x128xf32> -> vector<1280x128xf32>
    %get3A_19 = arith.constant 0 : index
    %get3A_20 = arith.constant 0 : index
    %get3A_21 = vector.load %arg5[%get3A_19, %get3A_20] : memref<1x128xf32, #tpu.memory_space<vmem>>, vector<1x128xf32>
    %add3A_22 = vector.broadcast %get3A_21 : vector<1x128xf32> to vector<1280x128xf32>
    %add3A_23 = arith.addf %dot_general3A_18, %add3A_22 : vector<1280x128xf32>
    %swap3A = arith.constant 0 : index
    %swap3A_24 = arith.constant 0 : index
    %swap3A_25 = vector.load %arg6[%swap3A, %swap3A_24] : memref<1280x128xf32, #tpu.memory_space<vmem>>, vector<1280x128xf32>
    tpu.vector_store %arg6[%swap3A, %swap3A_24], %add3A_23 {strides = array<i32>} : memref<1280x128xf32, #tpu.memory_space<vmem>>, vector<1280x128xf32>,
    return
  }
  func.func @transform_0(%arg0: i32) -> (i32, i32) {
    %c0_i32 = arith.constant 0 : i32
    %c0_i32_0 = arith.constant 0 : i32
    return %arg0, %c0_i32 : i32, i32
  }
  func.func @transform_1(%arg0: i32) -> (i32, i32) {
    %c0_i32 = arith.constant 0 : i32
    %c0_i32_0 = arith.constant 0 : i32
    %c0_i32_1 = arith.constant 0 : i32
    return %c0_i32, %c0_i32_0 : i32, i32
  }
  func.func @transform_2(%arg0: i32) -> (i32, i32) {
    %c0_i32 = arith.constant 0 : i32
    %c0_i32_0 = arith.constant 0 : i32
    %c0_i32_1 = arith.constant 0 : i32
    return %c0_i32, %c0_i32_0 : i32, i32
  }
  func.func @transform_3(%arg0: i32) -> (i32, i32) {
    %c0_i32 = arith.constant 0 : i32
    %c0_i32_0 = arith.constant 0 : i32
    %c0_i32_1 = arith.constant 0 : i32
    return %c0_i32, %c0_i32_0 : i32, i32
  }
  func.func @transform_4(%arg0: i32) -> (i32, i32) {
    %c0_i32 = arith.constant 0 : i32
    %c0_i32_0 = arith.constant 0 : i32
    %c0_i32_1 = arith.constant 0 : i32
    return %c0_i32, %c0_i32_0 : i32, i32
  }
  func.func @transform_5(%arg0: i32) -> (i32, i32) {
    %c0_i32 = arith.constant 0 : i32
    %c0_i32_0 = arith.constant 0 : i32
    return %arg0, %c0_i32 : i32, i32
  }
}

</mosaic_0001>

<sc_bundles>
// kernel: kernel.7.cloned.1.call-start
scs
__scs_entry_jumppad:
0x0: {  	(pc) =	sbr.rel $0x88, $3  }
0x1: {  	(tag) =	ssettag $0x0;
	lr =	simm.s32 $0x1  }
0x2: {  	[smem:$0x3F8B] =	sst lr;
	_ =	strace $0xD0000000  }
0x3: {  	_ = 	snop  }
0x4: {  	_ = 	snop  }
0x5: {  	_ = 	snop  }
0x6: {  	_ = 	snop  }
0x7: {  	_ = 	snop  }
__scs_overlays_trampoline_lowered:
0x8: {  	[smem:$0x3F9A] =	sst s0  }
0x9: {  	[smem:$0x3F9B] =	sst s1  }
0xa: {  	[smem:$0x3F9C] =	sst s2  }
0xb: {  	[smem:$0x3F9D] =	sst s3  }
0xc: {  	[smem:$0x3F9E] =	sst s4  }
0xd: {  	[smem:$0x3F9F] =	sst s5  }
0xe: {  	[smem:$0x3FA0] =	sst s6  }
0xf: {  	[smem:$0x3FA1] =	sst s7  }
0x10: {  	[smem:$0x3FA2] =	sst s8  }
0x11: {  	[smem:$0x3FA3] =	sst s9;
	s0 =	simm.s32 @!p0 $0x0  }
0x12: {  	s1 =	sld [smem:$0x3F89];
	s0 =	simm.s32 @p0 $0x1  }
0x13: {  	[smem:$0x3FA4] =	sst s0;
	s0 =	simm.s32 @!p1 $0x0  }
0x14: {  	s2 =	sld [smem:$0x3F88];
	s0 =	simm.s32 @p1 $0x1  }
0x15: {  	[smem:$0x3FA5] =	sst s0;
	s0 =	simm.s32 @!p2 $0x0  }
0x16: {  	s3 =	sld [smem:$0x3FDB];
	s0 =	simm.s32 @p2 $0x1  }
0x17: {  	s4 =	simm.s32 $0x1BF5;
	[smem:$0x3FA7] =	sst s0  }
0x18: {  	s0 =	sld [smem:$0x3F8A];
	_ =	swait.ge [sflag:s4], $0x0  }
0x19: {  	s7 =	sld [smem:$0x3F8B]  }
0x1a: {  	s8 =	sadd.s32 $0xFFFFE003, lr  }
0x1b: {  	s9 =	sadd.s32 $0xFFFFFEF7, lr;
	s5 =	simm.s32 $0xFFFFFFFF;
	p2 =	slt.u32 s8, $0xFFFFF086  }
0x1c: {  	p1 =	slt.u32 s9, $0xF7A;
	s5 =	simm.s32 @!p2 $0x0  }
0x1d: {  	s5 =	simm.s32 @p1 $0x1;
	p0 =	seq.s32 s7, s2  }
0x1e: {  	s7 =	smul.u32 @!p0 $0xF7A, s2;
	p2 =	seq.s32 @!p0 s5, $0x0  }
0x1f: {  	s9 =	smul.u32 $0xF7A, s1;
	s8 =	simm.s32 @!p0 $0x1BF5;
	p2 =	por !p2, p0  }
0x20: {  	[sflag:s8] =	ssyncset.s32 @!p0 $0xFFFFF086;
	s6 =	sadd.s32 @!p0 s3, s7;
	s7 =	simm.s32 @!p0 $0x108  }
0x21: {  	s3 =	sadd.s32 s3, s9;
	s6 =	sadd.s32 @!p0 $0x88, s6;
	s7 =	simm.s32 @p2 $0x1082  }
0x22: {  	[simem:s7], [sflag:s8] =	dma.local @!p0 [hbm:s6], $0xF7A  }
0x23: {  	s9 =	sor.u32 $0xD0000000, s2;
	s6 =	simm.s32 $0x108;
	_ =	swait.ge @!p0 [sflag:s8], $0x0  }
0x24: {  	s3 =	sadd.s32 $0x88, s3;
	s6 =	simm.s32 @!p1 $0x1082;
	[sflag:s4] =	ssyncset.s32 $0xFFFFF086  }
0x25: {  	[simem:s6], [sflag:s4] =	dma.local [hbm:s3], $0xF7A  }
0x26: {  	[smem:$0x3F8B] =	sst s1;
	(tag) =	ssettag s2;
	_ =	strace s9  }
0x27: {  	s1 =	sld [smem:$0x3F9B]  }
0x28: {  	s2 =	sld [smem:$0x3F9C]  }
0x29: {  	s4 =	sld [smem:$0x3F9E]  }
0x2a: {  	p0 =	seq.s32 s5, $0x0;
	s5 =	sld [smem:$0x3F9F]  }
0x2b: {  	s6 =	sld [smem:$0x3FA0]  }
0x2c: {  	s7 =	sld [smem:$0x3FA1]  }
0x2d: {  	s3 =	simm.s32 $0x108;
	s8 =	sld [smem:$0x3FA2]  }
0x2e: {  	s3 =	simm.s32 @!p0 $0x1082;
	s9 =	sld [smem:$0x3FA3]  }
0x2f: {  	lr =	sadd.s32 s0, s3;
	s0 =	sld [smem:$0x3F9A]  }
0x30: {  	s3 =	sld [smem:$0x3F9D]  }
0x31: {  	[smem:$0x3FA6] =	sst s10  }
0x32: {  	s10 =	sld [smem:$0x3FA4];
	_ =	sdelay $0x3  }
0x33: {  	p0 =	seq.s32 s10, $0x1;
	s10 =	sld [smem:$0x3FA6];
	_ =	sdelay $0x3  }
0x34: {  	[smem:$0x3FA6] =	sst s10  }
0x35: {  	s10 =	sld [smem:$0x3FA5];
	_ =	sdelay $0x3  }
0x36: {  	p1 =	seq.s32 s10, $0x1;
	s10 =	sld [smem:$0x3FA6];
	_ =	sdelay $0x3  }
0x37: {  	[smem:$0x3FA6] =	sst s10  }
0x38: {  	s10 =	sld [smem:$0x3FA7]  }
0x39: {  	_ = 	snop;
	(pc) =	sbr.ind lr, $3  }
0x3a: {  	_ = 	snop  }
0x3b: {  	_ = 	snop  }
0x3c: {  	p2 =	seq.s32 s10, $0x1;
	s10 =	sld [smem:$0x3FA6]  }
0x3d: {  	_ =	shalt  }
0x3e: {  	_ =	shalt  }
0x3f: {  	_ =	shalt  }
0x40: {  	_ =	shalt  }
0x41: {  	_ =	shalt  }
0x42: {  	_ =	shalt  }
0x43: {  	_ =	shalt  }
0x44: {  	_ =	shalt  }
0x45: {  	_ =	shalt  }
0x46: {  	_ =	shalt  }
0x47: {  	_ =	shalt  }
0x48: {  	_ =	shalt  }
0x49: {  	_ =	shalt  }
0x4a: {  	_ =	shalt  }
0x4b: {  	_ =	shalt  }
0x4c: {  	_ =	shalt  }
0x4d: {  	_ =	shalt  }
0x4e: {  	_ =	shalt  }
0x4f: {  	_ =	shalt  }
0x50: {  	_ =	shalt  }
0x51: {  	_ =	shalt  }
0x52: {  	_ =	shalt  }
0x53: {  	_ =	shalt  }
0x54: {  	_ =	shalt  }
0x55: {  	_ =	shalt  }
0x56: {  	_ =	shalt  }
0x57: {  	_ =	shalt  }
0x58: {  	_ =	shalt  }
0x59: {  	_ =	shalt  }
0x5a: {  	_ =	shalt  }
0x5b: {  	_ =	shalt  }
0x5c: {  	_ =	shalt  }
0x5d: {  	_ =	shalt  }
0x5e: {  	_ =	shalt  }
0x5f: {  	_ =	shalt  }
0x60: {  	_ =	shalt  }
0x61: {  	_ =	shalt  }
0x62: {  	_ =	shalt  }
0x63: {  	_ =	shalt  }
0x64: {  	_ =	shalt  }
0x65: {  	_ =	shalt  }
0x66: {  	_ =	shalt  }
0x67: {  	_ =	shalt  }
0x68: {  	_ =	shalt  }
0x69: {  	_ =	shalt  }
0x6a: {  	_ =	shalt  }
0x6b: {  	_ =	shalt  }
0x6c: {  	_ =	shalt  }
0x6d: {  	_ =	shalt  }
0x6e: {  	_ =	shalt  }
0x6f: {  	_ =	shalt  }
0x70: {  	_ =	shalt  }
0x71: {  	_ =	shalt  }
0x72: {  	_ =	shalt  }
0x73: {  	_ =	shalt  }
0x74: {  	_ =	shalt  }
0x75: {  	_ =	shalt  }
0x76: {  	_ =	shalt  }
0x77: {  	_ =	shalt  }
0x78: {  	_ =	shalt  }
0x79: {  	_ =	shalt  }
0x7a: {  	_ =	shalt  }
0x7b: {  	_ =	shalt  }
0x7c: {  	_ =	shalt  }
0x7d: {  	_ =	shalt  }
0x7e: {  	_ =	shalt  }
0x7f: {  	_ =	shalt  }
0x80: {  	_ =	shalt  }
0x81: {  	_ =	shalt  }
0x82: {  	_ =	shalt  }
0x83: {  	_ =	shalt  }
0x84: {  	_ =	shalt  }
0x85: {  	_ =	shalt  }
0x86: {  	_ =	shalt  }
0x87: {  	_ =	shalt  }
.Lfunc_end0:
.L_simem_size_0:
called_computation.2_lowered:
.L_overlay_start_0:
0x88: {  	s2 =	sld [smem:$0x3FD9]  }
0x89: {  	s3 =	sld [smem:$0x3FFE];
	_ =	sdelay $0x1  }
0x8a: {  	s1 =	srdreg.scid  }
0x8b: {  	s0 =	sand.u32 $0x1, s1  }
0x8c: {  	s14 =	sshll.u32 s0, $0xA;
	s2 =	sadd.s32 s3, s2  }
0x8d: {  	s2 =	sadd.s32 s2, s14  }
0x8e: {  	[smem:$0x3FB2] =	sst s2  }
0x8f: {  	_ = 	snop  }
0x90: {  	s2 =	sld [smem:$0x3FD0];
	_ =	sdelay $0x2  }
0x91: {  	s15 =	simm.s32 $0xC;
	s4 =	simm.s32 $0x10  }
0x92: {  	[smem:s4], [sflag:s15] =	dma.local [hbm:s2], $0x1  }
0x93: {  	_ =	swait.eq [sflag:s15], $0x1  }
0x94: {  	[sflag:s15] =	ssyncset.done $0x0  }
0x95: {  	[sflag:s15] =	ssyncadd.s32 $0xFFFFFFFF  }
0x96: {  	s16 =	sld [smem:$0x11];
	(tm) =	ssettm $0x1  }
0x97: {  	s17 =	sld [smem:$0x3FFB];
	_ =	sdelay $0x3  }
0x98: {  	_ =	strace s17  }
0x99: {  	s3 =	sld [smem:$0x3FFC];
	_ =	sdelay $0x3  }
0x9a: {  	_ =	strace s3  }
0x9b: {  	s3 =	sld [smem:$0x3FFD];
	_ =	sdelay $0x3  }
0x9c: {  	_ =	strace s3  }
0x9d: {  	_ =	strace $0x8FFFFFFF  }
0x9e: {  	s18 =	sld [smem:$0x3FDB];
	_ =	sdelay $0x1  }
0x9f: {  	s19 =	simm.s32 $_scs_section_size  }
0xa0: {  	s5 =	simm.s32 $_size__tile_overlayer_lowered;
	s6 =	simm.s32 $_tile_overlayer_lowered  }
0xa1: {  	s22 =	simm.s32 $0x1BFF;
	s21 =	sshll.u32 s6, $0x1;
	s3 =	sadd.s32 s19, s18  }
0xa2: {  	s7 =	simm.s32 $0x0;
	s20 =	sshll.u32 s5, $0x1;
	s5 =	sadd.s32 s21, s3  }
0xa3: {  	[timem:s7], [sflag:s22] =	dma.local [hbm:s5], s20  }
0xa4: {  	_ =	swait.ge [sflag:s22], s20  }
0xa5: {  	s4 =	ssub.s32 $0x0, s20;
	[sflag:s22] =	ssyncset.done $0x0  }
0xa6: {  	[sflag:s22] =	ssyncadd.s32 s4;
	_ =	sdelay $0x1  }
0xa7: {  	s23 =	simm.s32 $0x1B8B  }
0xa8: {  	_ =	swait.ge [sflag:s23], $0x1  }
0xa9: {  	[sflag:s23] =	ssyncset.done $0x0  }
0xaa: {  	s25 =	simm.s32 $0x1B8E;
	s24 =	sld [smem:$0x3FFE];
	[sflag:s23] =	ssyncadd.s32 $0xFFFFFFFF  }
0xab: {  	s26 =	simm.s32 $execute0_lowered;
	[smem:$0x3FD2] =	sst s25  }
0xac: {  	s5 =	sshll.u32 s26, $0x1;
	_ =	strace $0x8000004F;
	[dreg:$0x1] =	wrdreg $0xFFFFFFFF  }
0xad: {  	s28 =	simm.s32 $_size_execute0_lowered;
	s3 =	sadd.s32 s3, s5;
	[dreg:$0x0] =	wrdreg $0x0  }
0xae: {  	s5 =	sshll.u32 s28, $0x1;
	[dreg:$0x2] =	wrdreg s3  }
0xaf: {  	[dreg:$0x3] =	wrdreg s5  }
0xb0: {  	[dreg:$0x4] =	wrdreg $0xC0  }
0xb1: {  	_ =	task [dreg:s7], $0x5FFFF  }
0xb2: {  	[dreg:$0x1] =	wrdreg $0xFFFFFFFF  }
0xb3: {  	[dreg:$0x0] =	wrdreg $0x60  }
0xb4: {  	[dreg:$0x2] =	wrdreg s16  }
0xb5: {  	[dreg:$0x3] =	wrdreg s24  }
0xb6: {  	[dreg:$0x4] =	wrdreg $0x9  }
0xb7: {  	_ =	task.clear_ibuf [dreg:s7], $0x5FFFF;
	_ =	strace $0x9000004F  }
0xb8: {  	s29 =	simm.s32 $0x9;
	_ =	strace $0x80000051  }
0xb9: {  	_ =	swait.ge [sflag:s29], $0x1  }
0xba: {  	[sflag:s29] =	ssyncadd.s32 $0xFFFFFFFF  }
0xbb: {  	_ =	strace $0x90000051  }
0xbc: {  	_ =	sfence  }
0xbd: {  	s30 =	sld [smem:$0x0];
	_ =	sdelay $0x2  }
0xbe: {  	s31 =	sshll.u32 s1, $0xD;
	s1 =	sshrl.u32 s1, $0x2  }
0xbf: {  	s3 =	sand.u32 $0x4000, s31;
	s1 =	sadd.s32 s1, s30  }
0xc0: {  	s0 =	sor.u32 s3, s0;
	s1 =	sshll.u32 s1, $0x11  }
0xc1: {  	s0 =	sor.u32 s1, s0  }
0xc2: {  	s0 =	sadd.s32 $0x8F2B, s0  }
0xc3: {  	[sflag:s0] =	ssyncadd.remote.s32 $0x1  }
0xc4: {  	_ =	sfence.sel $0xFFFF  }
0xc5: {  	[dreg:$0x0] =	wrdreg $0xFFFFFFFF;
	(pc) =	sbr.abs _section_cstart, $3  }
0xc6: {  	[dreg:$0x1] =	wrdreg $0xFFFFFFFF  }
0xc7: {  	_ =	task.clear_ibuf [dreg:s7], $0x2FFFF;
	_ =	strace $0x9FFFFFFF  }
0xc8: {  	(tm) =	ssettm $0x7FFFFFFF  }
0xc9: {  	_ =	shalt  }
tec
execute0_lowered:
.L_overlay_start_1:
0x0: {  	(tag) =	ssettag $0x1  }
0x1: {  	s1 =	rddreg [dreg:$0x0]  }
0x2: {  	s6 =	rddreg [dreg:$0x1]  }
0x3: {  	s0 =	rddreg [dreg:$0x2]  }
0x4: {  	s3 =	simm.s32 $0x0;
	s4 =	srdreg.scid;
	s2 =	stileid.u32  }
0x5: {  	s12 =	simm.s32 $0x5180;
	s13 =	simm.s32 $0x3;
	s14 =	simm.s32 $0x80  }
0x6: {  	s15 =	simm.s32 $0x50;
	s16 =	simm.s32 $0x100;
	s17 =	simm.s32 $0x2980  }
0x7: {  	s18 =	simm.s32 $0x1;
	s19 =	simm.s32 $0x2;
	s8 =	smul.u32 $0x4E20, s2  }
0x8: {  	s20 =	simm.s32 $0x2900;
	s7 =	sand.u32 $0x1, s4;
	s10 =	smul.u32 $0x4E200, s2  }
0x9: {  	s21 =	simm.s32 $0x0;
	[smem:$0x7FF] =	sst s3;
	s9 =	smul.u32 $0x2710, s7  }
0xa: {  	s4 =	sadd.s32 $0x3C400, s6;
	s11 =	ssub.s32 $0x2, s7;
	s7 =	smul.u32 $0x27100, s7  }
0xb: {  	s5 =	sadd.s32 $0x15200, s6;
	_ =	strace $0x80000050;
	s10 =	sadd.s32 s10, s6  }
0xc: {  	s29 =	sshrl.u32 s11, $0x1;
	s8 =	sadd.s32 s9, s8;
	s31 =	sadd.s32 s7, s10  }
0xd: {  	s9 =	ssub.s32 s11, s29;
	s8 =	sshrl.u32 s8, $0x3;
	s7 =	sadd.s32 $0x46800, s31  }
0xe: {  	s30 =	sadd.s32 s8, s6;
	s6 =	smax.u32 s9, $0x1;
	s8 =	sadd.s32 $0x528800, s31  }
0xf: {  	s9 =	sadd.s32 $0x3CA00, s30;
	s10 =	sadd.s32 $0x1600, s30;
	s11 =	sadd.s32 $0xB400, s30  }
.LBB2_1:
0x10: {  	[tilespmem:s12], [sflag:$0x3] =	stream.linear.gather [hbm4b:s4+s3], $0x2780, $0x38;
	[tilespmem:$0x7900] =	vst v63  }
0x11: {  	_ =	swait.ge [sflag:s13], $0x2780  }
0x12: {  	[sflag:s13] =	ssyncset.done $0x0  }
0x13: {  	s22 =	sadd.s32 $0x0, s11;
	[sflag:s13] =	ssyncadd.s32 $0xFFFFD880  }
0x14: {  	[tilespmem:s3], [sflag:$0x3] =	stream.linear.gather [hbm4b:s22+s3], $0x50, $0x38;
	[tilespmem:$0x7900] =	vst v63  }
0x15: {  	_ =	swait.ge [sflag:s13], $0x50  }
0x16: {  	[sflag:s13] =	ssyncset.done $0x0  }
0x17: {  	s30 =	sadd.s32 $0x0, s10;
	[sflag:s13] =	ssyncadd.s32 $0xFFFFFFB0  }
0x18: {  	[tilespmem:s14], [sflag:$0x3] =	stream.linear.gather [hbm4b:s30+s3], $0x50, $0x38;
	[tilespmem:$0x7900] =	vst v63  }
0x19: {  	_ =	swait.ge [sflag:s13], $0x50  }
0x1a: {  	[sflag:s13] =	ssyncset.done $0x0  }
0x1b: {  	[sflag:s13] =	ssyncadd.s32 $0xFFFFFFB0  }
0x1c: {  	[tilespmem:s16], [sflag:$0x1] =	stream.indirect.gather [hbm4b:s1+s15], $0x80, s3, s15, $0xb8;
	[tilespmem:$0x7900] =	vst v63  }
0x1d: {  	_ = 	snop  }
0x1e: {  	[tilespmem:s17], [sflag:$0x2] =	stream.indirect.gather [hbm4b:s5+s15], $0x80, s14, s15, $0xb8;
	[tilespmem:$0x7900] =	vst v63  }
0x1f: {  	v0 =	vld [tilespmem:$0x0];
	_ =	sdelay $0x5  }
0x20: {  	v1 =	vld [tilespmem:$0x10];
	_ =	sdelay $0x1  }
0x21: {  	v0 =	vld.idx.msk [tilespmem:v0+s12+$0x0], $0xffff;
	_ =	sdelay $0x3  }
0x22: {  	v2 =	vld [tilespmem:$0x20]  }
0x23: {  	[tilespmem:$0x2900] =	vst v0  }
0x24: {  	v0 =	vld.idx.msk [tilespmem:v1+s12+$0x0], $0xffff;
	_ =	sdelay $0x3  }
0x25: {  	v62 =	vld [tilespmem:$0x30]  }
0x26: {  	[tilespmem:$0x2910] =	vst v0  }
0x27: {  	v0 =	vld.idx.msk [tilespmem:v2+s12+$0x0], $0xffff;
	_ =	sdelay $0x3  }
0x28: {  	v63 =	vld [tilespmem:$0x40]  }
0x29: {  	[tilespmem:$0x2920] =	vst v0  }
0x2a: {  	v0 =	vld.idx.msk [tilespmem:v62+s12+$0x0], $0xffff;
	_ =	sdelay $0x4  }
0x2b: {  	[tilespmem:$0x2930] =	vst v0  }
0x2c: {  	v0 =	vld.idx.msk [tilespmem:v63+s12+$0x0], $0xffff;
	_ =	sdelay $0x4  }
0x2d: {  	[tilespmem:$0x2940] =	vst v0  }
0x2e: {  	_ =	swait.ge [sflag:s18], $0x2800  }
0x2f: {  	[sflag:s18] =	ssyncset.done $0x0  }
0x30: {  	[sflag:s18] =	ssyncadd.s32 $0xFFFFD800  }
0x31: {  	_ =	swait.ge [sflag:s19], $0x2800  }
0x32: {  	[sflag:s19] =	ssyncset.done $0x0  }
0x33: {  	[sflag:s19] =	ssyncadd.s32 $0xFFFFD800  }
0x34: {  	[hbm4b:s7+s3] =	stream.linear.scatter [tilespmem:s16], [sflag:$0x3], $0x2800, $0x38;
	[tilespmem:$0x7900] =	vst v63  }
0x35: {  	_ =	swait.ge [sflag:s13], $0x2800  }
0x36: {  	[sflag:s13] =	ssyncset.done $0x0  }
0x37: {  	s31 =	sadd.s32 $0x0, s9;
	[sflag:s13] =	ssyncadd.s32 $0xFFFFD800  }
0x38: {  	[hbm4b:s31+s3] =	stream.linear.scatter [tilespmem:s20], [sflag:$0x3], $0x50, $0x38;
	[tilespmem:$0x7900] =	vst v63  }
0x39: {  	_ =	swait.ge [sflag:s13], $0x50  }
0x3a: {  	[sflag:s13] =	ssyncset.done $0x0  }
0x3b: {  	[sflag:s13] =	ssyncadd.s32 $0xFFFFFFB0  }
0x3c: {  	[hbm4b:s8+s3] =	stream.linear.scatter [tilespmem:s17], [sflag:$0x3], $0x2800, $0x38;
	[tilespmem:$0x7900] =	vst v63  }
0x3d: {  	s23 =	simm.s32 $0xA;
	s28 =	simm.s32 $0x14;
	_ =	swait.ge [sflag:s13], $0x2800  }
0x3e: {  	s24 =	sadd.s32 $0x500, s7;
	s22 =	sadd.s32 $0x500, s8;
	[sflag:s13] =	ssyncset.done $0x0  }
.LBB2_2:
0x3f: {  	s29 =	sadd.s32 s23, s11  }
0x40: {  	[sflag:s13] =	ssyncadd.s32 $0xFFFFD800;
	s26 =	smov.u32 s28;
	s25 =	sadd.s32 $0xA, s28  }
0x41: {  	[tilespmem:s3], [sflag:$0x3] =	stream.linear.gather [hbm4b:s29+s3], $0x50, $0x38;
	[tilespmem:$0x7900] =	vst v63  }
0x42: {  	p0 =	sne.s32 s28, $0x4D8;
	_ =	swait.ge [sflag:s13], $0x50  }
0x43: {  	[sflag:s13] =	ssyncset.done $0x0  }
0x44: {  	s28 =	sadd.s32 s23, s10;
	[sflag:s13] =	ssyncadd.s32 $0xFFFFFFB0  }
0x45: {  	[tilespmem:s14], [sflag:$0x3] =	stream.linear.gather [hbm4b:s28+s3], $0x50, $0x38;
	[tilespmem:$0x7900] =	vst v63  }
0x46: {  	_ =	swait.ge [sflag:s13], $0x50  }
0x47: {  	[sflag:s13] =	ssyncset.done $0x0  }
0x48: {  	[sflag:s13] =	ssyncadd.s32 $0xFFFFFFB0  }
0x49: {  	[tilespmem:s16], [sflag:$0x1] =	stream.indirect.gather [hbm4b:s1+s15], $0x80, s3, s15, $0xb8;
	[tilespmem:$0x7900] =	vst v63  }
0x4a: {  	_ = 	snop  }
0x4b: {  	[tilespmem:s17], [sflag:$0x2] =	stream.indirect.gather [hbm4b:s5+s15], $0x80, s14, s15, $0xb8;
	[tilespmem:$0x7900] =	vst v63  }
0x4c: {  	v0 =	vld [tilespmem:$0x0]  }
0x4d: {  	v1 =	vld [tilespmem:$0x10]  }
0x4e: {  	v2 =	vld [tilespmem:$0x20]  }
0x4f: {  	v3 =	vld [tilespmem:$0x30]  }
0x50: {  	v4 =	vld [tilespmem:$0x40];
	_ =	sdelay $0x3  }
0x51: {  	v0 =	vld.idx.msk [tilespmem:v0+s12+$0x0], $0xffff;
	_ =	sdelay $0x5  }
0x52: {  	[tilespmem:$0x2900] =	vst v0  }
0x53: {  	v0 =	vld.idx.msk [tilespmem:v1+s12+$0x0], $0xffff;
	_ =	sdelay $0x5  }
0x54: {  	[tilespmem:$0x2910] =	vst v0  }
0x55: {  	v0 =	vld.idx.msk [tilespmem:v2+s12+$0x0], $0xffff;
	_ =	sdelay $0x5  }
0x56: {  	[tilespmem:$0x2920] =	vst v0  }
0x57: {  	v0 =	vld.idx.msk [tilespmem:v3+s12+$0x0], $0xffff;
	_ =	sdelay $0x5  }
0x58: {  	[tilespmem:$0x2930] =	vst v0  }
0x59: {  	v0 =	vld.idx.msk [tilespmem:v4+s12+$0x0], $0xffff;
	_ =	sdelay $0x5  }
0x5a: {  	[tilespmem:$0x2940] =	vst v0  }
0x5b: {  	_ =	swait.ge [sflag:s18], $0x2800  }
0x5c: {  	[sflag:s18] =	ssyncset.done $0x0  }
0x5d: {  	[sflag:s18] =	ssyncadd.s32 $0xFFFFD800  }
0x5e: {  	_ =	swait.ge [sflag:s19], $0x2800  }
0x5f: {  	[sflag:s19] =	ssyncset.done $0x0  }
0x60: {  	[sflag:s19] =	ssyncadd.s32 $0xFFFFD800  }
0x61: {  	[hbm4b:s24+s3] =	stream.linear.scatter [tilespmem:s16], [sflag:$0x3], $0x2800, $0x38;
	[tilespmem:$0x7900] =	vst v63  }
0x62: {  	_ =	swait.ge [sflag:s13], $0x2800  }
0x63: {  	[sflag:s13] =	ssyncset.done $0x0  }
0x64: {  	s28 =	sadd.s32 s23, s9;
	s23 =	smov.u32 s26;
	[sflag:s13] =	ssyncadd.s32 $0xFFFFD800  }
0x65: {  	[hbm4b:s28+s3] =	stream.linear.scatter [tilespmem:s20], [sflag:$0x3], $0x50, $0x38;
	[tilespmem:$0x7900] =	vst v63  }
0x66: {  	_ =	swait.ge [sflag:s13], $0x50  }
.Ltmp0:
0x67: {  	[sflag:s13] =	ssyncset.done $0x0;
	(pc) =	sbr.rel @p0 .LBB2_2-.Ltmp0, $4  }
0x68: {  	[sflag:s13] =	ssyncadd.s32 $0xFFFFFFB0  }
0x69: {  	[hbm4b:s22+s3] =	stream.linear.scatter [tilespmem:s17], [sflag:$0x3], $0x2800, $0x38;
	[tilespmem:$0x7900] =	vst v63  }
0x6a: {  	s24 =	sadd.s32 $0x500, s24;
	_ =	swait.ge [sflag:s13], $0x2800  }
0x6b: {  	s28 =	smov.u32 s25;
	s22 =	sadd.s32 $0x500, s22;
	[sflag:s13] =	ssyncset.done $0x0  }
0x6c: {  	s25 =	sadd.s32 s23, s11;
	[sflag:s13] =	ssyncadd.s32 $0xFFFFD800  }
0x6d: {  	[tilespmem:s3], [sflag:$0x3] =	stream.linear.gather [hbm4b:s25+s3], $0x50, $0x38;
	[tilespmem:$0x7900] =	vst v63  }
0x6e: {  	_ =	swait.ge [sflag:s13], $0x50  }
0x6f: {  	[sflag:s13] =	ssyncset.done $0x0  }
0x70: {  	s30 =	sadd.s32 s23, s10;
	[sflag:s13] =	ssyncadd.s32 $0xFFFFFFB0  }
0x71: {  	[tilespmem:s14], [sflag:$0x3] =	stream.linear.gather [hbm4b:s30+s3], $0x50, $0x38;
	[tilespmem:$0x7900] =	vst v63  }
0x72: {  	_ =	swait.ge [sflag:s13], $0x50  }
0x73: {  	[sflag:s13] =	ssyncset.done $0x0  }
0x74: {  	[sflag:s13] =	ssyncadd.s32 $0xFFFFFFB0  }
0x75: {  	[tilespmem:s16], [sflag:$0x1] =	stream.indirect.gather [hbm4b:s1+s15], $0x80, s3, s15, $0xb8;
	[tilespmem:$0x7900] =	vst v63  }
0x76: {  	_ = 	snop  }
0x77: {  	[tilespmem:s17], [sflag:$0x2] =	stream.indirect.gather [hbm4b:s5+s15], $0x80, s14, s15, $0xb8;
	[tilespmem:$0x7900] =	vst v63  }
0x78: {  	v0 =	vld [tilespmem:$0x0];
	_ =	sdelay $0x5  }
0x79: {  	v1 =	vld [tilespmem:$0x10];
	_ =	sdelay $0x1  }
0x7a: {  	v0 =	vld.idx.msk [tilespmem:v0+s12+$0x0], $0xffff;
	_ =	sdelay $0x3  }
0x7b: {  	v2 =	vld [tilespmem:$0x20]  }
0x7c: {  	[tilespmem:$0x2900] =	vst v0  }
0x7d: {  	v0 =	vld.idx.msk [tilespmem:v1+s12+$0x0], $0xffff;
	_ =	sdelay $0x3  }
0x7e: {  	v62 =	vld [tilespmem:$0x30]  }
0x7f: {  	[tilespmem:$0x2910] =	vst v0  }
0x80: {  	v0 =	vld.idx.msk [tilespmem:v2+s12+$0x0], $0xffff;
	_ =	sdelay $0x3  }
0x81: {  	v63 =	vld [tilespmem:$0x40]  }
0x82: {  	[tilespmem:$0x2920] =	vst v0  }
0x83: {  	v0 =	vld.idx.msk [tilespmem:v62+s12+$0x0], $0xffff;
	_ =	sdelay $0x4  }
0x84: {  	[tilespmem:$0x2930] =	vst v0  }
0x85: {  	v0 =	vld.idx.msk [tilespmem:v63+s12+$0x0], $0xffff;
	_ =	sdelay $0x4  }
0x86: {  	[tilespmem:$0x2940] =	vst v0  }
0x87: {  	_ =	swait.ge [sflag:s18], $0x2800  }
0x88: {  	[sflag:s18] =	ssyncset.done $0x0  }
0x89: {  	[sflag:s18] =	ssyncadd.s32 $0xFFFFD800  }
0x8a: {  	_ =	swait.ge [sflag:s19], $0x2800  }
0x8b: {  	[sflag:s19] =	ssyncset.done $0x0  }
0x8c: {  	[sflag:s19] =	ssyncadd.s32 $0xFFFFD800  }
0x8d: {  	[hbm4b:s24+s3] =	stream.linear.scatter [tilespmem:s16], [sflag:$0x3], $0x2800, $0x38;
	[tilespmem:$0x7900] =	vst v63  }
0x8e: {  	_ =	swait.ge [sflag:s13], $0x2800  }
0x8f: {  	[sflag:s13] =	ssyncset.done $0x0  }
0x90: {  	s31 =	sadd.s32 s23, s9;
	[sflag:s13] =	ssyncadd.s32 $0xFFFFD800  }
0x91: {  	[hbm4b:s31+s3] =	stream.linear.scatter [tilespmem:s20], [sflag:$0x3], $0x50, $0x38;
	[tilespmem:$0x7900] =	vst v63  }
0x92: {  	s21 =	sadd.s32 $0x1, s21;
	_ =	swait.ge [sflag:s13], $0x50  }
0x93: {  	p0 =	sne.s32 s21, s6;
	[sflag:s13] =	ssyncset.done $0x0  }
.Ltmp1:
0x94: {  	[sflag:s13] =	ssyncadd.s32 $0xFFFFFFB0;
	(pc) =	sbr.rel @p0 .LBB2_1-.Ltmp1, $4  }
0x95: {  	[hbm4b:s22+s3] =	stream.linear.scatter [tilespmem:s17], [sflag:$0x3], $0x2800, $0x38;
	[tilespmem:$0x7900] =	vst v63  }
0x96: {  	_ =	swait.ge [sflag:s13], $0x2800  }
0x97: {  	[sflag:s13] =	ssyncset.done $0x0  }
0x98: {  	[sflag:s13] =	ssyncadd.s32 $0xFFFFD800  }
0x99: {  	_ =	sfence.sel $0x180000  }
0x9a: {  	[bflag:$0x0] =	sbarrier.arrive $0xFFFF  }
0x9b: {  	p0 =	sne.s32 s2, $0x0;
	_ =	strace $0x90000050  }
0x9c: {  	s0 =	sadd.s32 @!p0 $0x100000, s0;
	[bflag:$0x2] =	sbarrier.arrive $0xFFFF  }
0x9d: {  	[sflag:s0] =	ssyncadd.tile.s32 @!p0 $0x1;
	_ =	shalt  }
.Lfunc_end2:
_tile_overlayer_lowered:
.L_overlay_start_2:
0x9e: {  	(tag) =	ssettag $0x2  }
0x9f: {  	s0 =	rddreg [dreg:$0x0];
	s2 =	stileid.u32  }
0xa0: {  	s1 =	rddreg [dreg:$0x1];
	p0 =	sne.s32 s2, $0x0  }
0xa1: {  	s3 =	rddreg [dreg:$0x2];
	[bflag:$0x3] =	sbarrier.arrive $0xFFFF;
	s2 =	simm.s32 @!p0 $0x1C03  }
0xa2: {  	[timem:s3], [sflag:s2] =	dma.local @!p0 [hbm:s0], s1  }
0xa3: {  	s0 =	simm.s32 @!p0 $0x3  }
0xa4: {  	_ =	swait.ge @!p0 [sflag:s0], s1  }
0xa5: {  	s1 =	ssub.s32 @!p0 $0x0, s1;
	[sflag:s0] =	ssyncset.done @!p0 $0x0  }
0xa6: {  	[sflag:s0] =	ssyncadd.s32 @!p0 s1  }
0xa7: {  	[bflag:$0x3] =	sbarrier.arrive $0xFFFF  }
0xa8: {  	_ =	shalt  }

// kernel: scatter_offload_async_start.1
scs
__scs_entry_jumppad:
0x0: {  	(pc) =	sbr.rel $0x88, $3  }
0x1: {  	(tag) =	ssettag $0x0;
	lr =	simm.s32 $0x1  }
0x2: {  	[smem:$0x3F8B] =	sst lr;
	_ =	strace $0xD0000000  }
0x3: {  	_ = 	snop  }
0x4: {  	_ = 	snop  }
0x5: {  	_ = 	snop  }
0x6: {  	_ = 	snop  }
0x7: {  	_ = 	snop  }
__scs_overlays_trampoline_lowered:
0x8: {  	[smem:$0x3F9A] =	sst s0  }
0x9: {  	[smem:$0x3F9B] =	sst s1  }
0xa: {  	[smem:$0x3F9C] =	sst s2  }
0xb: {  	[smem:$0x3F9D] =	sst s3  }
0xc: {  	[smem:$0x3F9E] =	sst s4  }
0xd: {  	[smem:$0x3F9F] =	sst s5  }
0xe: {  	[smem:$0x3FA0] =	sst s6  }
0xf: {  	[smem:$0x3FA1] =	sst s7  }
0x10: {  	[smem:$0x3FA2] =	sst s8  }
0x11: {  	[smem:$0x3FA3] =	sst s9;
	s0 =	simm.s32 @!p0 $0x0  }
0x12: {  	s1 =	sld [smem:$0x3F89];
	s0 =	simm.s32 @p0 $0x1  }
0x13: {  	[smem:$0x3FA4] =	sst s0;
	s0 =	simm.s32 @!p1 $0x0  }
0x14: {  	s2 =	sld [smem:$0x3F88];
	s0 =	simm.s32 @p1 $0x1  }
0x15: {  	[smem:$0x3FA5] =	sst s0;
	s0 =	simm.s32 @!p2 $0x0  }
0x16: {  	s3 =	sld [smem:$0x3FDB];
	s0 =	simm.s32 @p2 $0x1  }
0x17: {  	s4 =	simm.s32 $0x1BF5;
	[smem:$0x3FA7] =	sst s0  }
0x18: {  	s0 =	sld [smem:$0x3F8A];
	_ =	swait.ge [sflag:s4], $0x0  }
0x19: {  	s7 =	sld [smem:$0x3F8B]  }
0x1a: {  	s8 =	sadd.s32 $0xFFFFE003, lr  }
0x1b: {  	s9 =	sadd.s32 $0xFFFFFEF7, lr;
	s5 =	simm.s32 $0xFFFFFFFF;
	p2 =	slt.u32 s8, $0xFFFFF086  }
0x1c: {  	p1 =	slt.u32 s9, $0xF7A;
	s5 =	simm.s32 @!p2 $0x0  }
0x1d: {  	s5 =	simm.s32 @p1 $0x1;
	p0 =	seq.s32 s7, s2  }
0x1e: {  	s7 =	smul.u32 @!p0 $0xF7A, s2;
	p2 =	seq.s32 @!p0 s5, $0x0  }
0x1f: {  	s9 =	smul.u32 $0xF7A, s1;
	s8 =	simm.s32 @!p0 $0x1BF5;
	p2 =	por !p2, p0  }
0x20: {  	[sflag:s8] =	ssyncset.s32 @!p0 $0xFFFFF086;
	s6 =	sadd.s32 @!p0 s3, s7;
	s7 =	simm.s32 @!p0 $0x108  }
0x21: {  	s3 =	sadd.s32 s3, s9;
	s6 =	sadd.s32 @!p0 $0x88, s6;
	s7 =	simm.s32 @p2 $0x1082  }
0x22: {  	[simem:s7], [sflag:s8] =	dma.local @!p0 [hbm:s6], $0xF7A  }
0x23: {  	s9 =	sor.u32 $0xD0000000, s2;
	s6 =	simm.s32 $0x108;
	_ =	swait.ge @!p0 [sflag:s8], $0x0  }
0x24: {  	s3 =	sadd.s32 $0x88, s3;
	s6 =	simm.s32 @!p1 $0x1082;
	[sflag:s4] =	ssyncset.s32 $0xFFFFF086  }
0x25: {  	[simem:s6], [sflag:s4] =	dma.local [hbm:s3], $0xF7A  }
0x26: {  	[smem:$0x3F8B] =	sst s1;
	(tag) =	ssettag s2;
	_ =	strace s9  }
0x27: {  	s1 =	sld [smem:$0x3F9B]  }
0x28: {  	s2 =	sld [smem:$0x3F9C]  }
0x29: {  	s4 =	sld [smem:$0x3F9E]  }
0x2a: {  	p0 =	seq.s32 s5, $0x0;
	s5 =	sld [smem:$0x3F9F]  }
0x2b: {  	s6 =	sld [smem:$0x3FA0]  }
0x2c: {  	s7 =	sld [smem:$0x3FA1]  }
0x2d: {  	s3 =	simm.s32 $0x108;
	s8 =	sld [smem:$0x3FA2]  }
0x2e: {  	s3 =	simm.s32 @!p0 $0x1082;
	s9 =	sld [smem:$0x3FA3]  }
0x2f: {  	lr =	sadd.s32 s0, s3;
	s0 =	sld [smem:$0x3F9A]  }
0x30: {  	s3 =	sld [smem:$0x3F9D]  }
0x31: {  	[smem:$0x3FA6] =	sst s10  }
0x32: {  	s10 =	sld [smem:$0x3FA4];
	_ =	sdelay $0x3  }
0x33: {  	p0 =	seq.s32 s10, $0x1;
	s10 =	sld [smem:$0x3FA6];
	_ =	sdelay $0x3  }
0x34: {  	[smem:$0x3FA6] =	sst s10  }
0x35: {  	s10 =	sld [smem:$0x3FA5];
	_ =	sdelay $0x3  }
0x36: {  	p1 =	seq.s32 s10, $0x1;
	s10 =	sld [smem:$0x3FA6];
	_ =	sdelay $0x3  }
0x37: {  	[smem:$0x3FA6] =	sst s10  }
0x38: {  	s10 =	sld [smem:$0x3FA7]  }
0x39: {  	_ = 	snop;
	(pc) =	sbr.ind lr, $3  }
0x3a: {  	_ = 	snop  }
0x3b: {  	_ = 	snop  }
0x3c: {  	p2 =	seq.s32 s10, $0x1;
	s10 =	sld [smem:$0x3FA6]  }
0x3d: {  	_ =	shalt  }
0x3e: {  	_ =	shalt  }
0x3f: {  	_ =	shalt  }
0x40: {  	_ =	shalt  }
0x41: {  	_ =	shalt  }
0x42: {  	_ =	shalt  }
0x43: {  	_ =	shalt  }
0x44: {  	_ =	shalt  }
0x45: {  	_ =	shalt  }
0x46: {  	_ =	shalt  }
0x47: {  	_ =	shalt  }
0x48: {  	_ =	shalt  }
0x49: {  	_ =	shalt  }
0x4a: {  	_ =	shalt  }
0x4b: {  	_ =	shalt  }
0x4c: {  	_ =	shalt  }
0x4d: {  	_ =	shalt  }
0x4e: {  	_ =	shalt  }
0x4f: {  	_ =	shalt  }
0x50: {  	_ =	shalt  }
0x51: {  	_ =	shalt  }
0x52: {  	_ =	shalt  }
0x53: {  	_ =	shalt  }
0x54: {  	_ =	shalt  }
0x55: {  	_ =	shalt  }
0x56: {  	_ =	shalt  }
0x57: {  	_ =	shalt  }
0x58: {  	_ =	shalt  }
0x59: {  	_ =	shalt  }
0x5a: {  	_ =	shalt  }
0x5b: {  	_ =	shalt  }
0x5c: {  	_ =	shalt  }
0x5d: {  	_ =	shalt  }
0x5e: {  	_ =	shalt  }
0x5f: {  	_ =	shalt  }
0x60: {  	_ =	shalt  }
0x61: {  	_ =	shalt  }
0x62: {  	_ =	shalt  }
0x63: {  	_ =	shalt  }
0x64: {  	_ =	shalt  }
0x65: {  	_ =	shalt  }
0x66: {  	_ =	shalt  }
0x67: {  	_ =	shalt  }
0x68: {  	_ =	shalt  }
0x69: {  	_ =	shalt  }
0x6a: {  	_ =	shalt  }
0x6b: {  	_ =	shalt  }
0x6c: {  	_ =	shalt  }
0x6d: {  	_ =	shalt  }
0x6e: {  	_ =	shalt  }
0x6f: {  	_ =	shalt  }
0x70: {  	_ =	shalt  }
0x71: {  	_ =	shalt  }
0x72: {  	_ =	shalt  }
0x73: {  	_ =	shalt  }
0x74: {  	_ =	shalt  }
0x75: {  	_ =	shalt  }
0x76: {  	_ =	shalt  }
0x77: {  	_ =	shalt  }
0x78: {  	_ =	shalt  }
0x79: {  	_ =	shalt  }
0x7a: {  	_ =	shalt  }
0x7b: {  	_ =	shalt  }
0x7c: {  	_ =	shalt  }
0x7d: {  	_ =	shalt  }
0x7e: {  	_ =	shalt  }
0x7f: {  	_ =	shalt  }
0x80: {  	_ =	shalt  }
0x81: {  	_ =	shalt  }
0x82: {  	_ =	shalt  }
0x83: {  	_ =	shalt  }
0x84: {  	_ =	shalt  }
0x85: {  	_ =	shalt  }
0x86: {  	_ =	shalt  }
0x87: {  	_ =	shalt  }
.Lfunc_end0:
.L_simem_size_0:
called_computation.1_lowered:
.L_overlay_start_0:
0x88: {  	s0 =	sld [smem:$0x3FD9]  }
0x89: {  	s1 =	sld [smem:$0x3FFE];
	_ =	sdelay $0x3  }
0x8a: {  	s0 =	sadd.s32 s1, s0  }
0x8b: {  	[smem:$0x3FB2] =	sst s0  }
0x8c: {  	_ = 	snop  }
0x8d: {  	s0 =	sld [smem:$0x3FD0];
	_ =	sdelay $0x2  }
0x8e: {  	s13 =	simm.s32 $0xC;
	s2 =	simm.s32 $0x10  }
0x8f: {  	[smem:s2], [sflag:s13] =	dma.local [hbm:s0], $0x1  }
0x90: {  	_ =	swait.eq [sflag:s13], $0x1  }
0x91: {  	[sflag:s13] =	ssyncset.done $0x0  }
0x92: {  	[sflag:s13] =	ssyncadd.s32 $0xFFFFFFFF  }
0x93: {  	s14 =	sld [smem:$0x11];
	(tm) =	ssettm $0x1  }
0x94: {  	s15 =	sld [smem:$0x3FFB];
	_ =	sdelay $0x3  }
0x95: {  	_ =	strace s15  }
0x96: {  	s1 =	sld [smem:$0x3FFC];
	_ =	sdelay $0x3  }
0x97: {  	_ =	strace s1  }
0x98: {  	s1 =	sld [smem:$0x3FFD];
	_ =	sdelay $0x3  }
0x99: {  	_ =	strace s1  }
0x9a: {  	_ =	strace $0x8FFFFFFF  }
0x9b: {  	s16 =	sld [smem:$0x3FDB];
	_ =	sdelay $0x1  }
0x9c: {  	s17 =	simm.s32 $_scs_section_size  }
0x9d: {  	s3 =	simm.s32 $_size__tile_overlayer_lowered;
	s4 =	simm.s32 $_tile_overlayer_lowered  }
0x9e: {  	s20 =	simm.s32 $0x1BFF;
	s19 =	sshll.u32 s4, $0x1;
	s1 =	sadd.s32 s17, s16  }
0x9f: {  	s5 =	simm.s32 $0x0;
	s18 =	sshll.u32 s3, $0x1;
	s3 =	sadd.s32 s19, s1  }
0xa0: {  	[timem:s5], [sflag:s20] =	dma.local [hbm:s3], s18  }
0xa1: {  	_ =	swait.ge [sflag:s20], s18  }
0xa2: {  	s2 =	ssub.s32 $0x0, s18;
	[sflag:s20] =	ssyncset.done $0x0  }
0xa3: {  	[sflag:s20] =	ssyncadd.s32 s2;
	_ =	sdelay $0x1  }
0xa4: {  	s21 =	simm.s32 $0x1B8B  }
0xa5: {  	_ =	swait.ge [sflag:s21], $0x1  }
0xa6: {  	[sflag:s21] =	ssyncset.done $0x0  }
0xa7: {  	s23 =	simm.s32 $0x1B8E;
	s22 =	sld [smem:$0x3FFE];
	[sflag:s21] =	ssyncadd.s32 $0xFFFFFFFF  }
0xa8: {  	s24 =	simm.s32 $execute0_lowered;
	[smem:$0x3FD2] =	sst s23  }
0xa9: {  	s3 =	sshll.u32 s24, $0x1;
	_ =	strace $0x80000046;
	[dreg:$0x1] =	wrdreg $0xFFFFFFFF  }
0xaa: {  	s25 =	simm.s32 $_size_execute0_lowered;
	s1 =	sadd.s32 s1, s3;
	[dreg:$0x0] =	wrdreg $0x0  }
0xab: {  	s3 =	sshll.u32 s25, $0x1;
	[dreg:$0x2] =	wrdreg s1  }
0xac: {  	[dreg:$0x3] =	wrdreg s3  }
0xad: {  	[dreg:$0x4] =	wrdreg $0xC0  }
0xae: {  	_ =	task [dreg:s5], $0x5FFFF  }
0xaf: {  	[dreg:$0x1] =	wrdreg $0xFFFFFFFF  }
0xb0: {  	[dreg:$0x0] =	wrdreg $0x60  }
0xb1: {  	[dreg:$0x2] =	wrdreg s22  }
0xb2: {  	[dreg:$0x3] =	wrdreg s14  }
0xb3: {  	[dreg:$0x4] =	wrdreg $0xB  }
0xb4: {  	_ =	task.clear_ibuf [dreg:s5], $0x5FFFF;
	_ =	strace $0x90000046  }
0xb5: {  	s26 =	simm.s32 $0xB;
	_ =	strace $0x80000048  }
0xb6: {  	_ =	swait.ge [sflag:s26], $0x1  }
0xb7: {  	[sflag:s26] =	ssyncadd.s32 $0xFFFFFFFF  }
0xb8: {  	_ =	strace $0x90000048  }
0xb9: {  	_ =	sfence  }
0xba: {  	s28 =	sld [smem:$0x0];
	_ =	sdelay $0x1  }
0xbb: {  	s29 =	srdreg.scid  }
0xbc: {  	s30 =	sshll.u32 s29, $0xD;
	s31 =	sshrl.u32 s29, $0x2  }
0xbd: {  	s2 =	sand.u32 $0x4000, s30;
	s1 =	sand.u32 $0x1, s29;
	s0 =	sadd.s32 s31, s28  }
0xbe: {  	s1 =	sor.u32 s2, s1;
	s0 =	sshll.u32 s0, $0x11  }
0xbf: {  	s0 =	sor.u32 s0, s1  }
0xc0: {  	s0 =	sadd.s32 $0x8F2B, s0  }
0xc1: {  	[sflag:s0] =	ssyncadd.remote.s32 $0x1  }
0xc2: {  	_ =	sfence.sel $0xFFFF  }
0xc3: {  	[dreg:$0x0] =	wrdreg $0xFFFFFFFF;
	(pc) =	sbr.abs _section_cstart, $3  }
0xc4: {  	[dreg:$0x1] =	wrdreg $0xFFFFFFFF  }
0xc5: {  	_ =	task.clear_ibuf [dreg:s5], $0x2FFFF;
	_ =	strace $0x9FFFFFFF  }
0xc6: {  	(tm) =	ssettm $0x7FFFFFFF  }
0xc7: {  	_ =	shalt  }
tec
execute0_lowered:
.L_overlay_start_1:
0x0: {  	(tag) =	ssettag $0x1  }
0x1: {  	s0 =	rddreg [dreg:$0x0]  }
0x2: {  	s3 =	rddreg [dreg:$0x1];
	_ =	strace $0x80000047;
	s15 =	stileid.u32  }
0x3: {  	s2 =	simm.s32 $0x1;
	s1 =	smin.u32 s15, $0x8;
	s4 =	sshll.u32 s15, $0x1  }
0x4: {  	v1 =	vimm.s32 $0xFFFFFFFF;
	[sflag:s2] =	ssyncpa.u1 $0x0;
	s1 =	sadd.s32 s1, s4  }
0x5: {  	p0 =	slt.u32 s15, $0x8;
	[tilespmem:$0x10] =	vst v1;
	s5 =	smul.u32 $0x1F40, s1;
	s1 =	simm.s32 $0x5DC0  }
0x6: {  	v0 =	vimm.f32 $0.0e+00;
	[tilespmem:$0x20] =	vst v1;
	s1 =	simm.s32 @!p0 $0x3E80  }
0x7: {  	[tilespmem:$0x30] =	vst v0;
	s1 =	sadd.s32 s1, s5  }
0x8: {  	[tilespmem:$0x40] =	vst v0;
	s6 =	smin.u32 s1, $0x4E200  }
0x9: {  	s7 =	simm.s32 $0x2;
	[tilespmem:$0x50] =	vst v0;
	s9 =	ssub.s32 s6, s5  }
0xa: {  	s8 =	simm.s32 $0x8;
	s31 =	simm.s32 $0x9;
	[tilespmem:$0x60] =	vst v1;
	p0 =	sgt.s32 s9, $0x0  }
0xb: {  	s16 =	simm.s32 $0x0;
	s17 =	simm.s32 $0xF0;
	[tilespmem:$0x70] =	vst v1;
	s9 =	simm.s32 @!p0 $0x0  }
0xc: {  	s18 =	simm.s32 $0xFFFFFFFF;
	s19 =	simm.s32 $0xFFFFC280;
	[tilespmem:$0x80] =	vst v1;
	s30 =	smulhi.u32 $0x10624DD3, s9  }
0xd: {  	s20 =	simm.s32 $0xFFFFFFFE;
	s21 =	simm.s32 $0xF;
	s25 =	simm.s32 $0x0;
	v1 =	vimm.s32 $0x0;
	[tilespmem:$0xB0] =	vst v0  }
0xe: {  	s24 =	simm.s32 $0x0;
	s15 =	sshllo.u32 s15, $0x1;
	[tilespmem:$0x90] =	vst v1;
	s10 =	sshrl.u32 s30, $0x9  }
0xf: {  	[tilespmem:$0xA0] =	vst v1;
	[sflag:s7] =	ssyncpa.u1 $0x0;
	s7 =	simm.s32 $0x7;
	s11 =	smul.u32 $0x1F40, s10  }
.Ltmp0:
0x10: {  	s13 =	sor.u32 $0x80, s4;
	[sflag:s7] =	ssyncpa.u1 $0x0;
	(pc) =	sbr.rel .LBB2_1-.Ltmp0, $4  }
0x11: {  	s14 =	sor.u32 $0x81, s4;
	[sflag:s8] =	ssyncpa.u1 $0x0;
	p0 =	sne.s32 s9, s11  }
0x12: {  	s23 =	smov.u32 s5;
	s1 =	sadd.s32 $0x32C00, s0;
	s2 =	simm.s32 @!p0 $0x0  }
0x13: {  	vm0 =	vmmov $0xffff;
	v2 =	vlaneseq.u32;
	[sflag:s31] =	ssyncpa.u1 $0x0;
	s9 =	sadd.s32 $0x15200, s0;
	s10 =	sadd.s32 s2, s10  }
0x14: {  	vm1 =	vmxor vm1, vm1;
	vm2 =	vmmov $0x1;
	vm3 =	vcmask $0x3F3C;
	p0 =	por $0x0, $0x0;
	s11 =	sadd.s32 $0x1, s10;
	s12 =	sadd.s32 $0x2, s10  }
.LBB2_9:
0x15: {  	p1 =	slt.u32 s24, $0x3  }
0x16: {  	s0 =	simm.s32 @!p1 $0x2  }
0x17: {  	_ =	swait.ge @!p1 [sflag:s0], $0x1F40  }
0x18: {  	[sflag:s0] =	ssyncset.done @!p1 $0x0  }
0x19: {  	[sflag:s0] =	ssyncadd.s32 @!p1 $0xFFFFE0C0;
	s0 =	simm.s32 @!p1 $0x9  }
0x1a: {  	_ =	swait.ge @!p1 [sflag:s0], $0x10  }
0x1b: {  	[sflag:s0] =	ssyncset.done @!p1 $0x0  }
0x1c: {  	[sflag:s0] =	ssyncadd.s32 @!p1 $0xFFFFFFF0;
	p1 =	sne.s32 s24, s12  }
.Ltmp1:
0x1d: {  	s2 =	sadd.s32 $0x1F40, s23;
	(pc) =	sbr.rel @!p1 .LBB2_10-.Ltmp1, $4  }
0x1e: {  	s22 =	smov.u32 s5;
	s31 =	sadd.s32 $0x1, s24;
	s17 =	sadd.s32 $0x1F40, s17  }
0x1f: {  	s18 =	sadd.s32 $0x1, s18;
	s25 =	smov.u32 s23;
	p2 =	slt.s32 s2, s6  }
0x20: {  	p0 =	por !p0, !p0;
	s19 =	sadd.s32 $0x1F40, s19;
	s22 =	smov.u32 @p2 s2  }
0x21: {  	s20 =	sadd.s32 $0x1, s20;
	s23 =	smov.u32 s22;
	s24 =	smov.u32 s31  }
.LBB2_1:
0x22: {  	p1 =	sge.u32 s24, s10  }
0x23: {  	s0 =	smulhi.u32 @!p1 $0xAAAAAAAB, s24;
	_ =	sdelay $0x1  }
0x24: {  	s0 =	sshrl.u32 @!p1 s0, $0x1  }
0x25: {  	s0 =	smul.u32 @!p1 $0x3, s0;
	_ =	sdelay $0x1  }
0x26: {  	s0 =	ssub.s32 @!p1 s24, s0  }
0x27: {  	s0 =	smul.u32 @!p1 $0x7D00, s0;
	_ =	sdelay $0x1  }
0x28: {  	s2 =	sshrl.u32 @!p1 s23, $0x3;
	s0 =	sshrl.u32 @!p1 s0, $0x2  }
0x29: {  	s22 =	sand.u32 @!p1 $0x7, s23;
	s2 =	sadd.s32 @!p1 s3, s2;
	s0 =	sadd.s32 @!p1 $0x100, s0  }
0x2a: {  	[tilespmem:s0], [sflag:$0x7] =	stream.linear.gather @!p1 [hbm4b:s2+s22], $0x1F40, $0x38;
	[tilespmem:$0x11A60] =	vst v63  }
0x2b: {  	s0 =	sadd.s32 $0xFFFFFFFF, s24  }
0x2c: {  	p1 =	sge.u32 s0, s10  }
.Ltmp2:
0x2d: {  	_ = 	snop;
	(pc) =	sbr.rel @p1 .LBB2_5-.Ltmp2, $1  }
0x2e: {  	_ =	sdelay $0x3  }
0x2f: {  	s2 =	smulhi.u32 $0xAAAAAAAB, s0;
	_ =	sdelay $0x1  }
0x30: {  	s2 =	sshrl.u32 s2, $0x1  }
0x31: {  	s2 =	smul.u32 $0x3, s2;
	_ =	sdelay $0x1  }
0x32: {  	s2 =	ssub.s32 s0, s2  }
0x33: {  	s2 =	smul.u32 $0x7D00, s2  }
0x34: {  	_ =	swait.ge [sflag:s7], $0x1F40  }
0x35: {  	[sflag:s7] =	ssyncset.done $0x0;
	s2 =	sshrl.u32 s2, $0x2  }
0x36: {  	[sflag:s7] =	ssyncadd.s32 $0xFFFFE0C0;
	(ifvalue) =	ssetifvalue $0xFFFFFFFF;
	v3 =	vld.msk [tilespmem:s2+$0x100 ss:$0x1], $0xffff;
	_ =	sdelay $0x2  }
0x37: {  	s30 =	smulhi.u32 $0xAAAAAAAB, s18;
	p1 =	sne.s32 s24, $0x1  }
0x38: {  	v4 =	vimm.s32 @!p1 $0x0  }
0x39: {  	s2 =	sshrl.u32 s30, $0x1;
	v4 =	vperm.xlane @!p1 v3, v4  }
0x3a: {  	s22 =	sshll.u32 s24, $0x4;
	s2 =	smul.u32 $0xFFFE8900, s2;
	vm4 =	vlt.u32 v3, $0x2800  }
0x3b: {  	s22 =	sand.u32 $0x10, s22;
	v3 =	vnsel vm4, $0xFFFFFFFE, v3;
	vm4 =	vlt.u32 @!p1 v4, $0x2800  }
0x3c: {  	s2 =	sshra.s32 s2, $0x2;
	[tilespmem:s22+$0x60] =	vst v3;
	v3 =	vnsel @!p1 vm4, $0xFFFFFFFE, v4  }
0x3d: {  	s28 =	sadd.s32 s2, s17;
	[tilespmem:$0x80] =	vst @!p1 v3  }
0x3e: {  	v3 =	vld.msk [tilespmem:s28+$0x0 ss:$0x1], $0xffff;
	_ =	sdelay $0x4  }
0x3f: {  	(xrf1) =	vunique.msk.u32 $0xffff, v3;
	_ =	sdelay $0xd  }
0x40: {  	v4 =	vimm.s32 $0xFFFFFFFF;
	v5, _, _ =	vpop (xrf1)  }
0x41: {  	vm5 =	vne.s32 v3, v4;
	vm4 =	veq.s32 v5, v2  }
0x42: {  	vm6 =	vlt.u32 v3, $0x2800;
	vm4 =	vmand vm5, vm4  }
0x43: {  	vm4 =	vmand vm6, vm4  }
0x44: {  	v4 =	vnsel vm4, $0xFFFFFFFF, v3  }
0x45: {  	s31 =	sand.u32 $0x1, s0  }
0x46: {  	s0 =	simm.s32 $0x1F40;
	p1 =	seq.s32 s31, $0x1  }
0x47: {  	s0 =	simm.s32 @!p1 $0x0  }
0x48: {  	s26 =	sadd.s32 $0x7DF0, s0;
	(ifvalue) =	ssetifvalue $0xFFFFFFFF  }
0x49: {  	v3 =	vperm.xlane v3, v1;
	[tilespmem:s26], [sflag:$0x8] =	stream.indirect_vreg.gather [hbm4b:s1+s16], $0x1, v4, vm0, $0x4038;
	v4 =	vnsel vm6, $0xFFFFFFFE, v4;
	[tilespmem:$0x11A60] =	vst v63  }
0x4a: {  	s2 =	simm.s32 $0x0;
	s22 =	sadd.s32 $0xFFFFFFF0, s28;
	[tilespmem:s28+$0x0] =	vst v4  }
.LBB2_3:
0x4b: {  	v4 =	vld.msk [tilespmem:s22+$0x0 ss:$0x1], $0xffff;
	s2 =	sadd.s32 $0x10, s2;
	v5 =	vmov v3;
	s28 =	smov.u32 s22  }
0x4c: {  	p1 =	slt.u32 s2, $0x1F30;
	_ =	sdelay $0x4  }
0x4d: {  	v3 =	vperm.xlane v4, v1;
	(xrf1) =	vunique.msk.u32 $0xffff, v4;
	_ =	sdelay $0xd  }
0x4e: {  	v6, _, _ =	vpop (xrf1)  }
0x4f: {  	vm5 =	vne.s32 v4, v5;
	vm4 =	veq.s32 v6, v2  }
0x50: {  	vm6 =	vlt.u32 v4, $0x2800;
	vm4 =	vmand vm5, vm4  }
0x51: {  	vm4 =	vmand vm6, vm4  }
0x52: {  	v4 =	vnsel vm4, $0xFFFFFFFF, v4  }
.Ltmp3:
0x53: {  	v5 =	vnsel vm6, $0xFFFFFFFE, v4;
	(pc) =	sbr.rel @p1 .LBB2_3-.Ltmp3, $3  }
0x54: {  	_ =	sdelay $0x1  }
0x55: {  	s22 =	sadd.s32 $0xFFFFFFF0, s22;
	s26 =	sadd.s32 $0xFFFFFFF0, s26;
	(ifvalue) =	ssetifvalue $0xFFFFFFFF  }
0x56: {  	[tilespmem:s26], [sflag:$0x8] =	stream.indirect_vreg.gather [hbm4b:s1+s16], $0x1, v4, vm0, $0x4038;
	[tilespmem:s28+$0x0] =	vst v5  }
0x57: {  	s2 =	sshrl.u32 s25, $0x3  }
0x58: {  	s0 =	sadd.s32 $0x9D40, s0;
	s2 =	sadd.s32 s9, s2  }
0x59: {  	[tilespmem:s0], [sflag:$0x8] =	stream.linear.gather [hbm:s2], $0x1F40, $0x38;
	[tilespmem:$0x11A60] =	vst v63  }
.LBB2_5:
0x5a: {  	p1 =	slt.u32 s24, $0x2  }
0x5b: {  	p2 =	sge.u32 @!p1 s24, s12  }
0x5c: {  	p1 =	por p1, p2  }
.Ltmp4:
0x5d: {  	_ = 	snop;
	(pc) =	sbr.rel @p1 .LBB2_9-.Ltmp4, $1  }
0x5e: {  	_ =	sdelay $0x3  }
0x5f: {  	s0 =	sadd.s32 $0xFFFFFFFE, s24  }
0x60: {  	s2 =	smulhi.u32 $0xAAAAAAAB, s0;
	_ =	sdelay $0x1  }
0x61: {  	s2 =	sshrl.u32 s2, $0x1  }
0x62: {  	s2 =	smul.u32 $0x3, s2;
	_ =	sdelay $0x1  }
0x63: {  	s0 =	ssub.s32 s0, s2  }
0x64: {  	_ =	swait.ge [sflag:s8], $0x3E80;
	s0 =	smul.u32 $0x1F40, s0  }
0x65: {  	p1 =	sne.s32 s24, s11;
	[sflag:s8] =	ssyncset.done $0x0  }
0x66: {  	[sflag:s8] =	ssyncadd.s32 $0xFFFFC180;
	s2 =	sadd.s32 @!p1 $0x203F, s0  }
0x67: {  	[spmem:s14] =	stream.linear.scatter @!p1 [tilespmem:s2], [sflag:$0x1], $0x1, $0x38;
	[tilespmem:$0x11A60] =	vst v63  }
0x68: {  	s2 =	simm.s32 @!p1 $0x1  }
0x69: {  	_ =	swait.ge @!p1 [sflag:s2], $0x1  }
0x6a: {  	s22 =	sshll.u32 s24, $0x4;
	[sflag:s2] =	ssyncset.done @!p1 $0x0  }
0x6b: {  	s25 =	sand.u32 $0x10, s22;
	[sflag:s2] =	ssyncadd.s32 @!p1 $0xFFFFFFFF  }
0x6c: {  	s2 =	sxor.u32 $0x10, s25;
	v4 =	vld [tilespmem:s25+$0x10]  }
0x6d: {  	v5 =	vld [tilespmem:s2+$0x60]  }
0x6e: {  	v3 =	vld [tilespmem:$0x80];
	_ =	sdelay $0x2  }
0x6f: {  	(v2sf) =	vpush v4, $0x0  }
0x70: {  	(v2sf) =	vpush v5, $0x0  }
0x71: {  	(v2sf) =	vpush v3, $0x0;
	_ =	sdelay $0xc  }
0x72: {  	s22 =	spop (v2sf)  }
0x73: {  	s26 =	spop (v2sf)  }
0x74: {  	s28 =	spop (v2sf)  }
0x75: {  	p2 =	seq.s32 s22, s26;
	p3 =	seq.s32 s28, s22  }
0x76: {  	p3 =	por p2, p3  }
0x77: {  	s26 =	sand.u32 $0x1, s24;
	v4 =	vpsel p3, $0xFFFFFFFF, v4  }
0x78: {  	s29 =	smul.u32 $0x1F40, s26;
	[tilespmem:s25+$0x10] =	vst.msk $0x1, v4  }
0x79: {  	v4 =	vld [tilespmem:$0x30]  }
0x7a: {  	v5 =	vld [tilespmem:s29+$0x9D40]  }
0x7b: {  	v6 =	vld [tilespmem:s25+$0x40];
	_ =	sdelay $0x3  }
0x7c: {  	vm4 =	vmmov vm1;
	v5 =	vadd.f32 v5, v4  }
0x7d: {  	vm5 =	vmmov vm2;
	vm4 =	vmmov @p2 vm2;
	s22 =	sshll.u32 s26, $0x4;
	v4 =	vadd.f32 v6, v4  }
0x7e: {  	s26 =	sor.u32 $0x11A40, s22;
	vm5 =	vmmov @p3 vm1;
	[tilespmem:s29+$0x9D40] =	vst.msk vm4, v5  }
0x7f: {  	[tilespmem:s26+$0x0] =	vst.msk vm5, v4  }
0x80: {  	v4 =	vld [tilespmem:s29+$0x7DF0];
	_ =	sdelay $0x3  }
0x81: {  	v5 =	vimm.f32 $0.0e+00  }
0x82: {  	v4 =	vshift.insert v4, v5, s21  }
0x83: {  	s22 =	sor.u32 $0x40, s2  }
0x84: {  	[tilespmem:s22+$0x0] =	vst.msk $0x1, v4  }
0x85: {  	[tilespmem:s29+$0x7DFF] =	vst.msk $0x1, v5  }
0x86: {  	v4 =	vld [tilespmem:s0+$0x2030];
	_ =	sdelay $0x1  }
0x87: {  	s22 =	smulhi.u32 $0xAAAAAAAB, s20;
	s0 =	simm.s32 $0x1  }
0x88: {  	s0 =	simm.s32 @!p0 $0x0  }
0x89: {  	s22 =	sshrl.u32 s22, $0x1;
	s0 =	smul.u32 $0x7D00, s0  }
0x8a: {  	s22 =	smul.u32 $0xFFFE8900, s22;
	v4 =	vshift.insert v4, v1, s21  }
0x8b: {  	s0 =	sshrl.u32 s0, $0x2  }
0x8c: {  	s22 =	sshra.s32 s22, $0x2;
	s30 =	sadd.s32 $0x9D40, s0;
	[tilespmem:s2+$0x10] =	vst.msk $0x1, v4  }
0x8d: {  	s22 =	sadd.s32 s22, s19;
	v6 =	vld [tilespmem:s30+$0x0]  }
0x8e: {  	v7 =	vld [tilespmem:s22+$0x0];
	_ =	sdelay $0x3  }
0x8f: {  	v5 =	vadd.f32 v6, v5  }
0x90: {  	vm4 =	vne.s32 v7, $0xFFFFFFFF  }
0x91: {  	(xrf2) =	vadd.seg.scan.f32 vm4, v5;
	_ =	sdelay $0x3  }
0x92: {  	s31 =	sadd.s32 $0x5EC0, s0;
	v5 =	vperm.xlane v4, v1  }
0x93: {  	v6 =	vld [tilespmem:s31+$0x0]  }
0x94: {  	vm5 =	veq.s32 v7, v3;
	vm6 =	veq.s32 v7, v5  }
0x95: {  	vm7 =	vgt.u32 v7, $0xFFFFFFFD;
	vm6 =	vmor vm6, vm5  }
0x96: {  	vm6 =	vmor vm6, vm7  }
0x97: {  	v9 =	vld [tilespmem:$0xA0];
	v7 =	vsel vm6, $0xFFFFFFFF, v7  }
0x98: {  	v10 =	vld [tilespmem:$0x90];
	v6 =	vsel vm5, $0x0, v6;
	v8, _, _ =	vpop (xrf2)  }
0x99: {  	v6 =	vadd.f32 v8, v6  }
0x9a: {  	s0 =	sadd.s32 $0xDBC0, s0  }
0x9b: {  	vm4 =	vmand vm4, vm3;
	[tilespmem:s0+$0x0] =	vst v6;
	(ifvalue) =	ssetifvalue $0xFFFFFFFF  }
0x9c: {  	vm6 =	veq.s32 v9, $0x1;
	[hbm4b:s1+s16] =	stream.indirect_vreg.scatter [tilespmem:s0], [sflag:$0x2], $0x1, v7, vm0, $0x4038;
	v7 =	vsel vm4, $0x0, v8;
	[tilespmem:$0x11A60] =	vst v63  }
0x9d: {  	s2 =	simm.s32 $0x0;
	s22 =	sadd.s32 $0x10, s22;
	vm4 =	vmor vm6, vm5;
	v6 =	vsel vm5, v8, v10;
	v7 =	vshift.insert v7, v0, s21  }
.LBB2_7:
0x9e: {  	v8 =	vld [tilespmem:s22+$0x0];
	s30 =	sadd.s32 $0x10, s30  }
0x9f: {  	s31 =	sadd.s32 $0x10, s31;
	v9 =	vld [tilespmem:s30+$0x0]  }
0xa0: {  	s2 =	sadd.s32 $0x10, s2;
	v10 =	vld [tilespmem:s31+$0x0]  }
0xa1: {  	p2 =	slt.u32 s2, $0x1F30;
	_ =	sdelay $0x2  }
0xa2: {  	v7 =	vadd.f32 v9, v7  }
0xa3: {  	vm5 =	vne.s32 v8, $0xFFFFFFFF  }
0xa4: {  	vm6 =	vmand vm5, vm3;
	(xrf2) =	vadd.seg.scan.f32 vm5, v7;
	_ =	sdelay $0x5  }
0xa5: {  	vm7 =	veq.s32 v8, v5;
	vm5 =	veq.s32 v8, v3  }
0xa6: {  	vm8 =	vgt.u32 v8, $0xFFFFFFFD;
	vm4 =	vmor vm4, vm5;
	vm7 =	vmor vm7, vm5  }
0xa7: {  	vm7 =	vmor vm7, vm8  }
0xa8: {  	v8 =	vsel vm7, $0xFFFFFFFF, v8  }
.Ltmp5:
0xa9: {  	v7 =	vsel vm5, $0x0, v10;
	v9, _, _ =	vpop (xrf2);
	(pc) =	sbr.rel @p2 .LBB2_7-.Ltmp5, $4  }
0xaa: {  	v6 =	vsel vm5, v9, v6;
	v10 =	vadd.f32 v9, v7;
	v7 =	vsel vm6, $0x0, v9  }
0xab: {  	s0 =	sadd.s32 $0x10, s0;
	v7 =	vshift.insert v7, v0, s21  }
0xac: {  	s22 =	sadd.s32 $0x10, s22;
	[tilespmem:s0+$0x0] =	vst v10;
	(ifvalue) =	ssetifvalue $0xFFFFFFFF  }
0xad: {  	[hbm4b:s1+s16] =	stream.indirect_vreg.scatter [tilespmem:s0], [sflag:$0x2], $0x1, v8, vm0, $0x4038;
	[tilespmem:$0x11A60] =	vst v63  }
0xae: {  	v3 =	vld [tilespmem:s29+$0xFAF0];
	_ =	sdelay $0x4  }
0xaf: {  	v3 =	vshift.insert v3, v0, s21  }
0xb0: {  	s0 =	simm.s32 $0x30  }
0xb1: {  	[tilespmem:s0+$0x0] =	vst.msk $0x1, v3  }
0xb2: {  	v3 =	vsel vm4, $0x1, v1;
	[tilespmem:$0x90] =	vst v6  }
0xb3: {  	s0 =	sadd.s32 @!p1 $0xFAFF, s29;
	[tilespmem:$0xA0] =	vst v3  }
0xb4: {  	[spmem:s15] =	stream.linear.scatter @!p1 [tilespmem:s0], [sflag:$0x1], $0x1, $0x38;
	[tilespmem:$0x11A60] =	vst v63  }
0xb5: {  	s0 =	simm.s32 @!p1 $0x1  }
0xb6: {  	v3 =	vmctz.xlane @!p1 vm4;
	_ =	swait.ge @!p1 [sflag:s0], $0x1  }
0xb7: {  	(v2sf) =	vpush @!p1 v4, $0x0  }
0xb8: {  	(v2sf) =	vpush @!p1 v3, $0x0;
	_ =	sdelay $0xd  }
0xb9: {  	s2 =	spop @!p1 (v2sf)  }
0xba: {  	s22 =	spop @!p1 (v2sf)  }
0xbb: {  	p2 =	sne.s32 @!p1 s28, s2;
	p3 =	slt.s32 @!p1 s22, $0xF  }
0xbc: {  	[sflag:s0] =	ssyncset.done @!p1 $0x0;
	p2 =	por p2, p1;
	p3 =	por !p3, p1  }
0xbd: {  	[sflag:s0] =	ssyncadd.s32 @!p1 $0xFFFFFFFF;
	v3 =	vimm.s32 @!p2 $0xFFFFFFFF;
	s22 =	simm.s32 @p3 $0xF  }
0xbe: {  	[tilespmem:$0x80] =	vst @!p2 v3;
	s2 =	sadd.s32 @!p1 $0x90, s22  }
0xbf: {  	[spmem:s4] =	stream.linear.scatter @!p1 [tilespmem:s2], [sflag:$0x1], $0x1, $0x38;
	[tilespmem:$0x11A60] =	vst v63  }
0xc0: {  	_ =	swait.ge @!p1 [sflag:s0], $0x1  }
0xc1: {  	[sflag:s0] =	ssyncset.done @!p1 $0x0  }
0xc2: {  	s2 =	simm.s32 @!p1 $0x80;
	[sflag:s0] =	ssyncadd.s32 @!p1 $0xFFFFFFFF  }
0xc3: {  	[spmem:s13] =	stream.linear.scatter @!p1 [tilespmem:s2], [sflag:$0x1], $0x1, $0x38;
	[tilespmem:$0x11A60] =	vst v63  }
0xc4: {  	_ =	swait.ge @!p1 [sflag:s0], $0x1  }
0xc5: {  	[sflag:s0] =	ssyncset.done @!p1 $0x0  }
0xc6: {  	[sflag:s0] =	ssyncadd.s32 @!p1 $0xFFFFFFFF;
	(ifvalue) =	ssetifvalue $0xFFFFFFFF;
	v3 =	vld [tilespmem:s25+$0x10];
	_ =	sdelay $0x3  }
.Ltmp6:
0xc7: {  	_ = 	snop;
	(pc) =	sbr.rel .LBB2_9-.Ltmp6, $3  }
0xc8: {  	_ =	sdelay $0x1  }
0xc9: {  	(ifvalue) =	ssetifvalue $0xFFFFFFFF  }
0xca: {  	[hbm4b:s1+s16] =	stream.indirect_vreg.scatter [tilespmem:s26], [sflag:$0x9], $0x1, v3, vm0, $0x4038;
	[tilespmem:$0x11A60] =	vst v63  }
.LBB2_10:
0xcb: {  	_ =	sfence.sel $0x180000  }
0xcc: {  	s0 =	simm.s32 $0x7;
	[bflag:$0x0] =	sbarrier.arrive $0xFFFF  }
0xcd: {  	s26 =	simm.s32 $0x8;
	[sflag:s0] =	ssyncpa.u1 $0x1  }
0xce: {  	s28 =	simm.s32 $0x9;
	[sflag:s26] =	ssyncpa.u1 $0x1  }
0xcf: {  	[sflag:s28] =	ssyncpa.u1 $0x1  }
0xd0: {  	_ =	sfence.stream.spmem  }
0xd1: {  	s29 =	simm.s32 $0x3;
	[bflag:$0x0] =	sbarrier.arrive $0xFFFF  }
0xd2: {  	s30 =	simm.s32 $0x4;
	[sflag:s29] =	ssyncpa.u1 $0x1  }
0xd3: {  	s31 =	simm.s32 $0x3C;
	s2 =	stileid.u32;
	[sflag:s30] =	ssyncpa.u1 $0x1  }
0xd4: {  	p0 =	sne.s32 s2, $0x0;
	[sflag:s31] =	ssyncpa.u1 $0x1  }
0xd5: {  	s0 =	simm.s32 @p0 $0x1;
	_ =	sfence @p0  }
0xd6: {  	[sflag:s0] =	ssyncpa.u1 @p0 $0x1;
	s0 =	simm.s32 @p0 $0x2  }
0xd7: {  	[sflag:s0] =	ssyncpa.u1 @p0 $0x1  }
0xd8: {  	_ =	strace @p0 $0x90000047  }
0xd9: {  	[bflag:$0x2] =	sbarrier.arrive @p0 $0xFFFF  }
0xda: {  	_ =	shalt @p0  }
.LBB2_11:
0xdb: {  	_ =	sfence.stream.spmem;
	s0 =	simm.s32 $0x5  }
0xdc: {  	s2 =	simm.s32 $0x80;
	s3 =	simm.s32 $0xC0;
	[sflag:s0] =	ssyncpa.u1 $0x0  }
0xdd: {  	[tilespmem:s3], [sflag:$0x5] =	stream.linear.gather [spmem:s2], $0x20, $0x38;
	[tilespmem:$0x11A60] =	vst v63  }
0xde: {  	s2 =	simm.s32 $0x0;
	s3 =	simm.s32 $0xE0  }
0xdf: {  	[tilespmem:s3], [sflag:$0x5] =	stream.linear.gather [spmem:s2], $0x20, $0x38;
	[tilespmem:$0x11A60] =	vst v63  }
.Ltmp7:
0xe0: {  	_ = 	snop;
	(pc) =	sbr.rel .LBB2_12-.Ltmp7, $4  }
0xe1: {  	_ =	swait.ge [sflag:s0], $0x40  }
0xe2: {  	[sflag:s0] =	ssyncset.done $0x0  }
0xe3: {  	s31 =	simm.s32 $0x6;
	[sflag:s0] =	ssyncadd.s32 $0xFFFFFFC0  }
0xe4: {  	s4 =	simm.s32 $0x0;
	[sflag:s31] =	ssyncpa.u1 $0x0  }
.LBB2_17:
0xe5: {  	p0 =	sgt.u32 s5, $0x27FF  }
0xe6: {  	s0 =	sshrl.u32 @!p0 s5, $0x3  }
0xe7: {  	s5 =	sand.u32 @!p0 $0x7, s5;
	s6 =	simm.s32 @!p0 $0xB0;
	s0 =	sadd.s32 @!p0 s1, s0  }
0xe8: {  	[tilespmem:s6], [sflag:$0x6] =	stream.linear.gather @!p0 [hbm4b:s0+s5], $0x1, $0x38;
	[tilespmem:$0x11A60] =	vst v63  }
0xe9: {  	s0 =	simm.s32 @!p0 $0x6  }
0xea: {  	_ =	swait.ge @!p0 [sflag:s0], $0x1  }
0xeb: {  	[sflag:s0] =	ssyncset.done @!p0 $0x0  }
0xec: {  	[sflag:s0] =	ssyncadd.s32 @!p0 $0xFFFFFFFF  }
0xed: {  	v2 =	vmov @!p0 s4;
	v1 =	vld.msk @!p0 [tilespmem:$0xB0], $0x1;
	_ =	sdelay $0x3  }
0xee: {  	s0 =	simm.s32 @!p0 $0xE0  }
0xef: {  	[tilespmem:v2+s0+$0x0], v1 =	vst.idx.ret.add.f32.msk @!p0 $0x1, v1  }
0xf0: {  	[tilespmem:s2+$0xC0] =	vst.msk $0x1, v0  }
0xf1: {  	v0 =	vld.msk [tilespmem:s4+$0xE0], $0x1;
	_ =	sdelay $0x4  }
0xf2: {  	[tilespmem:s2+$0xE0] =	vst.msk $0x1, v0;
	s2 =	sadd.s32 $0x1, s2  }
.LBB2_19:
0xf3: {  	s4 =	sadd.s32 $0x1, s4  }
0xf4: {  	p0 =	sne.s32 s4, $0x20  }
.Ltmp8:
0xf5: {  	_ = 	snop;
	(pc) =	sbr.rel @!p0 .LBB2_20-.Ltmp8, $1  }
0xf6: {  	_ =	sdelay $0x3  }
.LBB2_12:
0xf7: {  	v0 =	vld.msk [tilespmem:s4+$0xC0], $0x1;
	_ =	sdelay $0x4  }
0xf8: {  	(v2sf) =	vpush v0, $0x0;
	_ =	sdelay $0xe  }
0xf9: {  	s5 =	spop (v2sf)  }
0xfa: {  	p0 =	seq.s32 s5, $0xFFFFFFFF  }
.Ltmp9:
0xfb: {  	_ = 	snop;
	(pc) =	sbr.rel @p0 .LBB2_19-.Ltmp9, $1  }
0xfc: {  	_ =	sdelay $0x3  }
0xfd: {  	p0 =	slt.s32 s2, $0x1  }
.Ltmp10:
0xfe: {  	_ = 	snop;
	(pc) =	sbr.rel @p0 .LBB2_17-.Ltmp10, $1  }
0xff: {  	_ =	sdelay $0x3  }
0x100: {  	s0 =	simm.s32 $0xC0;
	p0 =	por $0x0, $0x0  }
0x101: {  	v1 =	vld.msk @!p0 [tilespmem:s0+$0x0], $0x1;
	_ =	sdelay $0x4  }
0x102: {  	(v2sf) =	vpush @!p0 v1, $0x0;
	_ =	sdelay $0xd  }
0x103: {  	p2 =	sne.s32 s2, $0x1  }
.Ltmp11:
0x104: {  	s6 =	spop @!p0 (v2sf);
	(pc) =	sbr.rel @!p2 .LBB2_16-.Ltmp11, $4  }
0x105: {  	p1 =	seq.s32 @!p0 s5, s6  }
0x106: {  	s6 =	simm.s32 $0x0;
	p1 =	por !p1, p0  }
0x107: {  	s8 =	simm.s32 $0xFFFFFFFF;
	s6 =	simm.s32 @p1 $0xFFFFFFFF  }
0x108: {  	s7 =	simm.s32 $0x1;
	s6 =	smov.u32 @p0 s8  }
.LBB2_15:
0x109: {  	s8 =	smov.u32 s6;
	p0 =	sne.s32 s6, $0xFFFFFFFF  }
0x10a: {  	s0 =	sadd.s32 $0x1, s0;
	s6 =	smov.u32 s7;
	s7 =	sadd.s32 $0x1, s7  }
0x10b: {  	p1 =	sne.s32 s2, s7;
	v1 =	vld.msk @!p0 [tilespmem:s0+$0x0], $0x1;
	_ =	sdelay $0x4  }
0x10c: {  	(v2sf) =	vpush @!p0 v1, $0x0;
	_ =	sdelay $0xe  }
.Ltmp12:
0x10d: {  	s9 =	spop @!p0 (v2sf);
	(pc) =	sbr.rel @p1 .LBB2_15-.Ltmp12, $4  }
0x10e: {  	p2 =	seq.s32 @!p0 s5, s9  }
0x10f: {  	p2 =	por !p2, p0  }
0x110: {  	s6 =	simm.s32 @p2 $0xFFFFFFFF  }
0x111: {  	s6 =	smov.u32 @p0 s8  }
.LBB2_16:
0x112: {  	p0 =	sne.s32 s6, $0xFFFFFFFF  }
.Ltmp13:
0x113: {  	_ = 	snop;
	(pc) =	sbr.rel @!p0 .LBB2_17-.Ltmp13, $1  }
0x114: {  	_ =	sdelay $0x3  }
0x115: {  	v0 =	vld.msk [tilespmem:s4+$0xE0], $0x1;
	v1 =	vmov s6  }
.Ltmp14:
0x116: {  	_ = 	snop;
	(pc) =	sbr.rel .LBB2_19-.Ltmp14, $2  }
0x117: {  	_ =	sdelay $0x2  }
0x118: {  	[tilespmem:v1+s3+$0x0], v0 =	vst.idx.ret.add.f32.msk $0x1, v0  }
.LBB2_20:
0x119: {  	p0 =	slt.s32 s2, $0x1  }
.Ltmp15:
0x11a: {  	_ = 	snop;
	(pc) =	sbr.rel @p0 .LBB2_24-.Ltmp15, $3  }
0x11b: {  	_ =	sdelay $0x1  }
0x11c: {  	s0 =	simm.s32 $0x6  }
0x11d: {  	s3 =	simm.s32 $0x0;
	[sflag:s0] =	ssyncpa.u1 $0x1  }
0x11e: {  	s0 =	simm.s32 $0xC0  }
0x11f: {  	v0 =	vld.msk [tilespmem:s0+$0x0], $0x1;
	_ =	sdelay $0x4  }
0x120: {  	(v2sf) =	vpush v0, $0x0;
	_ =	sdelay $0xe  }
0x121: {  	s2 =	sadd.s32 $0xFFFFFFFF, s2;
	s4 =	spop (v2sf)  }
0x122: {  	p1 =	sne.s32 s2, $0x0;
	p0 =	sgt.u32 s4, $0x27FF  }
.Ltmp16:
0x123: {  	s5 =	sshrl.u32 @!p0 s4, $0x3;
	(pc) =	sbr.rel @!p1 .LBB2_23-.Ltmp16, $4  }
0x124: {  	s0 =	simm.s32 $0xE0;
	s4 =	sand.u32 @!p0 $0x7, s4;
	s5 =	sadd.s32 @!p0 s1, s5  }
0x125: {  	[hbm4b:s5+s4] =	stream.linear.scatter @!p0 [tilespmem:s0], [sflag:$0x5], $0x1, $0x38;
	[tilespmem:$0x11A60] =	vst v63  }
0x126: {  	s5 =	simm.s32 $0x0  }
0x127: {  	s4 =	simm.s32 $0xC1;
	s5 =	simm.s32 @!p0 $0x4  }
.LBB2_22:
0x128: {  	v0 =	vld.msk [tilespmem:s4+$0x0], $0x1;
	s2 =	sadd.s32 $0xFFFFFFFF, s2;
	s3 =	sadd.s32 s3, s5  }
0x129: {  	p0 =	sne.s32 s2, $0x0;
	_ =	sdelay $0x3  }
0x12a: {  	(v2sf) =	vpush v0, $0x0;
	_ =	sdelay $0xe  }
.Ltmp17:
0x12b: {  	s6 =	spop (v2sf);
	(pc) =	sbr.rel @p0 .LBB2_22-.Ltmp17, $4  }
0x12c: {  	s5 =	simm.s32 $0x0;
	p1 =	sgt.u32 s6, $0x27FF  }
0x12d: {  	s0 =	sadd.s32 $0x1, s0;
	s5 =	simm.s32 @!p1 $0x4;
	s7 =	sshrl.u32 @!p1 s6, $0x3  }
0x12e: {  	s4 =	sadd.s32 $0x1, s4;
	s6 =	sand.u32 @!p1 $0x7, s6;
	s7 =	sadd.s32 @!p1 s1, s7  }
0x12f: {  	[hbm4b:s7+s6] =	stream.linear.scatter @!p1 [tilespmem:s0], [sflag:$0x5], $0x1, $0x38;
	[tilespmem:$0x11A60] =	vst v63  }
.LBB2_23:
0x130: {  	s0 =	sadd.s32 s3, s5  }
0x131: {  	s3 =	sshrl.u32 s0, $0x2  }
.LBB2_24:
0x132: {  	s0 =	simm.s32 $0x5  }
0x133: {  	_ =	swait.ge [sflag:s0], s3  }
0x134: {  	s1 =	ssub.s32 $0x0, s3;
	[sflag:s0] =	ssyncset.done $0x0  }
0x135: {  	[sflag:s0] =	ssyncadd.s32 s1  }
0x136: {  	[sflag:s0] =	ssyncpa.u1 $0x1  }
0x137: {  	s29 =	simm.s32 $0x1;
	_ =	sfence  }
0x138: {  	s30 =	simm.s32 $0x2;
	[sflag:s29] =	ssyncpa.u1 $0x1  }
0x139: {  	[sflag:s30] =	ssyncpa.u1 $0x1  }
0x13a: {  	_ =	strace $0x90000047  }
0x13b: {  	[bflag:$0x2] =	sbarrier.arrive $0xFFFF  }
0x13c: {  	s31 =	rddreg [dreg:$0x2]  }
0x13d: {  	s0 =	sadd.s32 $0x100000, s31  }
0x13e: {  	[sflag:s0] =	ssyncadd.tile.s32 $0x1;
	_ =	shalt  }
.Lfunc_end2:
_tile_overlayer_lowered:
.L_overlay_start_2:
0x13f: {  	(tag) =	ssettag $0x2  }
0x140: {  	s0 =	rddreg [dreg:$0x0];
	s2 =	stileid.u32  }
0x141: {  	s1 =	rddreg [dreg:$0x1];
	p0 =	sne.s32 s2, $0x0  }
0x142: {  	s3 =	rddreg [dreg:$0x2];
	[bflag:$0x3] =	sbarrier.arrive $0xFFFF;
	s2 =	simm.s32 @!p0 $0x1C01  }
0x143: {  	[timem:s3], [sflag:s2] =	dma.local @!p0 [hbm:s0], s1  }
0x144: {  	s0 =	simm.s32 @!p0 $0x1  }
0x145: {  	_ =	swait.ge @!p0 [sflag:s0], s1  }
0x146: {  	s1 =	ssub.s32 @!p0 $0x0, s1;
	[sflag:s0] =	ssyncset.done @!p0 $0x0  }
0x147: {  	[sflag:s0] =	ssyncadd.s32 @!p0 s1  }
0x148: {  	[bflag:$0x3] =	sbarrier.arrive $0xFFFF  }
0x149: {  	_ =	shalt  }

// kernel: scatter_offload_async_start
scs
__scs_entry_jumppad:
0x0: {  	(pc) =	sbr.rel $0x88, $3  }
0x1: {  	(tag) =	ssettag $0x0;
	lr =	simm.s32 $0x1  }
0x2: {  	[smem:$0x3F8B] =	sst lr;
	_ =	strace $0xD0000000  }
0x3: {  	_ = 	snop  }
0x4: {  	_ = 	snop  }
0x5: {  	_ = 	snop  }
0x6: {  	_ = 	snop  }
0x7: {  	_ = 	snop  }
__scs_overlays_trampoline_lowered:
0x8: {  	[smem:$0x3F9A] =	sst s0  }
0x9: {  	[smem:$0x3F9B] =	sst s1  }
0xa: {  	[smem:$0x3F9C] =	sst s2  }
0xb: {  	[smem:$0x3F9D] =	sst s3  }
0xc: {  	[smem:$0x3F9E] =	sst s4  }
0xd: {  	[smem:$0x3F9F] =	sst s5  }
0xe: {  	[smem:$0x3FA0] =	sst s6  }
0xf: {  	[smem:$0x3FA1] =	sst s7  }
0x10: {  	[smem:$0x3FA2] =	sst s8  }
0x11: {  	[smem:$0x3FA3] =	sst s9;
	s0 =	simm.s32 @!p0 $0x0  }
0x12: {  	s1 =	sld [smem:$0x3F89];
	s0 =	simm.s32 @p0 $0x1  }
0x13: {  	[smem:$0x3FA4] =	sst s0;
	s0 =	simm.s32 @!p1 $0x0  }
0x14: {  	s2 =	sld [smem:$0x3F88];
	s0 =	simm.s32 @p1 $0x1  }
0x15: {  	[smem:$0x3FA5] =	sst s0;
	s0 =	simm.s32 @!p2 $0x0  }
0x16: {  	s3 =	sld [smem:$0x3FDB];
	s0 =	simm.s32 @p2 $0x1  }
0x17: {  	s4 =	simm.s32 $0x1BF5;
	[smem:$0x3FA7] =	sst s0  }
0x18: {  	s0 =	sld [smem:$0x3F8A];
	_ =	swait.ge [sflag:s4], $0x0  }
0x19: {  	s7 =	sld [smem:$0x3F8B]  }
0x1a: {  	s8 =	sadd.s32 $0xFFFFE003, lr  }
0x1b: {  	s9 =	sadd.s32 $0xFFFFFEF7, lr;
	s5 =	simm.s32 $0xFFFFFFFF;
	p2 =	slt.u32 s8, $0xFFFFF086  }
0x1c: {  	p1 =	slt.u32 s9, $0xF7A;
	s5 =	simm.s32 @!p2 $0x0  }
0x1d: {  	s5 =	simm.s32 @p1 $0x1;
	p0 =	seq.s32 s7, s2  }
0x1e: {  	s7 =	smul.u32 @!p0 $0xF7A, s2;
	p2 =	seq.s32 @!p0 s5, $0x0  }
0x1f: {  	s9 =	smul.u32 $0xF7A, s1;
	s8 =	simm.s32 @!p0 $0x1BF5;
	p2 =	por !p2, p0  }
0x20: {  	[sflag:s8] =	ssyncset.s32 @!p0 $0xFFFFF086;
	s6 =	sadd.s32 @!p0 s3, s7;
	s7 =	simm.s32 @!p0 $0x108  }
0x21: {  	s3 =	sadd.s32 s3, s9;
	s6 =	sadd.s32 @!p0 $0x88, s6;
	s7 =	simm.s32 @p2 $0x1082  }
0x22: {  	[simem:s7], [sflag:s8] =	dma.local @!p0 [hbm:s6], $0xF7A  }
0x23: {  	s9 =	sor.u32 $0xD0000000, s2;
	s6 =	simm.s32 $0x108;
	_ =	swait.ge @!p0 [sflag:s8], $0x0  }
0x24: {  	s3 =	sadd.s32 $0x88, s3;
	s6 =	simm.s32 @!p1 $0x1082;
	[sflag:s4] =	ssyncset.s32 $0xFFFFF086  }
0x25: {  	[simem:s6], [sflag:s4] =	dma.local [hbm:s3], $0xF7A  }
0x26: {  	[smem:$0x3F8B] =	sst s1;
	(tag) =	ssettag s2;
	_ =	strace s9  }
0x27: {  	s1 =	sld [smem:$0x3F9B]  }
0x28: {  	s2 =	sld [smem:$0x3F9C]  }
0x29: {  	s4 =	sld [smem:$0x3F9E]  }
0x2a: {  	p0 =	seq.s32 s5, $0x0;
	s5 =	sld [smem:$0x3F9F]  }
0x2b: {  	s6 =	sld [smem:$0x3FA0]  }
0x2c: {  	s7 =	sld [smem:$0x3FA1]  }
0x2d: {  	s3 =	simm.s32 $0x108;
	s8 =	sld [smem:$0x3FA2]  }
0x2e: {  	s3 =	simm.s32 @!p0 $0x1082;
	s9 =	sld [smem:$0x3FA3]  }
0x2f: {  	lr =	sadd.s32 s0, s3;
	s0 =	sld [smem:$0x3F9A]  }
0x30: {  	s3 =	sld [smem:$0x3F9D]  }
0x31: {  	[smem:$0x3FA6] =	sst s10  }
0x32: {  	s10 =	sld [smem:$0x3FA4];
	_ =	sdelay $0x3  }
0x33: {  	p0 =	seq.s32 s10, $0x1;
	s10 =	sld [smem:$0x3FA6];
	_ =	sdelay $0x3  }
0x34: {  	[smem:$0x3FA6] =	sst s10  }
0x35: {  	s10 =	sld [smem:$0x3FA5];
	_ =	sdelay $0x3  }
0x36: {  	p1 =	seq.s32 s10, $0x1;
	s10 =	sld [smem:$0x3FA6];
	_ =	sdelay $0x3  }
0x37: {  	[smem:$0x3FA6] =	sst s10  }
0x38: {  	s10 =	sld [smem:$0x3FA7]  }
0x39: {  	_ = 	snop;
	(pc) =	sbr.ind lr, $3  }
0x3a: {  	_ = 	snop  }
0x3b: {  	_ = 	snop  }
0x3c: {  	p2 =	seq.s32 s10, $0x1;
	s10 =	sld [smem:$0x3FA6]  }
0x3d: {  	_ =	shalt  }
0x3e: {  	_ =	shalt  }
0x3f: {  	_ =	shalt  }
0x40: {  	_ =	shalt  }
0x41: {  	_ =	shalt  }
0x42: {  	_ =	shalt  }
0x43: {  	_ =	shalt  }
0x44: {  	_ =	shalt  }
0x45: {  	_ =	shalt  }
0x46: {  	_ =	shalt  }
0x47: {  	_ =	shalt  }
0x48: {  	_ =	shalt  }
0x49: {  	_ =	shalt  }
0x4a: {  	_ =	shalt  }
0x4b: {  	_ =	shalt  }
0x4c: {  	_ =	shalt  }
0x4d: {  	_ =	shalt  }
0x4e: {  	_ =	shalt  }
0x4f: {  	_ =	shalt  }
0x50: {  	_ =	shalt  }
0x51: {  	_ =	shalt  }
0x52: {  	_ =	shalt  }
0x53: {  	_ =	shalt  }
0x54: {  	_ =	shalt  }
0x55: {  	_ =	shalt  }
0x56: {  	_ =	shalt  }
0x57: {  	_ =	shalt  }
0x58: {  	_ =	shalt  }
0x59: {  	_ =	shalt  }
0x5a: {  	_ =	shalt  }
0x5b: {  	_ =	shalt  }
0x5c: {  	_ =	shalt  }
0x5d: {  	_ =	shalt  }
0x5e: {  	_ =	shalt  }
0x5f: {  	_ =	shalt  }
0x60: {  	_ =	shalt  }
0x61: {  	_ =	shalt  }
0x62: {  	_ =	shalt  }
0x63: {  	_ =	shalt  }
0x64: {  	_ =	shalt  }
0x65: {  	_ =	shalt  }
0x66: {  	_ =	shalt  }
0x67: {  	_ =	shalt  }
0x68: {  	_ =	shalt  }
0x69: {  	_ =	shalt  }
0x6a: {  	_ =	shalt  }
0x6b: {  	_ =	shalt  }
0x6c: {  	_ =	shalt  }
0x6d: {  	_ =	shalt  }
0x6e: {  	_ =	shalt  }
0x6f: {  	_ =	shalt  }
0x70: {  	_ =	shalt  }
0x71: {  	_ =	shalt  }
0x72: {  	_ =	shalt  }
0x73: {  	_ =	shalt  }
0x74: {  	_ =	shalt  }
0x75: {  	_ =	shalt  }
0x76: {  	_ =	shalt  }
0x77: {  	_ =	shalt  }
0x78: {  	_ =	shalt  }
0x79: {  	_ =	shalt  }
0x7a: {  	_ =	shalt  }
0x7b: {  	_ =	shalt  }
0x7c: {  	_ =	shalt  }
0x7d: {  	_ =	shalt  }
0x7e: {  	_ =	shalt  }
0x7f: {  	_ =	shalt  }
0x80: {  	_ =	shalt  }
0x81: {  	_ =	shalt  }
0x82: {  	_ =	shalt  }
0x83: {  	_ =	shalt  }
0x84: {  	_ =	shalt  }
0x85: {  	_ =	shalt  }
0x86: {  	_ =	shalt  }
0x87: {  	_ =	shalt  }
.Lfunc_end0:
.L_simem_size_0:
called_computation_lowered:
.L_overlay_start_0:
0x88: {  	s2 =	sld [smem:$0x3FD9]  }
0x89: {  	s3 =	sld [smem:$0x3FFE];
	_ =	sdelay $0x1  }
0x8a: {  	s1 =	srdreg.scid  }
0x8b: {  	s0 =	sand.u32 $0x1, s1  }
0x8c: {  	s10 =	sshll.u32 s0, $0xA;
	s2 =	sadd.s32 s3, s2  }
0x8d: {  	s2 =	sadd.s32 s2, s10  }
0x8e: {  	[smem:$0x3FB2] =	sst s2  }
0x8f: {  	_ = 	snop  }
0x90: {  	s11 =	sld [smem:$0x3FD0];
	_ =	sdelay $0x2  }
0x91: {  	s4 =	simm.s32 $0xC;
	s5 =	simm.s32 $0x10;
	s2 =	sld [smem:$0x3FC8]  }
0x92: {  	[smem:s5], [sflag:s4] =	dma.local [hbm:s11], $0x1  }
0x93: {  	_ =	swait.eq [sflag:s4], $0x1  }
0x94: {  	[sflag:s4] =	ssyncset.done $0x0  }
0x95: {  	[sflag:s4] =	ssyncadd.s32 $0xFFFFFFFF  }
0x96: {  	s12 =	sld [smem:$0x10];
	(tm) =	ssettm $0x1  }
0x97: {  	s13 =	sld [smem:$0x3FFB];
	_ =	sdelay $0x3  }
0x98: {  	_ =	strace s13  }
0x99: {  	s3 =	sld [smem:$0x3FFC];
	_ =	sdelay $0x3  }
0x9a: {  	_ =	strace s3  }
0x9b: {  	s3 =	sld [smem:$0x3FFD];
	_ =	sdelay $0x3  }
0x9c: {  	_ =	strace s3  }
0x9d: {  	_ =	strace $0x8FFFFFFF  }
0x9e: {  	s14 =	sld [smem:$0x3FDB];
	_ =	sdelay $0x1  }
0x9f: {  	s15 =	simm.s32 $_scs_section_size  }
0xa0: {  	s6 =	simm.s32 $_size__tile_overlayer_lowered;
	s7 =	simm.s32 $_tile_overlayer_lowered  }
0xa1: {  	s19 =	simm.s32 $0x1BFF;
	s17 =	sshll.u32 s7, $0x1;
	s8 =	sadd.s32 s15, s14  }
0xa2: {  	s20 =	simm.s32 $0x0;
	s16 =	sshll.u32 s6, $0x1;
	s18 =	sadd.s32 s17, s8  }
0xa3: {  	[timem:s20], [sflag:s19] =	dma.local [hbm:s18], s16  }
0xa4: {  	_ =	swait.ge [sflag:s19], s16  }
0xa5: {  	s4 =	ssub.s32 $0x0, s16;
	[sflag:s19] =	ssyncset.done $0x0  }
0xa6: {  	[sflag:s19] =	ssyncadd.s32 s4;
	_ =	sdelay $0x1  }
0xa7: {  	s21 =	simm.s32 $0x1B8B  }
0xa8: {  	_ =	swait.ge [sflag:s21], $0x1  }
0xa9: {  	[sflag:s21] =	ssyncset.done $0x0  }
0xaa: {  	[sflag:s21] =	ssyncadd.s32 $0xFFFFFFFF  }
0xab: {  	s4 =	sld [smem:$0x0]  }
0xac: {  	s6 =	sand.u32 $0xFFFFFFFE, s1  }
0xad: {  	p0 =	sne.s32 s1, s6  }
0xae: {  	s6 =	sshll.u32 @p0 s6, $0xE  }
0xaf: {  	s7 =	sadd.s32 @p0 $0x11B8D, s6;
	s9 =	sshll.u32 @p0 s4, $0x11  }
0xb0: {  	s7 =	sor.u32 @p0 s9, s7  }
0xb1: {  	[sflag:s7] =	ssyncadd.remote.s32 @p0 $0x1;
	_ =	sdelay $0x1  }
0xb2: {  	s7 =	simm.s32 @p0 $0x1B8D  }
0xb3: {  	_ =	swait.eq @p0 [sflag:s7], $0x1  }
0xb4: {  	[sflag:s7] =	ssyncadd.s32 @p0 $0xFFFFFFFF  }
0xb5: {  	s9 =	sshll.u32 @!p0 s1, $0xE  }
0xb6: {  	s9 =	sor.u32 @!p0 $0x4000, s9;
	s7 =	simm.s32 @!p0 $0x1B8D  }
0xb7: {  	s11 =	sshll.u32 @!p0 s4, $0x11;
	s10 =	sadd.s32 @!p0 $0x11B8D, s9;
	_ =	swait.eq @!p0 [sflag:s7], $0x1  }
0xb8: {  	[sflag:s7] =	ssyncadd.s32 @!p0 $0xFFFFFFFF;
	s7 =	sor.u32 @!p0 s11, s10  }
0xb9: {  	s23 =	simm.s32 $0x1B8E;
	s22 =	sld [smem:$0x3FFE];
	[sflag:s7] =	ssyncadd.remote.s32 @!p0 $0x1  }
0xba: {  	s24 =	simm.s32 $execute0_lowered;
	[smem:$0x3FD2] =	sst s23  }
0xbb: {  	s10 =	sshll.u32 s24, $0x1;
	_ =	strace $0x80000049;
	[dreg:$0x1] =	wrdreg $0xFFFFFFFF  }
0xbc: {  	s25 =	simm.s32 $_size_execute0_lowered;
	s10 =	sadd.s32 s8, s10;
	[dreg:$0x0] =	wrdreg $0x0  }
0xbd: {  	s11 =	sshll.u32 s25, $0x1;
	[dreg:$0x2] =	wrdreg s10  }
0xbe: {  	[dreg:$0x3] =	wrdreg s11  }
0xbf: {  	[dreg:$0x4] =	wrdreg $0xC0  }
0xc0: {  	s26 =	simm.s32 $execute1_lowered;
	_ =	task [dreg:s20], $0x5FFFF  }
0xc1: {  	s10 =	sshll.u32 s26, $0x1;
	[dreg:$0x1] =	wrdreg $0xFFFFFFFF  }
0xc2: {  	s8 =	sadd.s32 s8, s10;
	[dreg:$0x0] =	wrdreg $0x60  }
0xc3: {  	[dreg:$0x2] =	wrdreg s8  }
0xc4: {  	[dreg:$0x3] =	wrdreg s12  }
0xc5: {  	[dreg:$0x4] =	wrdreg s22  }
0xc6: {  	[dreg:$0x5] =	wrdreg $0x9  }
0xc7: {  	_ =	task.clear_ibuf [dreg:s20], $0x6FFFF;
	_ =	strace $0x90000049  }
0xc8: {  	s28 =	simm.s32 $0x9;
	_ =	strace $0x8000004B  }
0xc9: {  	_ =	swait.ge [sflag:s28], $0x1  }
0xca: {  	[sflag:s28] =	ssyncadd.s32 $0xFFFFFFFF  }
0xcb: {  	_ =	strace $0x9000004B  }
0xcc: {  	s5 =	sld [smem:$0x0];
	_ =	sdelay $0x3  }
0xcd: {  	s6 =	sadd.s32 @p0 $0x11BF3, s6;
	s8 =	sshll.u32 @p0 s5, $0x11  }
0xce: {  	s6 =	sor.u32 @p0 s8, s6  }
0xcf: {  	[sflag:s6] =	ssyncadd.remote.s32 @p0 $0x1;
	_ =	sdelay $0x1  }
0xd0: {  	s6 =	simm.s32 @p0 $0x1BF3  }
0xd1: {  	_ =	swait.eq @p0 [sflag:s6], $0x1  }
0xd2: {  	[sflag:s6] =	ssyncadd.s32 @p0 $0xFFFFFFFF;
	_ =	sdelay $0x1  }
0xd3: {  	s6 =	simm.s32 @!p0 $0x1BF3  }
0xd4: {  	s5 =	sshll.u32 @!p0 s5, $0x11;
	s8 =	sadd.s32 @!p0 $0x11BF3, s9;
	_ =	swait.eq @!p0 [sflag:s6], $0x1  }
0xd5: {  	s5 =	sor.u32 @!p0 s5, s8;
	[sflag:s6] =	ssyncadd.s32 @!p0 $0xFFFFFFFF  }
0xd6: {  	[sflag:s5] =	ssyncadd.remote.s32 @!p0 $0x1  }
0xd7: {  	_ =	strace $0x8000004C;
	[dreg:$0x1] =	wrdreg $0xFFFFFFFF  }
0xd8: {  	[dreg:$0x0] =	wrdreg $0x2030  }
0xd9: {  	[dreg:$0x2] =	wrdreg s22  }
0xda: {  	[dreg:$0x3] =	wrdreg s2  }
0xdb: {  	[dreg:$0x4] =	wrdreg s1  }
0xdc: {  	[dreg:$0x5] =	wrdreg s4  }
0xdd: {  	[dreg:$0x6] =	wrdreg $0xA  }
0xde: {  	_ =	task.clear_ibuf [dreg:s20], $0x7FFFF;
	_ =	strace $0x9000004C  }
0xdf: {  	s29 =	simm.s32 $0xA;
	_ =	strace $0x8000004E  }
0xe0: {  	_ =	swait.ge [sflag:s29], $0x1  }
0xe1: {  	[sflag:s29] =	ssyncadd.s32 $0xFFFFFFFF  }
0xe2: {  	_ =	strace $0x9000004E  }
0xe3: {  	_ =	sfence  }
0xe4: {  	s30 =	sld [smem:$0x0];
	_ =	sdelay $0x2  }
0xe5: {  	s31 =	sshll.u32 s1, $0xD;
	s1 =	sshrl.u32 s1, $0x2  }
0xe6: {  	s4 =	sand.u32 $0x4000, s31;
	s1 =	sadd.s32 s1, s30  }
0xe7: {  	s0 =	sor.u32 s4, s0;
	s1 =	sshll.u32 s1, $0x11  }
0xe8: {  	s0 =	sor.u32 s1, s0  }
0xe9: {  	s0 =	sadd.s32 $0x8F2B, s0  }
0xea: {  	[sflag:s0] =	ssyncadd.remote.s32 $0x1  }
0xeb: {  	_ =	sfence.sel $0xFFFF  }
0xec: {  	[dreg:$0x0] =	wrdreg $0xFFFFFFFF;
	(pc) =	sbr.abs _section_cstart, $3  }
0xed: {  	[dreg:$0x1] =	wrdreg $0xFFFFFFFF  }
0xee: {  	_ =	task.clear_ibuf [dreg:s20], $0x2FFFF;
	_ =	strace $0x9FFFFFFF  }
0xef: {  	(tm) =	ssettm $0x7FFFFFFF  }
tec
execute0_lowered:
.L_overlay_start_1:
0x0: {  	(tag) =	ssettag $0x1  }
0x1: {  	s3 =	rddreg [dreg:$0x0]  }
0x2: {  	s2 =	rddreg [dreg:$0x1]  }
0x3: {  	s4 =	rddreg [dreg:$0x2]  }
0x4: {  	s0 =	rddreg [dreg:$0x3]  }
0x5: {  	s5 =	stileid.u32;
	[bflag:$0x3] =	sbarrier.arrive $0xFFFF;
	s1 =	simm.s32 $_size_execute1_lowered  }
0x6: {  	s29 =	srdreg.scid;
	s31 =	simm.s32 $0x2;
	p0 =	sne.s32 s5, $0x0  }
0x7: {  	s1 =	sshll.u32 s1, $0x1;
	s6 =	simm.s32 @!p0 $0x1C3F;
	s7 =	simm.s32 @!p0 $0x4060  }
0x8: {  	[timem:s7], [sflag:s6] =	dma.local @!p0 [hbm:s3], s1  }
0x9: {  	s8 =	simm.s32 $0x0;
	s12 =	simm.s32 $0x0;
	s3 =	sshll.u32 s29, $0x7  }
.Ltmp0:
0xa: {  	s5 =	sshll.u32 s5, $0x8;
	s3 =	sand.u32 $0x80, s3;
	(pc) =	sbr.rel .LBB2_1-.Ltmp0, $4  }
0xb: {  	s10 =	simm.s32 $0x0;
	s11 =	simm.s32 $0x0;
	s3 =	sor.u32 s5, s3  }
0xc: {  	_ =	strace $0x8000004A;
	s5 =	simm.s32 $0x1;
	s30 =	ssub.s32 $0x2700, s3  }
0xd: {  	s4 =	sadd.s32 $0x33200, s4;
	[sflag:s5] =	ssyncpa.u1 $0x0;
	s6 =	sshrl.u32 s30, $0xC  }
0xe: {  	s9 =	smov.u32 s3;
	[sflag:s31] =	ssyncpa.u1 $0x0;
	s7 =	sadd.s32 $0x2, s6  }
.LBB2_4:
0xf: {  	_ = 	snop  }
.LBB2_7:
0x10: {  	_ =	sdelay $0x3  }
0x11: {  	[tilespmem:v0+s16+$0x0 ss:$0x1] =	vst.idx.msk @p1 $0xffff, v2  }
0x12: {  	v56 =	vld.idx.msk [tilespmem:v1+s15+$0x0 ss:$0x1], $0xffff;
	s24 =	sor.u32 $0x70, s15;
	[tilespmem:v0+s17+$0x0 ss:$0x1] =	vst.idx.msk @p1 $0xffff, v4  }
0x13: {  	s25 =	sor.u32 $0x10, s15;
	[tilespmem:v0+s18+$0x0 ss:$0x1] =	vst.idx.msk @p1 $0xffff, v3;
	v57 =	vld.idx.msk [tilespmem:v1+s24+$0x0 ss:$0x1], $0xffff  }
0x14: {  	s26 =	sor.u32 $0x20, s15;
	[tilespmem:v0+s19+$0x0 ss:$0x1] =	vst.idx.msk @p1 $0xffff, v5;
	v58 =	vld.idx.msk [tilespmem:v1+s25+$0x0 ss:$0x1], $0xffff  }
0x15: {  	s28 =	sor.u32 $0x30, s15;
	[tilespmem:v0+s20+$0x0 ss:$0x1] =	vst.idx.msk @p1 $0xffff, v6;
	v59 =	vld.idx.msk [tilespmem:v1+s26+$0x0 ss:$0x1], $0xffff  }
0x16: {  	s29 =	sor.u32 $0x40, s15;
	[tilespmem:v0+s21+$0x0 ss:$0x1] =	vst.idx.msk @p1 $0xffff, v7;
	v60 =	vld.idx.msk [tilespmem:v1+s28+$0x0 ss:$0x1], $0xffff  }
0x17: {  	s30 =	sor.u32 $0x50, s15;
	v61 =	vld.idx.msk [tilespmem:v1+s29+$0x0 ss:$0x1], $0xffff;
	[tilespmem:v0+s15+$0x0 ss:$0x1] =	vst.idx.msk $0xffff, v56  }
0x18: {  	s31 =	sor.u32 $0x60, s15;
	v62 =	vld.idx.msk [tilespmem:v1+s30+$0x0 ss:$0x1], $0xffff;
	[tilespmem:v0+s24+$0x0 ss:$0x1] =	vst.idx.msk $0xffff, v57  }
0x19: {  	v63 =	vld.idx.msk [tilespmem:v1+s31+$0x0 ss:$0x1], $0xffff;
	[tilespmem:v0+s25+$0x0 ss:$0x1] =	vst.idx.msk $0xffff, v58  }
0x1a: {  	[tilespmem:v0+s26+$0x0 ss:$0x1] =	vst.idx.msk $0xffff, v59  }
0x1b: {  	[tilespmem:v0+s28+$0x0 ss:$0x1] =	vst.idx.msk $0xffff, v60  }
0x1c: {  	[tilespmem:v0+s29+$0x0 ss:$0x1] =	vst.idx.msk $0xffff, v61  }
0x1d: {  	[tilespmem:v0+s30+$0x0 ss:$0x1] =	vst.idx.msk $0xffff, v62  }
0x1e: {  	[tilespmem:v0+s31+$0x0 ss:$0x1] =	vst.idx.msk $0xffff, v63  }
.LBB2_8:
0x1f: {  	s15 =	sand.u32 $0x1FFFFFF, s10  }
0x20: {  	s16 =	smulhi.u32 $0x1A36E2F, s15;
	_ =	sdelay $0x1  }
0x21: {  	s16 =	sshrl.u32 s16, $0x6  }
0x22: {  	s16 =	smul.u32 $0x2710, s16;
	_ =	sdelay $0x1  }
0x23: {  	s15 =	ssub.s32 s15, s16  }
0x24: {  	s15 =	sshll.u32 s15, $0x4  }
0x25: {  	s15 =	sadd.s32 s4, s15  }
0x26: {  	[hbm4b:s15+s8] =	stream.linear.scatter [tilespmem:s14], [sflag:$0x2], s13, $0x38;
	[tilespmem:$0x10000] =	vst v63  }
.LBB2_9:
0x27: {  	p1 =	slt.u32 s11, $0x2  }
0x28: {  	p2 =	sgt.s32 @!p1 s12, $0x2690  }
0x29: {  	s13 =	smov.u32 s12;
	s14 =	sshra.s32 @!p1 s12, $0x1F;
	p2 =	por !p2, p1  }
0x2a: {  	s12 =	sand.u32 @!p1 s14, s12;
	s13 =	simm.s32 @p2 $0x2690  }
0x2b: {  	s12 =	ssub.s32 @!p1 s13, s12  }
0x2c: {  	s12 =	sadd.s32 @!p1 $0xFFFFD970, s12  }
0x2d: {  	s13 =	sshll.u32 @!p1 s12, $0x9  }
0x2e: {  	p2 =	sgt.s32 @!p1 s12, $0x7F;
	s12 =	ssub.s32 @!p1 $0x10000, s13  }
0x2f: {  	s14 =	sadd.s32 $0x1000, s9;
	p2 =	por !p2, p1;
	s12 =	sshrl.u32 @!p1 s12, $0x2  }
0x30: {  	s12 =	simm.s32 @!p2 $0x0;
	p2 =	sgt.s32 s14, $0x270F  }
0x31: {  	s14 =	smov.u32 @p2 s3;
	p2 =	sne.s32 s11, s7  }
.Ltmp1:
0x32: {  	_ = 	snop;
	(pc) =	sbr.rel @!p2 .LBB2_10-.Ltmp1, $4  }
0x33: {  	s13 =	simm.s32 @!p1 $0x2  }
0x34: {  	_ =	swait.ge @!p1 [sflag:s13], s12;
	s15 =	ssub.s32 @!p1 $0x0, s12  }
0x35: {  	s12 =	smov.u32 s10;
	s11 =	sadd.s32 $0x1, s11;
	[sflag:s13] =	ssyncset.done @!p1 $0x0  }
0x36: {  	s10 =	smov.u32 s9;
	s9 =	smov.u32 s14;
	[sflag:s13] =	ssyncadd.s32 @!p1 s15  }
.LBB2_1:
0x37: {  	p1 =	sgt.u32 s11, s6  }
0x38: {  	s13 =	sand.u32 @!p1 $0x1FFFFFF, s9  }
0x39: {  	p2 =	sgt.s32 @!p1 s9, $0x2690;
	s14 =	smulhi.u32 @!p1 $0x1A36E2F, s13  }
0x3a: {  	s15 =	smov.u32 s9;
	s16 =	sshra.s32 @!p1 s9, $0x1F;
	p2 =	por !p2, p1  }
0x3b: {  	s16 =	sand.u32 @!p1 s16, s9;
	s15 =	simm.s32 @p2 $0x2690;
	s14 =	sshrl.u32 @!p1 s14, $0x6  }
0x3c: {  	s15 =	ssub.s32 @!p1 s15, s16;
	s14 =	smul.u32 @!p1 $0x2710, s14  }
0x3d: {  	s16 =	sxor.u32 @!p1 $0xFFFFFFFF, s11;
	s15 =	sadd.s32 @!p1 $0xFFFFD970, s15  }
0x3e: {  	s16 =	sshll.u32 @!p1 s16, $0xE;
	s13 =	ssub.s32 @!p1 s13, s14;
	s14 =	sshll.u32 @!p1 s15, $0x9  }
0x3f: {  	s16 =	sand.u32 @!p1 $0x4000, s16;
	p2 =	sgt.s32 @!p1 s15, $0x7F;
	s14 =	ssub.s32 @!p1 $0x10000, s14  }
0x40: {  	p2 =	por !p2, p1;
	s13 =	sshll.u32 @!p1 s13, $0x4;
	s14 =	sshrl.u32 @!p1 s14, $0x2  }
0x41: {  	s15 =	simm.s32 @!p1 $0x0;
	s13 =	sadd.s32 @!p1 s2, s13;
	s14 =	simm.s32 @!p2 $0x0  }
0x42: {  	[tilespmem:s16], [sflag:$0x1] =	stream.linear.gather @!p1 [hbm4b:s13+s15], s14, $0x38;
	[tilespmem:$0x10000] =	vst v63  }
0x43: {  	p1 =	seq.s32 s11, $0x0  }
0x44: {  	p2 =	sge.u32 @!p1 s11, s7  }
0x45: {  	p1 =	por p1, p2  }
.Ltmp2:
0x46: {  	_ = 	snop;
	(pc) =	sbr.rel @p1 .LBB2_9-.Ltmp2, $1  }
0x47: {  	_ =	sdelay $0x3  }
0x48: {  	p1 =	sgt.s32 s10, $0x2690;
	s13 =	smov.u32 s10;
	s14 =	sshra.s32 s10, $0x1F  }
0x49: {  	s13 =	simm.s32 @!p1 $0x2690;
	s14 =	sand.u32 s14, s10  }
0x4a: {  	s13 =	ssub.s32 s13, s14  }
0x4b: {  	s13 =	sadd.s32 $0xFFFFD970, s13  }
0x4c: {  	s31 =	sshll.u32 s13, $0x9  }
0x4d: {  	s14 =	ssub.s32 $0x10000, s31  }
0x4e: {  	p1 =	sgt.s32 s13, $0x7F;
	s13 =	sshrl.u32 s14, $0x2;
	s14 =	sadd.s32 $0x80, s10  }
0x4f: {  	s13 =	simm.s32 @p1 $0x0;
	p1 =	slt.s32 s14, $0x2710  }
0x50: {  	s14 =	simm.s32 @!p1 $0x2710  }
0x51: {  	s16 =	ssub.s32 s14, s10  }
0x52: {  	p1 =	slt.s32 s16, $0x1  }
.Ltmp3:
0x53: {  	_ = 	snop;
	(pc) =	sbr.rel @p1 .LBB2_8-.Ltmp3, $4  }
0x54: {  	_ = 	snop  }
0x55: {  	s15 =	sshll.u32 s11, $0xE;
	_ =	swait.ge [sflag:s5], s13  }
0x56: {  	s15 =	sand.u32 $0x4000, s15;
	s17 =	ssub.s32 $0x0, s13;
	[sflag:s5] =	ssyncset.done $0x0  }
0x57: {  	s14 =	sor.u32 $0x8000, s15;
	[sflag:s5] =	ssyncadd.s32 s17  }
0x58: {  	p2 =	sne.s32 s16, $0x1  }
.Ltmp4:
0x59: {  	v1 =	vmov s15;
	v0 =	vmov s14;
	(pc) =	sbr.rel @!p2 .LBB2_4-.Ltmp4, $3  }
0x5a: {  	_ =	sdelay $0x1  }
0x5b: {  	s17 =	simm.s32 $0x0  }
0x5c: {  	s23 =	sadd.s32 $0xFFFFFFFF, s16;
	p1 =	por $0x0, $0x0;
	s15 =	sand.u32 $0x3F80, s17  }
0x5d: {  	_ =	sdelay $0x3  }
0x5e: {  	v6 =	vld.idx.msk [tilespmem:v1+s15+$0x0 ss:$0x1], $0xffff;
	s24 =	sor.u32 $0x70, s15  }
0x5f: {  	s16 =	sor.u32 $0x10, s15;
	v8 =	vld.idx.msk [tilespmem:v1+s24+$0x0 ss:$0x1], $0xffff  }
0x60: {  	s17 =	sor.u32 $0x20, s15;
	p2 =	sne.s32 s23, $0x1;
	v2 =	vld.idx.msk [tilespmem:v1+s16+$0x0 ss:$0x1], $0xffff  }
.Ltmp5:
0x61: {  	s18 =	sor.u32 $0x30, s15;
	v4 =	vld.idx.msk [tilespmem:v1+s17+$0x0 ss:$0x1], $0xffff;
	(pc) =	sbr.rel @!p2 .LBB2_7-.Ltmp5, $4  }
0x62: {  	s19 =	sor.u32 $0x40, s15;
	v3 =	vld.idx.msk [tilespmem:v1+s18+$0x0 ss:$0x1], $0xffff  }
0x63: {  	s21 =	sor.u32 $0x60, s15;
	v5 =	vld.idx.msk [tilespmem:v1+s19+$0x0 ss:$0x1], $0xffff  }
0x64: {  	s20 =	sor.u32 $0x50, s15;
	s22 =	simm.s32 $0x80;
	v7 =	vld.idx.msk [tilespmem:v1+s21+$0x0 ss:$0x1], $0xffff;
	[tilespmem:v0+s15+$0x0 ss:$0x1] =	vst.idx.msk $0xffff, v6  }
0x65: {  	s23 =	sadd.s32 $0xFFFFFFFF, s23;
	p1 =	por $0x1, $0x1;
	v6 =	vld.idx.msk [tilespmem:v1+s20+$0x0 ss:$0x1], $0xffff;
	s15 =	sand.u32 $0x3F80, s22;
	[tilespmem:v0+s24+$0x0 ss:$0x1] =	vst.idx.msk $0xffff, v8  }
.LBB2_6:
0x66: {  	p2 =	sne.s32 s23, $0x1;
	v8 =	vld.idx.msk [tilespmem:v1+s15+$0x0 ss:$0x1], $0xffff;
	s24 =	sor.u32 $0x70, s15;
	[tilespmem:v0+s16+$0x0 ss:$0x1] =	vst.idx.msk $0xffff, v2;
	s16 =	sor.u32 $0x10, s15  }
0x67: {  	s25 =	sor.u32 $0x30, s15;
	s26 =	sor.u32 $0x40, s15;
	v9 =	vld.idx.msk [tilespmem:v1+s24+$0x0 ss:$0x1], $0xffff;
	[tilespmem:v0+s17+$0x0 ss:$0x1] =	vst.idx.msk $0xffff, v4;
	s17 =	sor.u32 $0x20, s15  }
0x68: {  	s28 =	sor.u32 $0x50, s15;
	s29 =	sor.u32 $0x60, s15;
	v2 =	vld.idx.msk [tilespmem:v1+s16+$0x0 ss:$0x1], $0xffff;
	[tilespmem:v0+s18+$0x0 ss:$0x1] =	vst.idx.msk $0xffff, v3;
	s18 =	smov.u32 s25  }
.Ltmp6:
0x69: {  	v4 =	vld.idx.msk [tilespmem:v1+s17+$0x0 ss:$0x1], $0xffff;
	[tilespmem:v0+s19+$0x0 ss:$0x1] =	vst.idx.msk $0xffff, v5;
	s19 =	smov.u32 s26;
	(pc) =	sbr.rel @p2 .LBB2_6-.Ltmp6, $4  }
0x6a: {  	v3 =	vld.idx.msk [tilespmem:v1+s18+$0x0 ss:$0x1], $0xffff;
	[tilespmem:v0+s20+$0x0 ss:$0x1] =	vst.idx.msk $0xffff, v6;
	s20 =	smov.u32 s28  }
0x6b: {  	v5 =	vld.idx.msk [tilespmem:v1+s19+$0x0 ss:$0x1], $0xffff;
	[tilespmem:v0+s21+$0x0 ss:$0x1] =	vst.idx.msk $0xffff, v7;
	s21 =	smov.u32 s29  }
0x6c: {  	s22 =	sadd.s32 $0x80, s22;
	[tilespmem:v0+s15+$0x0 ss:$0x1] =	vst.idx.msk $0xffff, v8;
	v6 =	vld.idx.msk [tilespmem:v1+s20+$0x0 ss:$0x1], $0xffff  }
0x6d: {  	s23 =	sadd.s32 $0xFFFFFFFF, s23;
	s15 =	sand.u32 $0x3F80, s22;
	v7 =	vld.idx.msk [tilespmem:v1+s21+$0x0 ss:$0x1], $0xffff;
	[tilespmem:v0+s24+$0x0 ss:$0x1] =	vst.idx.msk $0xffff, v9  }
.Ltmp7:
0x6e: {  	_ = 	snop;
	(pc) =	sbr.rel .LBB2_7-.Ltmp7, $1  }
0x6f: {  	_ =	sdelay $0x3  }
.LBB2_10:
0x70: {  	_ =	sfence.sel $0x180000  }
0x71: {  	s2 =	simm.s32 $0x1;
	[bflag:$0x0] =	sbarrier.arrive $0xFFFF  }
0x72: {  	s31 =	simm.s32 $0x2;
	[sflag:s2] =	ssyncpa.u1 $0x1  }
0x73: {  	[sflag:s31] =	ssyncpa.u1 $0x1  }
0x74: {  	_ =	strace $0x9000004A  }
0x75: {  	s0 =	sadd.s32 @!p0 $0x100000, s0;
	[bflag:$0x2] =	sbarrier.arrive $0xFFFF  }
0x76: {  	[sflag:s0] =	ssyncadd.tile.s32 @!p0 $0x1;
	s0 =	simm.s32 @!p0 $0x3F  }
0x77: {  	_ =	swait.ge @!p0 [sflag:s0], s1  }
0x78: {  	s1 =	ssub.s32 @!p0 $0x0, s1;
	[sflag:s0] =	ssyncset.done @!p0 $0x0  }
0x79: {  	[sflag:s0] =	ssyncadd.s32 @!p0 s1  }
0x7a: {  	[bflag:$0x3] =	sbarrier.arrive $0xFFFF  }
0x7b: {  	_ =	shalt  }
.Lfunc_end2:
execute1_lowered:
.L_overlay_start_2:
0x7c: {  	(tag) =	ssettag $0x2  }
0x7d: {  	s2 =	rddreg [dreg:$0x0]  }
0x7e: {  	s9 =	rddreg [dreg:$0x1]  }
0x7f: {  	s3 =	rddreg [dreg:$0x2];
	_ =	strace $0x8000004D;
	s0 =	simm.s32 $0x1  }
0x80: {  	v0 =	vimm.s32 $0x0;
	[sflag:s0] =	ssyncpa.u1 $0x0;
	s0 =	simm.s32 $0x108  }
0x81: {  	[tilespmem:s0+$0x70] =	vst v0  }
0x82: {  	[tilespmem:s0+$0x60] =	vst v0  }
0x83: {  	[tilespmem:s0+$0x50] =	vst v0  }
0x84: {  	[tilespmem:s0+$0x40] =	vst v0  }
0x85: {  	[tilespmem:s0+$0x30] =	vst v0  }
0x86: {  	s1 =	sadd.s32 $0x33200, s2;
	s15 =	sadd.s32 $0x1F000, s2;
	[tilespmem:s0+$0x20] =	vst v0  }
0x87: {  	s14 =	sadd.s32 $0x28E00, s2;
	s5 =	sand.u32 $0x1, s3;
	s3 =	simm.s32 $0x40;
	[tilespmem:s0+$0x10] =	vst v0  }
.LBB3_1:
0x88: {  	s3 =	sadd.s32 $0x40, s3;
	[tilespmem:s0+$0x0] =	vst v0;
	s0 =	sadd.s32 $0x80, s0  }
0x89: {  	p0 =	slt.u32 s3, $0x3C40;
	[tilespmem:s0+$0x70] =	vst v0  }
0x8a: {  	[tilespmem:s0+$0x60] =	vst v0  }
.Ltmp8:
0x8b: {  	[tilespmem:s0+$0x50] =	vst v0;
	(pc) =	sbr.rel @p0 .LBB3_1-.Ltmp8, $4  }
0x8c: {  	[tilespmem:s0+$0x40] =	vst v0  }
0x8d: {  	[tilespmem:s0+$0x30] =	vst v0  }
0x8e: {  	[tilespmem:s0+$0x20] =	vst v0  }
0x8f: {  	[tilespmem:s0+$0x10] =	vst v0  }
0x90: {  	s6 =	stileid.u32  }
0x91: {  	s2 =	smul.u32 $0x29, s6  }
0x92: {  	s3 =	smin.u32 s6, $0xB  }
0x93: {  	s2 =	sadd.s32 s3, s2  }
0x94: {  	p0 =	slt.u32 s6, $0xB;
	s7 =	smul.u32 $0xF0, s2;
	s2 =	simm.s32 $0x2760  }
0x95: {  	s2 =	simm.s32 @!p0 $0x2670  }
0x96: {  	s2 =	sadd.s32 s2, s7  }
0x97: {  	s8 =	smin.u32 s2, $0x27100  }
0x98: {  	s2 =	ssub.s32 s8, s7  }
0x99: {  	p0 =	sgt.s32 s2, $0x0  }
0x9a: {  	s29 =	simm.s32 $0x2;
	s10 =	simm.s32 $0x9;
	s2 =	simm.s32 @!p0 $0x0  }
0x9b: {  	s4 =	simm.s32 $0xA;
	s11 =	simm.s32 $0xB;
	s28 =	smulhi.u32 $0x88888889, s2  }
0x9c: {  	[dreg:$0x5] =	wrdreg s5;
	s31 =	smul.u32 $0x4E20, s5;
	s12 =	simm.s32 $0x1  }
0x9d: {  	s22 =	simm.s32 $0x0;
	s18 =	simm.s32 $0xC;
	s30 =	sshrl.u32 s28, $0x7  }
0x9e: {  	s20 =	simm.s32 $0x0;
	s21 =	simm.s32 $0x0;
	s3 =	smul.u32 $0xF0, s30  }
.Ltmp9:
0x9f: {  	[tilespmem:s0+$0x0] =	vst v0;
	v0 =	vimm.s32 $0xFFFFFFFF;
	[sflag:s29] =	ssyncpa.u1 $0x0;
	s16 =	sshll.u32 s6, $0x8;
	(pc) =	sbr.rel .LBB3_3-.Ltmp9, $4  }
0xa0: {  	[tilespmem:$0xF208] =	vst v0;
	[sflag:s10] =	ssyncpa.u1 $0x0;
	p0 =	sne.s32 s2, s3;
	s2 =	simm.s32 $0x1  }
0xa1: {  	s14 =	sadd.s32 s31, s14;
	[sflag:s4] =	ssyncpa.u1 $0x0;
	s2 =	simm.s32 @!p0 $0x0  }
0xa2: {  	s15 =	sadd.s32 s31, s15;
	[sflag:s11] =	ssyncpa.u1 $0x0;
	s13 =	sadd.s32 s2, s30  }
0xa3: {  	v0 =	vlaneseq.u32;
	s19 =	smov.u32 s7;
	p0 =	por $0x0, $0x0;
	s17 =	sadd.s32 $0x1, s13  }
.LBB3_18:
0xa4: {  	s0 =	sshrl.u32 s31, $0x2  }
.LBB3_20:
0xa5: {  	_ =	swait.ge [sflag:s18], s0  }
0xa6: {  	s31 =	ssub.s32 $0x0, s0;
	v1 =	vmov s24;
	vm0 =	veq.s32 v0, $0x0;
	[sflag:s18] =	ssyncset.done $0x0  }
0xa7: {  	vm15 =	veq.s32 v0, $0x2;
	v1 =	vsel vm0, s30, v1;
	[sflag:s18] =	ssyncadd.s32 s31  }
0xa8: {  	v1 =	vsel vm15, s22, v1;
	[sflag:s18] =	ssyncpa.u1 $0x1  }
0xa9: {  	[tilespmem:$0xF208] =	vst v1  }
.LBB3_21:
0xaa: {  	s0 =	sadd.s32 $0xF0, s19  }
0xab: {  	s2 =	smov.u32 s7;
	p1 =	slt.s32 s0, s8  }
0xac: {  	s2 =	smov.u32 @p1 s0;
	p1 =	sne.s32 s21, s17  }
.Ltmp10:
0xad: {  	_ = 	snop;
	(pc) =	sbr.rel @!p1 .LBB3_22-.Ltmp10, $3  }
0xae: {  	_ =	sdelay $0x1  }
0xaf: {  	s22 =	smov.u32 s20;
	s31 =	sadd.s32 $0x1, s21;
	s20 =	smov.u32 s19  }
0xb0: {  	p0 =	por !p0, !p0;
	s21 =	smov.u32 s31;
	s19 =	smov.u32 s2  }
.LBB3_3:
0xb1: {  	p1 =	sge.u32 s21, s13  }
0xb2: {  	s0 =	smulhi.u32 @!p1 $0xAAAAAAAB, s21  }
0xb3: {  	s2 =	smov.u32 s19;
	p2 =	sgt.s32 @!p1 s19, $0x27010  }
0xb4: {  	s3 =	sshra.s32 @!p1 s19, $0x1F;
	p2 =	por !p2, p1;
	s0 =	sshrl.u32 @!p1 s0, $0x1  }
0xb5: {  	s3 =	sand.u32 @!p1 s3, s19;
	s2 =	simm.s32 @p2 $0x27010;
	s0 =	smul.u32 @!p1 $0x3, s0  }
0xb6: {  	s2 =	ssub.s32 @!p1 s2, s3  }
0xb7: {  	s2 =	sadd.s32 @!p1 $0xFFFD8FF0, s2;
	s0 =	ssub.s32 @!p1 s21, s0  }
0xb8: {  	s3 =	sshll.u32 @!p1 s2, $0x2;
	p2 =	sgt.s32 @!p1 s2, $0xEF;
	s0 =	smul.u32 @!p1 $0x3C0, s0  }
0xb9: {  	s4 =	sand.u32 @!p1 $0x7, s19;
	s2 =	ssub.s32 @!p1 $0x3C0, s3;
	p2 =	por !p2, p1  }
0xba: {  	s3 =	sshrl.u32 @!p1 s19, $0x3;
	s2 =	sshrl.u32 @!p1 s2, $0x2;
	s0 =	sshrl.u32 @!p1 s0, $0x2  }
0xbb: {  	s3 =	sadd.s32 @!p1 s3, s14;
	s2 =	simm.s32 @!p2 $0x0;
	s0 =	sadd.s32 @!p1 $0x10248, s0  }
0xbc: {  	[tilespmem:s0], [sflag:$0xA] =	stream.linear.gather @!p1 [hbm4b:s3+s4], s2, $0x38;
	[tilespmem:$0x1F6F8] =	vst v63  }
0xbd: {  	s0 =	sadd.s32 $0xFFFFFFFF, s21  }
0xbe: {  	p1 =	sge.u32 s0, s13  }
0xbf: {  	p2 =	sgt.s32 @!p1 s20, $0x27010  }
0xc0: {  	s2 =	smov.u32 s20;
	s3 =	sshra.s32 @!p1 s20, $0x1F;
	p2 =	por !p2, p1  }
0xc1: {  	s3 =	sand.u32 @!p1 s3, s20;
	s2 =	simm.s32 @p2 $0x27010  }
0xc2: {  	s2 =	ssub.s32 @!p1 s2, s3  }
0xc3: {  	s2 =	sadd.s32 @!p1 $0xFFFD8FF0, s2  }
0xc4: {  	s4 =	sand.u32 @!p1 $0x1, s0;
	s3 =	sshll.u32 @!p1 s2, $0x2  }
0xc5: {  	p2 =	sgt.s32 @!p1 s2, $0xEF;
	s2 =	ssub.s32 @!p1 $0x3C0, s3;
	s3 =	smulhi.u32 @!p1 $0xAAAAAAAB, s0  }
0xc6: {  	s23 =	smul.u32 @!p1 $0x3C0, s4;
	p2 =	por !p2, p1;
	s2 =	sshrl.u32 @!p1 s2, $0x2  }
0xc7: {  	s5 =	simm.s32 @!p1 $0xA;
	s2 =	simm.s32 @!p2 $0x0;
	s3 =	sshrl.u32 @!p1 s3, $0x1  }
0xc8: {  	s23 =	sshrl.u32 @!p1 s23, $0x2;
	_ =	swait.ge @!p1 [sflag:s5], s2;
	s3 =	smul.u32 @!p1 $0x3, s3  }
0xc9: {  	s23 =	sadd.s32 @!p1 $0x10518, s23;
	s24 =	ssub.s32 @!p1 $0x0, s2;
	[sflag:s5] =	ssyncset.done @!p1 $0x0  }
0xca: {  	[sflag:s5] =	ssyncadd.s32 @!p1 s24;
	s5 =	sshrl.u32 @!p1 s20, $0x3;
	s0 =	ssub.s32 @!p1 s0, s3  }
0xcb: {  	s24 =	sand.u32 @!p1 $0x7, s20;
	s5 =	sadd.s32 @!p1 s5, s15;
	s0 =	smul.u32 @!p1 $0x3C0, s0  }
0xcc: {  	[tilespmem:s23], [sflag:$0xB] =	stream.linear.gather @!p1 [hbm4b:s5+s24], s2, $0x38;
	[tilespmem:$0x1F6F8] =	vst v63  }
0xcd: {  	s3 =	ssub.s32 @!p1 $0x27100, s20;
	s2 =	smul.u32 @!p1 $0x1E000, s4  }
0xce: {  	p2 =	slt.s32 @!p1 s3, $0xF0  }
0xcf: {  	p2 =	por !p2, p1;
	s0 =	sshrl.u32 @!p1 s0, $0x2;
	s2 =	sshrl.u32 @!p1 s2, $0x2  }
0xd0: {  	s3 =	simm.s32 @p2 $0xF0;
	s0 =	sadd.s32 @!p1 $0x10248, s0;
	s2 =	sor.u32 @!p1 $0x106F8, s2  }
0xd1: {  	[tilespmem:s2], [sflag:$0x9] =	stream.indirect.gather @!p1 [hbm4b:s9+s3], $0x80, s0, s3, $0xb8;
	[tilespmem:$0x1F6F8] =	vst v63  }
0xd2: {  	p1 =	slt.u32 s21, $0x2  }
.Ltmp11:
0xd3: {  	_ = 	snop;
	(pc) =	sbr.rel @p1 .LBB3_21-.Ltmp11, $1  }
0xd4: {  	_ =	sdelay $0x3  }
0xd5: {  	p1 =	sgt.s32 s22, $0x27010  }
0xd6: {  	s0 =	smov.u32 s22;
	s2 =	sshra.s32 s22, $0x1F;
	s3 =	ssub.s32 $0x27100, s22  }
0xd7: {  	s0 =	simm.s32 @!p1 $0x27010;
	s2 =	sand.u32 s2, s22;
	p1 =	slt.s32 s3, $0xF0  }
0xd8: {  	s0 =	ssub.s32 s0, s2;
	s3 =	simm.s32 @!p1 $0xF0  }
0xd9: {  	s0 =	sadd.s32 $0xFFFD8FF0, s0;
	s25 =	sshll.u32 s3, $0x7  }
0xda: {  	s26 =	sshll.u32 s0, $0x2;
	s2 =	sand.u32 $0x3FFFFF80, s25  }
0xdb: {  	p1 =	sgt.s32 s0, $0xEF;
	s29 =	ssub.s32 $0x3C0, s26;
	_ =	swait.ge [sflag:s10], s2  }
0xdc: {  	s2 =	ssub.s32 $0x0, s2;
	[sflag:s10] =	ssyncset.done $0x0;
	s0 =	sshrl.u32 s29, $0x2  }
0xdd: {  	[sflag:s10] =	ssyncadd.s32 s2;
	s0 =	simm.s32 @p1 $0x0  }
0xde: {  	_ =	swait.ge [sflag:s11], s0  }
0xdf: {  	s0 =	ssub.s32 $0x0, s0;
	[sflag:s11] =	ssyncset.done $0x0  }
0xe0: {  	[sflag:s11] =	ssyncadd.s32 s0  }
0xe1: {  	v1 =	vld [tilespmem:$0xF208];
	_ =	sdelay $0x4  }
0xe2: {  	(v2sf) =	vpush v1, $0x0  }
0xe3: {  	(v2sf) =	vpush v1, $0x1  }
0xe4: {  	(v2sf) =	vpush v1, $0x2;
	_ =	sdelay $0x3  }
0xe5: {  	s0 =	sadd.s32 $0xF0, s22  }
0xe6: {  	s2 =	ssub.s32 $0x4E200, s22;
	p1 =	slt.s32 s8, s0  }
0xe7: {  	s0 =	smov.u32 @p1 s8;
	p1 =	sgt.s32 s2, $0x0  }
0xe8: {  	s26 =	ssub.s32 s0, s22;
	s2 =	simm.s32 @!p1 $0x0  }
0xe9: {  	p1 =	slt.s32 s2, s26  }
0xea: {  	s26 =	smov.u32 @p1 s2  }
0xeb: {  	s25 =	simm.s32 $0x1;
	p1 =	slt.s32 s26, $0x1  }
.Ltmp12:
0xec: {  	s25 =	simm.s32 @!p0 $0x0;
	(pc) =	sbr.rel @p1 .LBB3_8-.Ltmp12, $4  }
0xed: {  	s31 =	smul.u32 $0x3C0, s25  }
0xee: {  	s28 =	spop (v2sf)  }
0xef: {  	s0 =	sshrl.u32 s31, $0x2;
	s30 =	spop (v2sf)  }
0xf0: {  	s23 =	sadd.s32 $0x10518, s0;
	s22 =	spop (v2sf)  }
0xf1: {  	s0 =	smin.u32 s26, $0x10  }
0xf2: {  	v1 =	vmov s0  }
0xf3: {  	p2 =	sgt.s32 s26, $0x10;
	vm1 =	vgt.u32 v1, v0  }
.Ltmp13:
0xf4: {  	_ = 	snop;
	(pc) =	sbr.rel @!p2 .LBB3_7-.Ltmp13, $2  }
0xf5: {  	_ =	sdelay $0x2  }
0xf6: {  	s4 =	simm.s32 $0x10;
	s24 =	sadd.s32 $0xFFFFFFF0, s26;
	s0 =	smov.u32 s23;
	vm0 =	vmmov vm1  }
.LBB3_6:
0xf7: {  	s2 =	smin.u32 s24, $0x10;
	s4 =	sadd.s32 $0x10, s4;
	v1 =	vld.msk [tilespmem:s0+$0x0 ss:$0x1], vm1  }
0xf8: {  	v2 =	vmov s2;
	p2 =	slt.s32 s4, s26  }
0xf9: {  	vm1 =	vgt.u32 v2, v0  }
.Ltmp14:
0xfa: {  	(pc) =	sbr.rel @p2 .LBB3_6-.Ltmp14, $3  }
0xfb: {  	_ =	sdelay $0x1  }
0xfc: {  	v1 =	vshll.u32 v1, $0x4  }
0xfd: {  	s24 =	sadd.s32 $0xFFFFFFF0, s24;
	[tilespmem:s0+$0x0] =	vst.msk vm0, v1;
	s0 =	sadd.s32 $0x10, s0;
	vm0 =	vmmov vm1  }
.LBB3_7:
0xfe: {  	_ =	sdelay $0x4  }
0xff: {  	v1 =	vld.msk [tilespmem:s0+$0x0 ss:$0x1], vm1;
	_ =	sdelay $0x4  }
0x100: {  	v1 =	vshll.u32 v1, $0x4  }
0x101: {  	[tilespmem:s0+$0x0] =	vst.msk vm0, v1  }
.LBB3_8:
0x102: {  	s0 =	sand.u32 $0x1, s21  }
0x103: {  	s0 =	smul.u32 $0xF0, s0  }
0x104: {  	p2 =	sne.s32 s30, $0xFFFFFFFF  }
0x105: {  	v1 =	vld.msk @!p2 [tilespmem:s0+$0x10518], $0x1;
	_ =	sdelay $0x4  }
0x106: {  	(v2sf) =	vpush @!p2 v1, $0x0;
	_ =	sdelay $0xc  }
.Ltmp15:
0x107: {  	_ = 	snop;
	(pc) =	sbr.rel @p1 .LBB3_19-.Ltmp15, $4  }
0x108: {  	_ = 	snop  }
0x109: {  	s29 =	spop @!p2 (v2sf)  }
0x10a: {  	s22 =	simm.s32 @!p2 $0x0;
	s24 =	smov.u32 s29  }
0x10b: {  	[sflag:s18] =	ssyncpa.u1 $0x0;
	s29 =	smov.u32 @p2 s28;
	s24 =	smov.u32 @p2 s30  }
0x10c: {  	v1 =	vld.msk [tilespmem:s23+$0x0], $0x1;
	_ =	sdelay $0x4  }
0x10d: {  	(v2sf) =	vpush v1, $0x0;
	_ =	sdelay $0xe  }
0x10e: {  	s2 =	smul.u32 $0x1E000, s25;
	s0 =	spop (v2sf)  }
0x10f: {  	s26 =	ssub.s32 $0x0, s26;
	p1 =	seq.s32 s29, s0  }
0x110: {  	s30 =	sadd.s32 $0x1, s26;
	s2 =	sshrl.u32 s2, $0x2;
	p2 =	sgt.s32 @!p1 s29, $0x0  }
0x111: {  	s25 =	sor.u32 $0x10738, s2;
	s2 =	smov.u32 s29;
	p2 =	por !p2, p1  }
0x112: {  	s2 =	simm.s32 @p2 $0x0;
	p2 =	seq.s32 s30, $0x0  }
.Ltmp16:
0x113: {  	_ = 	snop;
	(pc) =	sbr.rel @p2 .LBB3_11-.Ltmp16, $4  }
0x114: {  	_ = 	snop  }
0x115: {  	s28 =	simm.s32 $0x0;
	s31 =	sadd.s32 $0x1, s23;
	s2 =	smin.u32 @!p1 s2, $0x270F0  }
0x116: {  	s4 =	simm.s32 @!p1 $0x1;
	s5 =	simm.s32 @!p1 $0x7988;
	s3 =	sand.u32 @!p1 $0x3FFF8, s2  }
0x117: {  	s4 =	smov.u32 @p1 s28;
	s2 =	sand.u32 @!p1 $0x7, s2;
	s3 =	sadd.s32 @!p1 s1, s3  }
.LBB3_10:
0x118: {  	s6 =	smov.u32 s4  }
0x119: {  	[tilespmem:s5], [sflag:$0x2] =	stream.linear.gather @!p1 [hbm4b:s3+s2], $0x80, $0x38;
	[tilespmem:$0x1F6F8] =	vst v63  }
0x11a: {  	s30 =	sadd.s32 $0x1, s30;
	s2 =	smov.u32 s0;
	v1 =	vld.msk [tilespmem:s31+$0x0], $0x1  }
0x11b: {  	p2 =	seq.s32 s30, $0x0;
	_ =	sdelay $0x3  }
0x11c: {  	(v2sf) =	vpush v1, $0x0;
	_ =	sdelay $0xe  }
0x11d: {  	s0 =	spop (v2sf)  }
0x11e: {  	p1 =	seq.s32 s2, s0  }
0x11f: {  	p3 =	sgt.s32 @!p1 s2, $0x0;
	s3 =	sshll.u32 @!p1 s4, $0x9;
	s4 =	sadd.s32 @!p1 $0x1, s4  }
.Ltmp17:
0x120: {  	p3 =	por !p3, p1;
	s3 =	sshra.s32 @!p1 s3, $0x2;
	(pc) =	sbr.rel @!p2 .LBB3_10-.Ltmp17, $4  }
0x121: {  	s4 =	smov.u32 @p1 s6;
	s2 =	simm.s32 @p3 $0x0;
	s5 =	sadd.s32 @!p1 $0x7988, s3  }
0x122: {  	s2 =	smin.u32 @!p1 s2, $0x270F0  }
0x123: {  	s3 =	sand.u32 @!p1 $0x3FFF8, s2;
	s2 =	sand.u32 @!p1 $0x7, s2  }
0x124: {  	s31 =	sadd.s32 $0x1, s31;
	s3 =	sadd.s32 @!p1 s1, s3  }
.LBB3_11:
0x125: {  	[tilespmem:s5], [sflag:$0x2] =	stream.linear.gather @!p1 [hbm4b:s3+s2], $0x80, $0x38;
	[tilespmem:$0x1F6F8] =	vst v63  }
.Ltmp18:
0x126: {  	s0 =	sshll.u32 s4, $0x7;
	(pc) =	sbr.rel .LBB3_12-.Ltmp18, $4  }
0x127: {  	s30 =	simm.s32 $0x2;
	s0 =	sand.u32 $0x3FFFFF80, s0  }
0x128: {  	_ =	swait.ge [sflag:s30], s0  }
0x129: {  	s0 =	ssub.s32 $0x0, s0;
	[sflag:s30] =	ssyncset.done $0x0  }
0x12a: {  	s31 =	simm.s32 $0x0;
	[sflag:s30] =	ssyncadd.s32 s0  }
.LBB3_13:
0x12b: {  	v1 =	vld [tilespmem:s25+$0xFFFFFFC0];
	_ =	sdelay $0x3  }
0x12c: {  	s0 =	sshra.s32 s0, $0x2  }
0x12d: {  	[tilespmem:s0+$0x108] =	vst.add.f32.msk $0xffff, v1  }
0x12e: {  	v1 =	vld [tilespmem:s25+$0xFFFFFFD0];
	_ =	sdelay $0x4  }
0x12f: {  	[tilespmem:s0+$0x118] =	vst.add.f32.msk $0xffff, v1  }
0x130: {  	v1 =	vld [tilespmem:s25+$0xFFFFFFE0];
	_ =	sdelay $0x4  }
0x131: {  	[tilespmem:s0+$0x128] =	vst.add.f32.msk $0xffff, v1  }
0x132: {  	v1 =	vld [tilespmem:s25+$0xFFFFFFF0];
	_ =	sdelay $0x4  }
0x133: {  	[tilespmem:s0+$0x138] =	vst.add.f32.msk $0xffff, v1  }
0x134: {  	v1 =	vld [tilespmem:s25+$0x0];
	_ =	sdelay $0x4  }
0x135: {  	[tilespmem:s0+$0x148] =	vst.add.f32.msk $0xffff, v1  }
0x136: {  	v1 =	vld [tilespmem:s25+$0x10];
	_ =	sdelay $0x4  }
0x137: {  	[tilespmem:s0+$0x158] =	vst.add.f32.msk $0xffff, v1  }
0x138: {  	v1 =	vld [tilespmem:s25+$0x20];
	_ =	sdelay $0x4  }
0x139: {  	[tilespmem:s0+$0x168] =	vst.add.f32.msk $0xffff, v1  }
0x13a: {  	v1 =	vld [tilespmem:s25+$0x30];
	_ =	sdelay $0x4  }
0x13b: {  	[tilespmem:s0+$0x178] =	vst.add.f32.msk $0xffff, v1  }
.LBB3_17:
0x13c: {  	s26 =	sadd.s32 $0x1, s26  }
0x13d: {  	p1 =	seq.s32 s26, $0x0  }
.Ltmp19:
0x13e: {  	_ = 	snop;
	(pc) =	sbr.rel @p1 .LBB3_18-.Ltmp19, $2  }
0x13f: {  	_ =	sdelay $0x2  }
0x140: {  	s23 =	sadd.s32 $0x1, s23;
	s25 =	sadd.s32 $0x80, s25;
	s29 =	smov.u32 s30  }
.LBB3_12:
0x141: {  	v1 =	vld.msk [tilespmem:s23+$0x0], $0x1;
	_ =	sdelay $0x4  }
0x142: {  	(v2sf) =	vpush v1, $0x0;
	_ =	sdelay $0xe  }
0x143: {  	s30 =	spop (v2sf)  }
0x144: {  	p1 =	sne.s32 s29, s30  }
.Ltmp20:
0x145: {  	_ = 	snop;
	(pc) =	sbr.rel @!p1 .LBB3_13-.Ltmp20, $2  }
0x146: {  	_ =	sdelay $0x2  }
0x147: {  	s0 =	sshll.u32 s22, $0x9  }
0x148: {  	p1 =	seq.s32 s29, s24  }
.Ltmp21:
0x149: {  	_ = 	snop;
	(pc) =	sbr.rel @!p1 .LBB3_15-.Ltmp21, $1  }
0x14a: {  	_ =	sdelay $0x3  }
0x14b: {  	s0 =	sshra.s32 s0, $0x2  }
.Ltmp22:
0x14c: {  	s0 =	sadd.s32 $0x108, s0;
	(pc) =	sbr.rel .LBB3_16-.Ltmp22, $4  }
0x14d: {  	[spmem:s16] =	stream.linear.scatter [tilespmem:s0], [sflag:$0x1], $0x80, $0x38;
	[tilespmem:$0x1F6F8] =	vst v63  }
0x14e: {  	_ =	swait.ge [sflag:s12], $0x80  }
0x14f: {  	[sflag:s12] =	ssyncset.done $0x0  }
0x150: {  	[sflag:s12] =	ssyncadd.s32 $0xFFFFFF80  }
.LBB3_15:
0x151: {  	s2 =	sshll.u32 s28, $0x9  }
0x152: {  	s2 =	sshra.s32 s2, $0x2  }
0x153: {  	v1 =	vld [tilespmem:s2+$0x7988];
	_ =	sdelay $0x3  }
0x154: {  	s0 =	sshra.s32 s0, $0x2  }
0x155: {  	[tilespmem:s0+$0x108] =	vst.add.f32.msk $0xffff, v1  }
0x156: {  	v1 =	vld [tilespmem:s2+$0x7998];
	_ =	sdelay $0x4  }
0x157: {  	[tilespmem:s0+$0x118] =	vst.add.f32.msk $0xffff, v1  }
0x158: {  	v1 =	vld [tilespmem:s2+$0x79A8];
	_ =	sdelay $0x4  }
0x159: {  	[tilespmem:s0+$0x128] =	vst.add.f32.msk $0xffff, v1  }
0x15a: {  	v1 =	vld [tilespmem:s2+$0x79B8];
	_ =	sdelay $0x4  }
0x15b: {  	[tilespmem:s0+$0x138] =	vst.add.f32.msk $0xffff, v1  }
0x15c: {  	v1 =	vld [tilespmem:s2+$0x79C8];
	_ =	sdelay $0x4  }
0x15d: {  	[tilespmem:s0+$0x148] =	vst.add.f32.msk $0xffff, v1  }
0x15e: {  	v1 =	vld [tilespmem:s2+$0x79D8];
	_ =	sdelay $0x4  }
0x15f: {  	[tilespmem:s0+$0x158] =	vst.add.f32.msk $0xffff, v1  }
0x160: {  	v1 =	vld [tilespmem:s2+$0x79E8];
	_ =	sdelay $0x4  }
0x161: {  	[tilespmem:s0+$0x168] =	vst.add.f32.msk $0xffff, v1  }
0x162: {  	v1 =	vld [tilespmem:s2+$0x79F8];
	_ =	sdelay $0x2  }
0x163: {  	p1 =	sgt.u32 s29, $0x270F0  }
0x164: {  	s2 =	sand.u32 @!p1 $0x3FFF8, s29  }
0x165: {  	s3 =	sadd.s32 $0x108, s0;
	[tilespmem:s0+$0x178] =	vst.add.f32.msk $0xffff, v1;
	s0 =	sadd.s32 @!p1 s1, s2;
	s2 =	sand.u32 @!p1 $0x7, s29  }
0x166: {  	[hbm4b:s0+s2] =	stream.linear.scatter @!p1 [tilespmem:s3], [sflag:$0xC], $0x80, $0x38;
	[tilespmem:$0x1F6F8] =	vst v63  }
0x167: {  	s0 =	simm.s32 $0x0  }
0x168: {  	s0 =	simm.s32 @!p1 $0x200  }
0x169: {  	s31 =	sadd.s32 s0, s31  }
.LBB3_16:
0x16a: {  	s0 =	sadd.s32 $0x1, s22  }
0x16b: {  	s2 =	smulhi.u32 $0x88888889, s0;
	_ =	sdelay $0x1  }
0x16c: {  	v1 =	vld [tilespmem:s25+$0xFFFFFFC0];
	s2 =	sshrl.u32 s2, $0x7  }
0x16d: {  	s2 =	smul.u32 $0xF0, s2;
	_ =	sdelay $0x1  }
0x16e: {  	s22 =	ssub.s32 s0, s2  }
0x16f: {  	s0 =	sshll.u32 s22, $0x7  }
0x170: {  	[tilespmem:s0+$0x108] =	vst v1  }
0x171: {  	v1 =	vld [tilespmem:s25+$0xFFFFFFD0];
	_ =	sdelay $0x4  }
0x172: {  	[tilespmem:s0+$0x118] =	vst v1  }
0x173: {  	v1 =	vld [tilespmem:s25+$0xFFFFFFE0];
	_ =	sdelay $0x4  }
0x174: {  	[tilespmem:s0+$0x128] =	vst v1  }
0x175: {  	v1 =	vld [tilespmem:s25+$0xFFFFFFF0];
	_ =	sdelay $0x4  }
0x176: {  	[tilespmem:s0+$0x138] =	vst v1  }
0x177: {  	v1 =	vld [tilespmem:s25+$0x0];
	_ =	sdelay $0x4  }
0x178: {  	[tilespmem:s0+$0x148] =	vst v1  }
0x179: {  	v1 =	vld [tilespmem:s25+$0x10];
	_ =	sdelay $0x4  }
0x17a: {  	[tilespmem:s0+$0x158] =	vst v1  }
0x17b: {  	v1 =	vld [tilespmem:s25+$0x20];
	_ =	sdelay $0x4  }
0x17c: {  	[tilespmem:s0+$0x168] =	vst v1  }
0x17d: {  	v1 =	vld [tilespmem:s25+$0x30]  }
.Ltmp23:
0x17e: {  	_ = 	snop;
	(pc) =	sbr.rel .LBB3_17-.Ltmp23, $2  }
0x17f: {  	_ =	sdelay $0x2  }
0x180: {  	s28 =	sadd.s32 $0x1, s28;
	[tilespmem:s0+$0x178] =	vst v1  }
.LBB3_19:
.Ltmp24:
0x181: {  	(pc) =	sbr.rel .LBB3_20-.Ltmp24, $4  }
0x182: {  	_ = 	snop  }
0x183: {  	s0 =	simm.s32 $0x2  }
0x184: {  	_ =	swait.ge [sflag:s0], $0x0  }
0x185: {  	s30 =	smov.u32 s29;
	[sflag:s0] =	ssyncset.done $0x0;
	s0 =	simm.s32 $0x0  }
.LBB3_22:
0x186: {  	_ =	sfence.sel $0x180000  }
0x187: {  	s0 =	simm.s32 $0x9;
	[bflag:$0x0] =	sbarrier.arrive $0xFFFF  }
0x188: {  	s24 =	simm.s32 $0xA;
	[sflag:s0] =	ssyncpa.u1 $0x1  }
0x189: {  	s25 =	simm.s32 $0xB;
	[sflag:s24] =	ssyncpa.u1 $0x1  }
0x18a: {  	s26 =	simm.s32 $0x2;
	[sflag:s25] =	ssyncpa.u1 $0x1  }
0x18b: {  	[sflag:s26] =	ssyncpa.u1 $0x1  }
0x18c: {  	v0 =	vld [tilespmem:$0xF208];
	_ =	sdelay $0x4  }
0x18d: {  	(v2sf) =	vpush v0, $0x0  }
0x18e: {  	(v2sf) =	vpush v0, $0x1;
	_ =	sdelay $0x1  }
0x18f: {  	(v2sf) =	vpush v0, $0x2;
	_ =	sdelay $0xb  }
0x190: {  	s0 =	spop (v2sf)  }
0x191: {  	s2 =	spop (v2sf)  }
0x192: {  	s3 =	smov.u32 s0;
	p0 =	sne.s32 s0, s2  }
0x193: {  	s4 =	spop (v2sf);
	s3 =	simm.s32 @!p0 $0xFFFFFFFF  }
0x194: {  	v2 =	vimm.s32 $0x1;
	v3 =	vlaneseq.u32;
	p0 =	seq.s32 s4, $0xFFFFFFFF;
	v1 =	vmov s3  }
0x195: {  	s16 =	stileid.u32;
	v0 =	vperm.xlane v0, v2;
	p1 =	sne.s32 @!p0 s0, s2;
	v1 =	vperm.xlane v1, v3  }
0x196: {  	vm0 =	vcmask $0x3F04;
	s6 =	simm.s32 $0xF208;
	s0 =	simm.s32 @!p0 $0x1;
	p1 =	por !p1, p0  }
0x197: {  	s3 =	sshll.u32 s16, $0x1;
	s2 =	sshll.u32 @!p0 s4, $0x9;
	s0 =	simm.s32 @p1 $0x0;
	v0 =	vsel vm0, v1, v0  }
0x198: {  	s5 =	sor.u32 $0x1000, s3;
	s2 =	sshra.s32 @!p0 s2, $0x2;
	s0 =	sor.u32 @!p0 s0, s3;
	[tilespmem:$0xF208] =	vst v0  }
0x199: {  	[spmem:s5] =	stream.linear.scatter [tilespmem:s6], [sflag:$0x1], $0x2, $0x38;
	[tilespmem:$0x1F6F8] =	vst v63  }
0x19a: {  	s2 =	sadd.s32 @!p0 $0x108, s2;
	s0 =	sshll.u32 @!p0 s0, $0x7  }
0x19b: {  	[spmem:s0] =	stream.linear.scatter @!p0 [tilespmem:s2], [sflag:$0x1], $0x80, $0x38;
	[tilespmem:$0x1F6F8] =	vst v63  }
0x19c: {  	s0 =	simm.s32 @!p0 $0x82  }
0x19d: {  	s28 =	simm.s32 $0x1;
	s0 =	simm.s32 @p0 $0x2  }
0x19e: {  	_ =	swait.ge [sflag:s28], s0  }
0x19f: {  	s0 =	ssub.s32 $0x0, s0;
	[sflag:s28] =	ssyncset.done $0x0  }
0x1a0: {  	p0 =	sne.s32 s16, $0x0;
	[sflag:s28] =	ssyncadd.s32 s0  }
.Ltmp25:
0x1a1: {  	_ =	sfence.stream.spmem;
	(pc) =	sbr.rel @p0 .LBB3_39-.Ltmp25, $4  }
0x1a2: {  	s29 =	simm.s32 $0x3;
	[bflag:$0x0] =	sbarrier.arrive $0xFFFF  }
0x1a3: {  	s30 =	simm.s32 $0x4;
	[sflag:s29] =	ssyncpa.u1 $0x1  }
0x1a4: {  	s31 =	simm.s32 $0x3C;
	[sflag:s30] =	ssyncpa.u1 $0x1  }
0x1a5: {  	s15 =	rddreg [dreg:$0x5];
	[sflag:s31] =	ssyncpa.u1 $0x1  }
0x1a6: {  	_ =	sfence.stream.spmem;
	s0 =	simm.s32 $0x5  }
0x1a7: {  	s2 =	simm.s32 $0x1000;
	s3 =	simm.s32 $0xF218;
	[sflag:s0] =	ssyncpa.u1 $0x0  }
0x1a8: {  	[tilespmem:s3], [sflag:$0x5] =	stream.linear.gather [spmem:s2], $0x20, $0x38;
	[tilespmem:$0x1F6F8] =	vst v63  }
0x1a9: {  	s26 =	simm.s32 $0x0;
	s28 =	simm.s32 $0xF238  }
0x1aa: {  	[tilespmem:s28], [sflag:$0x5] =	stream.linear.gather [spmem:s26], $0x1000, $0x38;
	[tilespmem:$0x1F6F8] =	vst v63  }
0x1ab: {  	_ =	swait.ge [sflag:s0], $0x1020  }
0x1ac: {  	[sflag:s0] =	ssyncset.done $0x0  }
0x1ad: {  	s29 =	simm.s32 $0x0;
	[sflag:s0] =	ssyncadd.s32 $0xFFFFEFE0  }
0x1ae: {  	v0 =	vld.msk [tilespmem:s29+$0xF218], $0x1;
	_ =	sdelay $0x1  }
0x1af: {  	s30 =	simm.s32 $0x1  }
0x1b0: {  	v1 =	vld.msk [tilespmem:s30+$0xF218], $0x1;
	_ =	sdelay $0x1  }
0x1b1: {  	(v2sf) =	vpush v0, $0x0;
	_ =	sdelay $0x2  }
0x1b2: {  	(v2sf) =	vpush v1, $0x0;
	_ =	sdelay $0x2  }
0x1b3: {  	s31 =	simm.s32 $0x2  }
0x1b4: {  	v0 =	vld.msk [tilespmem:s31+$0xF218], $0x1;
	_ =	sdelay $0x2  }
0x1b5: {  	s4 =	simm.s32 $0xFFFFFFFF;
	s5 =	simm.s32 $0xFFFFFFFF;
	s0 =	simm.s32 $0xC  }
.LBB3_24:
0x1b6: {  	s2 =	smov.u32 s5;
	s3 =	smov.u32 s4  }
0x1b7: {  	s4 =	sshra.s32 s0, $0x2;
	p1 =	sne.s32 s0, $0x7C;
	s0 =	sadd.s32 $0x4, s0;
	(v2sf) =	vpush v0, $0x0  }
0x1b8: {  	v0 =	vld.msk [tilespmem:s4+$0xF218], $0x1  }
.Ltmp26:
0x1b9: {  	(pc) =	sbr.rel @p1 .LBB3_24-.Ltmp26, $4  }
0x1ba: {  	s5 =	spop (v2sf)  }
0x1bb: {  	p2 =	sne.s32 s3, $0xFFFFFFFF;
	s4 =	smov.u32 s5  }
0x1bc: {  	p3 =	seq.s32 s5, $0xFFFFFFFF;
	s4 =	smov.u32 @p2 s3  }
0x1bd: {  	s5 =	smov.u32 @p3 s2;
	s4 =	smov.u32 @p3 s3  }
0x1be: {  	(v2sf) =	vpush v0, $0x0;
	_ =	sdelay $0x8  }
0x1bf: {  	s0 =	spop (v2sf)  }
0x1c0: {  	p1 =	sne.s32 s4, $0xFFFFFFFF;
	s2 =	smov.u32 s0  }
0x1c1: {  	s9 =	simm.s32 $0x6;
	p2 =	seq.s32 s0, $0xFFFFFFFF;
	s2 =	smov.u32 @p1 s4  }
0x1c2: {  	s6 =	simm.s32 $0x0;
	s2 =	smov.u32 @p2 s4;
	s3 =	spop (v2sf)  }
0x1c3: {  	s0 =	smov.u32 @p2 s5;
	p1 =	sne.s32 s2, $0xFFFFFFFF;
	s4 =	smov.u32 s3  }
.Ltmp27:
0x1c4: {  	p2 =	seq.s32 s3, $0xFFFFFFFF;
	s4 =	smov.u32 @p1 s2;
	(pc) =	sbr.rel .LBB3_26-.Ltmp27, $4  }
0x1c5: {  	s10 =	simm.s32 $0xF188;
	s4 =	smov.u32 @p2 s2;
	s7 =	spop (v2sf)  }
0x1c6: {  	s11 =	simm.s32 $0x0;
	p1 =	sne.s32 s4, $0xFFFFFFFF;
	s8 =	smov.u32 s7  }
0x1c7: {  	s3 =	smov.u32 @p2 s0;
	p2 =	seq.s32 s7, $0xFFFFFFFF;
	s8 =	smov.u32 @p1 s4  }
0x1c8: {  	[sflag:s9] =	ssyncpa.u1 $0x0;
	s7 =	smov.u32 @p2 s3;
	s8 =	smov.u32 @p2 s4  }
.LBB3_32:
0x1c9: {  	p1 =	sgt.u32 s12, $0x270F0  }
0x1ca: {  	p2 =	seq.s32 @!p1 s12, s8  }
0x1cb: {  	p1 =	por p1, p2  }
0x1cc: {  	p2 =	sne.s32 @!p1 s12, s7  }
0x1cd: {  	p1 =	por p1, !p2  }
0x1ce: {  	s0 =	sshll.u32 @p1 s11, $0x9  }
0x1cf: {  	s0 =	sand.u32 @!p1 $0x3FFF8, s12  }
0x1d0: {  	s2 =	sand.u32 @!p1 $0x7, s12;
	s0 =	sadd.s32 @!p1 s1, s0  }
0x1d1: {  	[tilespmem:s10], [sflag:$0x6] =	stream.linear.gather @!p1 [hbm4b:s0+s2], $0x80, $0x38;
	[tilespmem:$0x1F6F8] =	vst v63  }
0x1d2: {  	_ =	swait.ge @!p1 [sflag:s9], $0x80  }
0x1d3: {  	[sflag:s9] =	ssyncset.done @!p1 $0x0  }
0x1d4: {  	[sflag:s9] =	ssyncadd.s32 @!p1 $0xFFFFFF80  }
0x1d5: {  	v1 =	vld @!p1 [tilespmem:$0xF188];
	_ =	sdelay $0x2  }
0x1d6: {  	s0 =	sshll.u32 @!p1 s11, $0x9  }
0x1d7: {  	s2 =	sshrl.u32 @!p1 s0, $0x2  }
0x1d8: {  	[tilespmem:s2+$0xF238] =	vst.add.f32.msk @!p1 $0xffff, v1  }
0x1d9: {  	v1 =	vld @!p1 [tilespmem:$0xF198];
	_ =	sdelay $0x4  }
0x1da: {  	[tilespmem:s2+$0xF248] =	vst.add.f32.msk @!p1 $0xffff, v1  }
0x1db: {  	v1 =	vld @!p1 [tilespmem:$0xF1A8];
	_ =	sdelay $0x4  }
0x1dc: {  	[tilespmem:s2+$0xF258] =	vst.add.f32.msk @!p1 $0xffff, v1  }
0x1dd: {  	v1 =	vld @!p1 [tilespmem:$0xF1B8];
	_ =	sdelay $0x4  }
0x1de: {  	[tilespmem:s2+$0xF268] =	vst.add.f32.msk @!p1 $0xffff, v1  }
0x1df: {  	v1 =	vld @!p1 [tilespmem:$0xF1C8];
	_ =	sdelay $0x4  }
0x1e0: {  	[tilespmem:s2+$0xF278] =	vst.add.f32.msk @!p1 $0xffff, v1  }
0x1e1: {  	v1 =	vld @!p1 [tilespmem:$0xF1D8];
	_ =	sdelay $0x4  }
0x1e2: {  	[tilespmem:s2+$0xF288] =	vst.add.f32.msk @!p1 $0xffff, v1  }
0x1e3: {  	v1 =	vld @!p1 [tilespmem:$0xF1E8];
	_ =	sdelay $0x4  }
0x1e4: {  	[tilespmem:s2+$0xF298] =	vst.add.f32.msk @!p1 $0xffff, v1  }
0x1e5: {  	v1 =	vld @!p1 [tilespmem:$0xF1F8];
	_ =	sdelay $0x4  }
0x1e6: {  	[tilespmem:s2+$0xF2A8] =	vst.add.f32.msk @!p1 $0xffff, v1  }
0x1e7: {  	s0 =	sshrl.u32 s0, $0x2;
	[tilespmem:s6+$0xF218] =	vst.msk $0x1, v0  }
0x1e8: {  	v0 =	vld [tilespmem:s0+$0xF238];
	_ =	sdelay $0x2  }
0x1e9: {  	s31 =	sshll.u32 s6, $0x9  }
0x1ea: {  	s2 =	sshra.s32 s31, $0x2  }
0x1eb: {  	[tilespmem:s2+$0xF238] =	vst v0  }
0x1ec: {  	v0 =	vld [tilespmem:s0+$0xF248];
	_ =	sdelay $0x4  }
0x1ed: {  	[tilespmem:s2+$0xF248] =	vst v0  }
0x1ee: {  	v0 =	vld [tilespmem:s0+$0xF258];
	_ =	sdelay $0x4  }
0x1ef: {  	[tilespmem:s2+$0xF258] =	vst v0  }
0x1f0: {  	v0 =	vld [tilespmem:s0+$0xF268];
	_ =	sdelay $0x4  }
0x1f1: {  	[tilespmem:s2+$0xF268] =	vst v0  }
0x1f2: {  	v0 =	vld [tilespmem:s0+$0xF278];
	_ =	sdelay $0x4  }
0x1f3: {  	[tilespmem:s2+$0xF278] =	vst v0  }
0x1f4: {  	v0 =	vld [tilespmem:s0+$0xF288];
	_ =	sdelay $0x4  }
0x1f5: {  	[tilespmem:s2+$0xF288] =	vst v0  }
0x1f6: {  	v0 =	vld [tilespmem:s0+$0xF298];
	_ =	sdelay $0x4  }
0x1f7: {  	[tilespmem:s2+$0xF298] =	vst v0  }
0x1f8: {  	v0 =	vld [tilespmem:s0+$0xF2A8];
	_ =	sdelay $0x4  }
0x1f9: {  	s6 =	sadd.s32 $0x1, s6;
	[tilespmem:s2+$0xF2A8] =	vst v0  }
.LBB3_33:
0x1fa: {  	s11 =	sadd.s32 $0x1, s11  }
0x1fb: {  	p1 =	sne.s32 s11, $0x20  }
.Ltmp28:
0x1fc: {  	_ = 	snop;
	(pc) =	sbr.rel @!p1 .LBB3_34-.Ltmp28, $1  }
0x1fd: {  	_ =	sdelay $0x3  }
.LBB3_26:
0x1fe: {  	v0 =	vld.msk [tilespmem:s11+$0xF218], $0x1;
	_ =	sdelay $0x4  }
0x1ff: {  	(v2sf) =	vpush v0, $0x0;
	_ =	sdelay $0xe  }
0x200: {  	s12 =	spop (v2sf)  }
0x201: {  	p1 =	seq.s32 s12, $0xFFFFFFFF  }
.Ltmp29:
0x202: {  	_ = 	snop;
	(pc) =	sbr.rel @p1 .LBB3_33-.Ltmp29, $1  }
0x203: {  	_ =	sdelay $0x3  }
0x204: {  	p1 =	slt.s32 s6, $0x1  }
.Ltmp30:
0x205: {  	_ = 	snop;
	(pc) =	sbr.rel @p1 .LBB3_32-.Ltmp30, $1  }
0x206: {  	_ =	sdelay $0x3  }
0x207: {  	s13 =	simm.s32 $0xF218;
	p1 =	por $0x0, $0x0  }
0x208: {  	v1 =	vld.msk @!p1 [tilespmem:s13+$0x0], $0x1;
	_ =	sdelay $0x4  }
0x209: {  	(v2sf) =	vpush @!p1 v1, $0x0;
	_ =	sdelay $0xd  }
0x20a: {  	p3 =	sne.s32 s6, $0x1  }
.Ltmp31:
0x20b: {  	s0 =	spop @!p1 (v2sf);
	(pc) =	sbr.rel @!p3 .LBB3_30-.Ltmp31, $4  }
0x20c: {  	p2 =	seq.s32 @!p1 s12, s0  }
0x20d: {  	s14 =	simm.s32 $0x0;
	p2 =	por !p2, p1  }
0x20e: {  	s2 =	simm.s32 $0xFFFFFFFF;
	s14 =	simm.s32 @p2 $0xFFFFFFFF  }
0x20f: {  	s0 =	simm.s32 $0x1;
	s14 =	smov.u32 @p1 s2  }
.LBB3_29:
0x210: {  	s2 =	smov.u32 s14;
	p1 =	sne.s32 s14, $0xFFFFFFFF  }
0x211: {  	s13 =	sadd.s32 $0x1, s13;
	s14 =	smov.u32 s0;
	s0 =	sadd.s32 $0x1, s0  }
0x212: {  	p2 =	sne.s32 s6, s0;
	v1 =	vld.msk @!p1 [tilespmem:s13+$0x0], $0x1;
	_ =	sdelay $0x4  }
0x213: {  	(v2sf) =	vpush @!p1 v1, $0x0;
	_ =	sdelay $0xe  }
.Ltmp32:
0x214: {  	s3 =	spop @!p1 (v2sf);
	(pc) =	sbr.rel @p2 .LBB3_29-.Ltmp32, $4  }
0x215: {  	p3 =	seq.s32 @!p1 s12, s3  }
0x216: {  	p3 =	por !p3, p1  }
0x217: {  	s14 =	simm.s32 @p3 $0xFFFFFFFF  }
0x218: {  	s14 =	smov.u32 @p1 s2  }
.LBB3_30:
0x219: {  	p1 =	seq.s32 s14, $0xFFFFFFFF  }
.Ltmp33:
0x21a: {  	_ = 	snop;
	(pc) =	sbr.rel @p1 .LBB3_32-.Ltmp33, $1  }
0x21b: {  	_ =	sdelay $0x3  }
0x21c: {  	s0 =	sshll.u32 s11, $0x7  }
0x21d: {  	s0 =	sand.u32 $0x3FFFFF80, s0  }
0x21e: {  	v0 =	vld [tilespmem:s0+$0xF238];
	_ =	sdelay $0x2  }
0x21f: {  	s2 =	sshll.u32 s14, $0x9  }
0x220: {  	s2 =	sshra.s32 s2, $0x2  }
0x221: {  	[tilespmem:s2+$0xF238] =	vst.add.f32.msk $0xffff, v0  }
0x222: {  	v0 =	vld [tilespmem:s0+$0xF248];
	_ =	sdelay $0x4  }
0x223: {  	[tilespmem:s2+$0xF248] =	vst.add.f32.msk $0xffff, v0  }
0x224: {  	v0 =	vld [tilespmem:s0+$0xF258];
	_ =	sdelay $0x4  }
0x225: {  	[tilespmem:s2+$0xF258] =	vst.add.f32.msk $0xffff, v0  }
0x226: {  	v0 =	vld [tilespmem:s0+$0xF268];
	_ =	sdelay $0x4  }
0x227: {  	[tilespmem:s2+$0xF268] =	vst.add.f32.msk $0xffff, v0  }
0x228: {  	v0 =	vld [tilespmem:s0+$0xF278];
	_ =	sdelay $0x4  }
0x229: {  	[tilespmem:s2+$0xF278] =	vst.add.f32.msk $0xffff, v0  }
0x22a: {  	v0 =	vld [tilespmem:s0+$0xF288];
	_ =	sdelay $0x4  }
0x22b: {  	[tilespmem:s2+$0xF288] =	vst.add.f32.msk $0xffff, v0  }
0x22c: {  	v0 =	vld [tilespmem:s0+$0xF298];
	_ =	sdelay $0x4  }
0x22d: {  	[tilespmem:s2+$0xF298] =	vst.add.f32.msk $0xffff, v0  }
0x22e: {  	v0 =	vld [tilespmem:s0+$0xF2A8]  }
.Ltmp34:
0x22f: {  	_ = 	snop;
	(pc) =	sbr.rel .LBB3_33-.Ltmp34, $2  }
0x230: {  	_ =	sdelay $0x2  }
0x231: {  	[tilespmem:s2+$0xF2A8] =	vst.add.f32.msk $0xffff, v0  }
.LBB3_34:
0x232: {  	s0 =	simm.s32 $0x6;
	p1 =	seq.s32 s6, $0x0  }
0x233: {  	[sflag:s0] =	ssyncpa.u1 $0x1;
	v0 =	vimm.s32 @p1 $0xFFFFFFFF  }
0x234: {  	s9 =	sadd.s32 $0xFFFFFFFF, s6;
	[tilespmem:$0x10238] =	vst @p1 v0  }
0x235: {  	v0 =	vld.msk @!p1 [tilespmem:s9+$0xF218], $0x1;
	_ =	sdelay $0x1  }
0x236: {  	v1 =	vld.msk @!p1 [tilespmem:$0xF218], $0x1;
	_ =	sdelay $0x2  }
0x237: {  	p2 =	seq.s32 @!p1 s9, $0x0;
	v0 =	vbroadcast @!p1 v0, $0x0  }
0x238: {  	vm0 =	vmmov @!p1 $0x1;
	p2 =	por !p2, p1  }
0x239: {  	v1 =	vnsel @!p1 vm0, $0xFFFFFFFF, v1;
	vm0 =	vcmask @!p1 $0x308;
	v0 =	vpsel !p2, $0xFFFFFFFF, v0  }
0x23a: {  	p2 =	sne.s32 @!p1 s8, s7;
	v0 =	vsel @!p1 vm0, v1, v0  }
0x23b: {  	s0 =	simm.s32 @!p1 $0xF238;
	s2 =	simm.s32 @!p1 $0x0;
	p3 =	por !p2, p1;
	[tilespmem:$0x10238] =	vst @!p1 v0  }
0x23c: {  	[spmem:s2] =	stream.linear.scatter @!p1 [tilespmem:s0], [sflag:$0x1], $0x80, $0x38;
	[tilespmem:$0x1F6F8] =	vst v63  }
0x23d: {  	s0 =	sshll.u32 @!p3 s9, $0x9  }
0x23e: {  	s0 =	sshra.s32 @!p3 s0, $0x2  }
0x23f: {  	s2 =	simm.s32 @!p3 $0x80;
	s0 =	sadd.s32 @!p3 $0xF238, s0  }
0x240: {  	[spmem:s2] =	stream.linear.scatter @!p3 [tilespmem:s0], [sflag:$0x1], $0x80, $0x38;
	[tilespmem:$0x1F6F8] =	vst v63  }
0x241: {  	s0 =	simm.s32 @!p3 $0x1  }
0x242: {  	_ =	swait.ge @!p3 [sflag:s0], $0x100  }
0x243: {  	p1 =	por p2, p1;
	[sflag:s0] =	ssyncset.done @!p3 $0x0  }
0x244: {  	[sflag:s0] =	ssyncadd.s32 @!p3 $0xFFFFFF00;
	s0 =	simm.s32 @!p1 $0x1  }
0x245: {  	_ =	swait.ge @!p1 [sflag:s0], $0x80  }
0x246: {  	s29 =	simm.s32 $0x10238;
	[sflag:s0] =	ssyncset.done @!p1 $0x0  }
0x247: {  	s30 =	simm.s32 $0x1000;
	s31 =	simm.s32 $0x1;
	[sflag:s0] =	ssyncadd.s32 @!p1 $0xFFFFFF80  }
0x248: {  	[spmem:s30] =	stream.linear.scatter [tilespmem:s29], [sflag:$0x1], $0x10, $0x38;
	[tilespmem:$0x1F6F8] =	vst v63  }
0x249: {  	_ =	swait.ge [sflag:s31], $0x10  }
0x24a: {  	[sflag:s31] =	ssyncset.done $0x0  }
0x24b: {  	p1 =	seq.s32 s15, $0x0;
	s8 =	rddreg [dreg:$0x2];
	[sflag:s31] =	ssyncadd.s32 $0xFFFFFFF0  }
0x24c: {  	s2 =	sshll.u32 @p1 s8, $0xE;
	s7 =	rddreg [dreg:$0x3]  }
0x24d: {  	s0 =	sadd.s32 @p1 $0x15C3C, s2;
	s2 =	sshll.u32 @p1 s7, $0x11  }
0x24e: {  	_ =	sfence.stream.spmem;
	s0 =	sor.u32 @p1 s2, s0  }
0x24f: {  	[sflag:s0] =	ssyncadd.remote.s32 @p1 $0x1;
	s0 =	simm.s32 @p1 $0x4  }
0x250: {  	s3 =	simm.s32 @!p1 $0x3C;
	s2 =	sand.u32 $0xFFFFFFFE, s8;
	_ =	swait.ge @p1 [sflag:s0], $0x22  }
0x251: {  	s4 =	simm.s32 @!p1 $0x0;
	s2 =	sadd.s32 @!p1 $0x4, s2;
	[sflag:s0] =	ssyncset.done @p1 $0x0  }
0x252: {  	s5 =	simm.s32 @!p1 $0x100;
	[sflag:s0] =	ssyncadd.s32 @p1 $0xFFFFFFDE;
	s0 =	sshll.u32 @!p1 s2, $0x1A  }
0x253: {  	s2 =	sshll.u32 @!p1 s2, $0xD;
	s0 =	sor.u32 @!p1 s0, s7;
	_ =	swait.eq @!p1 [sflag:s3], $0x1  }
0x254: {  	s2 =	sor.u32 @!p1 $0x1C04, s2;
	s3 =	simm.s32 @!p1 $0x1C03;
	s0 =	sor.u32 @!p1 $0x80004000, s0  }
0x255: {  	[spmem:s5], [sflag:s2] =	dma.general @!p1 [spmem:s4], [sflag:s3], length:$0x20, [dreg:$0x0], stride_count:$0x0, ici_dest:s0, dma_misc:DstOpCode:WRITE  }
0x256: {  	p2 =	slt.s32 s9, $0x2;
	s4 =	simm.s32 @!p1 $0x200;
	s5 =	simm.s32 @!p1 $0x202  }
0x257: {  	[spmem:s5], [sflag:s2] =	dma.general @!p1 [spmem:s4], [sflag:s3], length:$0x2, [dreg:$0x0], stride_count:$0x0, ici_dest:s0, dma_misc:DstOpCode:WRITE  }
.Ltmp35:
0x258: {  	s0 =	simm.s32 @!p1 $0x3;
	(pc) =	sbr.rel @p2 .LBB3_38-.Ltmp35, $4  }
0x259: {  	s2 =	sshll.u32 @!p1 s8, $0xE;
	_ =	swait.ge @!p1 [sflag:s0], $0x22  }
0x25a: {  	s3 =	sshll.u32 @!p1 s7, $0x11;
	s2 =	sadd.s32 @!p1 $0x11C3C, s2;
	[sflag:s0] =	ssyncset.done @!p1 $0x0  }
0x25b: {  	[sflag:s0] =	ssyncadd.s32 @!p1 $0xFFFFFFDE;
	s0 =	sor.u32 @!p1 s3, s2  }
0x25c: {  	[sflag:s0] =	ssyncadd.remote.s32 @!p1 $0xFFFFFFFF;
	s0 =	simm.s32 $0x0  }
0x25d: {  	s0 =	simm.s32 $0xF219  }
0x25e: {  	v0 =	vld.msk [tilespmem:s0+$0x0], $0x1;
	_ =	sdelay $0x4  }
0x25f: {  	(v2sf) =	vpush v0, $0x0;
	_ =	sdelay $0xb  }
0x260: {  	s31 =	sadd.s32 $0xFFFFFFFE, s6  }
0x261: {  	s0 =	sadd.s32 $0xFFFFFFFF, s31  }
0x262: {  	p2 =	sne.s32 s0, $0x0  }
.Ltmp36:
0x263: {  	s2 =	spop (v2sf);
	(pc) =	sbr.rel @!p2 .LBB3_37-.Ltmp36, $4  }
0x264: {  	s4 =	simm.s32 $0xF2B8;
	s7 =	simm.s32 $0x0;
	p1 =	sgt.u32 s2, $0x270F0  }
0x265: {  	s5 =	simm.s32 $0x0;
	s6 =	simm.s32 $0xF21A;
	s3 =	sand.u32 @!p1 $0x3FFF8, s2  }
0x266: {  	s2 =	sand.u32 @!p1 $0x7, s2;
	s7 =	simm.s32 @!p1 $0x200;
	s3 =	sadd.s32 @!p1 s1, s3  }
0x267: {  	[hbm4b:s3+s2] =	stream.linear.scatter @!p1 [tilespmem:s4], [sflag:$0x5], $0x80, $0x38;
	[tilespmem:$0x1F6F8] =	vst v63  }
.LBB3_36:
0x268: {  	v0 =	vld.msk [tilespmem:s6+$0x0], $0x1;
	s0 =	sadd.s32 $0xFFFFFFFF, s0;
	s5 =	sadd.s32 s5, s7  }
0x269: {  	p1 =	sne.s32 s0, $0x0;
	_ =	sdelay $0x3  }
0x26a: {  	(v2sf) =	vpush v0, $0x0;
	_ =	sdelay $0xe  }
.Ltmp37:
0x26b: {  	s2 =	spop (v2sf);
	(pc) =	sbr.rel @p1 .LBB3_36-.Ltmp37, $4  }
0x26c: {  	s7 =	simm.s32 $0x0;
	p2 =	sgt.u32 s2, $0x270F0  }
0x26d: {  	s4 =	sadd.s32 $0x80, s4;
	s7 =	simm.s32 @!p2 $0x200;
	s3 =	sand.u32 @!p2 $0x3FFF8, s2  }
0x26e: {  	s6 =	sadd.s32 $0x1, s6;
	s2 =	sand.u32 @!p2 $0x7, s2;
	s3 =	sadd.s32 @!p2 s1, s3  }
0x26f: {  	[hbm4b:s3+s2] =	stream.linear.scatter @!p2 [tilespmem:s4], [sflag:$0x5], $0x80, $0x38;
	[tilespmem:$0x1F6F8] =	vst v63  }
.LBB3_37:
0x270: {  	s0 =	sadd.s32 s5, s7  }
0x271: {  	s0 =	sshrl.u32 s0, $0x2  }
.LBB3_38:
0x272: {  	s2 =	simm.s32 $0x5  }
0x273: {  	_ =	swait.ge [sflag:s2], s0  }
0x274: {  	s31 =	ssub.s32 $0x0, s0;
	[sflag:s2] =	ssyncset.done $0x0  }
0x275: {  	[sflag:s2] =	ssyncadd.s32 s31  }
0x276: {  	[sflag:s2] =	ssyncpa.u1 $0x1  }
.LBB3_39:
0x277: {  	s0 =	sor.u32 s15, s16  }
0x278: {  	p1 =	sne.s32 s0, $0x0  }
.Ltmp38:
0x279: {  	_ = 	snop;
	(pc) =	sbr.rel @p1 .LBB3_54-.Ltmp38, $3  }
0x27a: {  	_ =	sdelay $0x1  }
0x27b: {  	[bflag:$0x0] =	sbarrier.arrive $0xFFFF  }
0x27c: {  	_ =	sfence  }
0x27d: {  	s0 =	simm.s32 $0x7  }
0x27e: {  	s2 =	simm.s32 $0x1000;
	s3 =	simm.s32 $0xF218;
	[sflag:s0] =	ssyncpa.u1 $0x0  }
0x27f: {  	[tilespmem:s3], [sflag:$0x7] =	stream.linear.gather [spmem:s2], $0x20, $0x38;
	[tilespmem:$0x1F6F8] =	vst v63  }
0x280: {  	s30 =	simm.s32 $0xF238;
	s2 =	simm.s32 $0x0  }
0x281: {  	[tilespmem:s30], [sflag:$0x7] =	stream.linear.gather [spmem:s2], $0x1000, $0x38;
	[tilespmem:$0x1F6F8] =	vst v63  }
.Ltmp39:
0x282: {  	_ = 	snop;
	(pc) =	sbr.rel .LBB3_41-.Ltmp39, $4  }
0x283: {  	_ =	swait.ge [sflag:s0], $0x1020  }
0x284: {  	[sflag:s0] =	ssyncset.done $0x0  }
0x285: {  	s31 =	simm.s32 $0x8;
	[sflag:s0] =	ssyncadd.s32 $0xFFFFEFE0  }
0x286: {  	s3 =	simm.s32 $0x0;
	[sflag:s31] =	ssyncpa.u1 $0x0  }
.LBB3_47:
0x287: {  	p1 =	slt.u32 s4, $0x270F1  }
0x288: {  	s0 =	sand.u32 @p1 $0x3FFF8, s4  }
0x289: {  	s4 =	sand.u32 @p1 $0x7, s4;
	s5 =	simm.s32 @p1 $0xF188;
	s0 =	sadd.s32 @p1 s1, s0  }
0x28a: {  	[tilespmem:s5], [sflag:$0x8] =	stream.linear.gather @p1 [hbm4b:s0+s4], $0x80, $0x38;
	[tilespmem:$0x1F6F8] =	vst v63  }
0x28b: {  	s0 =	simm.s32 @p1 $0x8  }
0x28c: {  	_ =	swait.ge @p1 [sflag:s0], $0x80  }
0x28d: {  	[sflag:s0] =	ssyncset.done @p1 $0x0  }
0x28e: {  	[sflag:s0] =	ssyncadd.s32 @p1 $0xFFFFFF80  }
0x28f: {  	v1 =	vld @p1 [tilespmem:$0xF188];
	_ =	sdelay $0x2  }
0x290: {  	s0 =	sshll.u32 @p1 s3, $0x9  }
0x291: {  	s4 =	sshrl.u32 @p1 s0, $0x2  }
0x292: {  	[tilespmem:s4+$0xF238] =	vst.add.f32.msk @p1 $0xffff, v1  }
0x293: {  	v1 =	vld @p1 [tilespmem:$0xF198];
	_ =	sdelay $0x4  }
0x294: {  	[tilespmem:s4+$0xF248] =	vst.add.f32.msk @p1 $0xffff, v1  }
0x295: {  	v1 =	vld @p1 [tilespmem:$0xF1A8];
	_ =	sdelay $0x4  }
0x296: {  	[tilespmem:s4+$0xF258] =	vst.add.f32.msk @p1 $0xffff, v1  }
0x297: {  	v1 =	vld @p1 [tilespmem:$0xF1B8];
	_ =	sdelay $0x4  }
0x298: {  	[tilespmem:s4+$0xF268] =	vst.add.f32.msk @p1 $0xffff, v1  }
0x299: {  	v1 =	vld @p1 [tilespmem:$0xF1C8];
	_ =	sdelay $0x4  }
0x29a: {  	[tilespmem:s4+$0xF278] =	vst.add.f32.msk @p1 $0xffff, v1  }
0x29b: {  	v1 =	vld @p1 [tilespmem:$0xF1D8];
	_ =	sdelay $0x4  }
0x29c: {  	[tilespmem:s4+$0xF288] =	vst.add.f32.msk @p1 $0xffff, v1  }
0x29d: {  	v1 =	vld @p1 [tilespmem:$0xF1E8];
	_ =	sdelay $0x4  }
0x29e: {  	[tilespmem:s4+$0xF298] =	vst.add.f32.msk @p1 $0xffff, v1  }
0x29f: {  	v1 =	vld @p1 [tilespmem:$0xF1F8];
	_ =	sdelay $0x3  }
0x2a0: {  	s5 =	sshll.u32 @!p1 s3, $0x9  }
0x2a1: {  	s5 =	smov.u32 @p1 s0;
	[tilespmem:s4+$0xF2A8] =	vst.add.f32.msk @p1 $0xffff, v1  }
0x2a2: {  	s0 =	sshrl.u32 s5, $0x2;
	[tilespmem:s2+$0xF218] =	vst.msk $0x1, v0  }
0x2a3: {  	v0 =	vld [tilespmem:s0+$0xF238];
	_ =	sdelay $0x2  }
0x2a4: {  	s31 =	sshll.u32 s2, $0x9  }
0x2a5: {  	s4 =	sshra.s32 s31, $0x2  }
0x2a6: {  	[tilespmem:s4+$0xF238] =	vst v0  }
0x2a7: {  	v0 =	vld [tilespmem:s0+$0xF248];
	_ =	sdelay $0x4  }
0x2a8: {  	[tilespmem:s4+$0xF248] =	vst v0  }
0x2a9: {  	v0 =	vld [tilespmem:s0+$0xF258];
	_ =	sdelay $0x4  }
0x2aa: {  	[tilespmem:s4+$0xF258] =	vst v0  }
0x2ab: {  	v0 =	vld [tilespmem:s0+$0xF268];
	_ =	sdelay $0x4  }
0x2ac: {  	[tilespmem:s4+$0xF268] =	vst v0  }
0x2ad: {  	v0 =	vld [tilespmem:s0+$0xF278];
	_ =	sdelay $0x4  }
0x2ae: {  	[tilespmem:s4+$0xF278] =	vst v0  }
0x2af: {  	v0 =	vld [tilespmem:s0+$0xF288];
	_ =	sdelay $0x4  }
0x2b0: {  	[tilespmem:s4+$0xF288] =	vst v0  }
0x2b1: {  	v0 =	vld [tilespmem:s0+$0xF298];
	_ =	sdelay $0x4  }
0x2b2: {  	[tilespmem:s4+$0xF298] =	vst v0  }
0x2b3: {  	v0 =	vld [tilespmem:s0+$0xF2A8];
	_ =	sdelay $0x4  }
0x2b4: {  	s2 =	sadd.s32 $0x1, s2;
	[tilespmem:s4+$0xF2A8] =	vst v0  }
.LBB3_48:
0x2b5: {  	s3 =	sadd.s32 $0x1, s3  }
0x2b6: {  	p1 =	sne.s32 s3, $0x20  }
.Ltmp40:
0x2b7: {  	_ = 	snop;
	(pc) =	sbr.rel @!p1 .LBB3_49-.Ltmp40, $1  }
0x2b8: {  	_ =	sdelay $0x3  }
.LBB3_41:
0x2b9: {  	v0 =	vld.msk [tilespmem:s3+$0xF218], $0x1;
	_ =	sdelay $0x4  }
0x2ba: {  	(v2sf) =	vpush v0, $0x0;
	_ =	sdelay $0xe  }
0x2bb: {  	s4 =	spop (v2sf)  }
0x2bc: {  	p1 =	seq.s32 s4, $0xFFFFFFFF  }
.Ltmp41:
0x2bd: {  	_ = 	snop;
	(pc) =	sbr.rel @p1 .LBB3_48-.Ltmp41, $1  }
0x2be: {  	_ =	sdelay $0x3  }
0x2bf: {  	p1 =	slt.s32 s2, $0x1  }
.Ltmp42:
0x2c0: {  	_ = 	snop;
	(pc) =	sbr.rel @p1 .LBB3_47-.Ltmp42, $1  }
0x2c1: {  	_ =	sdelay $0x3  }
0x2c2: {  	s5 =	simm.s32 $0xF218;
	p1 =	por $0x0, $0x0  }
0x2c3: {  	v1 =	vld.msk @!p1 [tilespmem:s5+$0x0], $0x1;
	_ =	sdelay $0x4  }
0x2c4: {  	(v2sf) =	vpush @!p1 v1, $0x0;
	_ =	sdelay $0xd  }
0x2c5: {  	p3 =	sne.s32 s2, $0x1  }
.Ltmp43:
0x2c6: {  	s0 =	spop @!p1 (v2sf);
	(pc) =	sbr.rel @!p3 .LBB3_45-.Ltmp43, $4  }
0x2c7: {  	p2 =	seq.s32 @!p1 s4, s0  }
0x2c8: {  	s6 =	simm.s32 $0x0;
	p2 =	por !p2, p1  }
0x2c9: {  	s7 =	simm.s32 $0xFFFFFFFF;
	s6 =	simm.s32 @p2 $0xFFFFFFFF  }
0x2ca: {  	s0 =	simm.s32 $0x1;
	s6 =	smov.u32 @p1 s7  }
.LBB3_44:
0x2cb: {  	s7 =	smov.u32 s6;
	p1 =	sne.s32 s6, $0xFFFFFFFF  }
0x2cc: {  	s5 =	sadd.s32 $0x1, s5;
	s6 =	smov.u32 s0;
	s0 =	sadd.s32 $0x1, s0  }
0x2cd: {  	p2 =	sne.s32 s2, s0;
	v1 =	vld.msk @!p1 [tilespmem:s5+$0x0], $0x1;
	_ =	sdelay $0x4  }
0x2ce: {  	(v2sf) =	vpush @!p1 v1, $0x0;
	_ =	sdelay $0xe  }
.Ltmp44:
0x2cf: {  	s8 =	spop @!p1 (v2sf);
	(pc) =	sbr.rel @p2 .LBB3_44-.Ltmp44, $4  }
0x2d0: {  	p3 =	seq.s32 @!p1 s4, s8  }
0x2d1: {  	p3 =	por !p3, p1  }
0x2d2: {  	s6 =	simm.s32 @p3 $0xFFFFFFFF  }
0x2d3: {  	s6 =	smov.u32 @p1 s7  }
.LBB3_45:
0x2d4: {  	p1 =	seq.s32 s6, $0xFFFFFFFF  }
.Ltmp45:
0x2d5: {  	_ = 	snop;
	(pc) =	sbr.rel @p1 .LBB3_47-.Ltmp45, $1  }
0x2d6: {  	_ =	sdelay $0x3  }
0x2d7: {  	s0 =	sshll.u32 s3, $0x7  }
0x2d8: {  	s0 =	sand.u32 $0x3FFFFF80, s0  }
0x2d9: {  	v0 =	vld [tilespmem:s0+$0xF238];
	_ =	sdelay $0x2  }
0x2da: {  	s4 =	sshll.u32 s6, $0x9  }
0x2db: {  	s4 =	sshra.s32 s4, $0x2  }
0x2dc: {  	[tilespmem:s4+$0xF238] =	vst.add.f32.msk $0xffff, v0  }
0x2dd: {  	v0 =	vld [tilespmem:s0+$0xF248];
	_ =	sdelay $0x4  }
0x2de: {  	[tilespmem:s4+$0xF248] =	vst.add.f32.msk $0xffff, v0  }
0x2df: {  	v0 =	vld [tilespmem:s0+$0xF258];
	_ =	sdelay $0x4  }
0x2e0: {  	[tilespmem:s4+$0xF258] =	vst.add.f32.msk $0xffff, v0  }
0x2e1: {  	v0 =	vld [tilespmem:s0+$0xF268];
	_ =	sdelay $0x4  }
0x2e2: {  	[tilespmem:s4+$0xF268] =	vst.add.f32.msk $0xffff, v0  }
0x2e3: {  	v0 =	vld [tilespmem:s0+$0xF278];
	_ =	sdelay $0x4  }
0x2e4: {  	[tilespmem:s4+$0xF278] =	vst.add.f32.msk $0xffff, v0  }
0x2e5: {  	v0 =	vld [tilespmem:s0+$0xF288];
	_ =	sdelay $0x4  }
0x2e6: {  	[tilespmem:s4+$0xF288] =	vst.add.f32.msk $0xffff, v0  }
0x2e7: {  	v0 =	vld [tilespmem:s0+$0xF298];
	_ =	sdelay $0x4  }
0x2e8: {  	[tilespmem:s4+$0xF298] =	vst.add.f32.msk $0xffff, v0  }
0x2e9: {  	v0 =	vld [tilespmem:s0+$0xF2A8]  }
.Ltmp46:
0x2ea: {  	_ = 	snop;
	(pc) =	sbr.rel .LBB3_48-.Ltmp46, $2  }
0x2eb: {  	_ =	sdelay $0x2  }
0x2ec: {  	[tilespmem:s4+$0xF2A8] =	vst.add.f32.msk $0xffff, v0  }
.LBB3_49:
0x2ed: {  	p1 =	slt.s32 s2, $0x1  }
.Ltmp47:
0x2ee: {  	_ = 	snop;
	(pc) =	sbr.rel @p1 .LBB3_53-.Ltmp47, $3  }
0x2ef: {  	_ =	sdelay $0x1  }
0x2f0: {  	s0 =	simm.s32 $0x8  }
0x2f1: {  	s3 =	simm.s32 $0x0;
	[sflag:s0] =	ssyncpa.u1 $0x1  }
0x2f2: {  	s0 =	simm.s32 $0xF218  }
0x2f3: {  	v0 =	vld.msk [tilespmem:s0+$0x0], $0x1;
	_ =	sdelay $0x4  }
0x2f4: {  	(v2sf) =	vpush v0, $0x0;
	_ =	sdelay $0xe  }
0x2f5: {  	s0 =	sadd.s32 $0xFFFFFFFF, s2;
	s5 =	spop (v2sf)  }
0x2f6: {  	p2 =	sne.s32 s0, $0x0;
	p1 =	sgt.u32 s5, $0x270F0  }
.Ltmp48:
0x2f7: {  	s6 =	sand.u32 @!p1 $0x3FFF8, s5;
	(pc) =	sbr.rel @!p2 .LBB3_52-.Ltmp48, $4  }
0x2f8: {  	s4 =	simm.s32 $0xF238;
	s5 =	sand.u32 @!p1 $0x7, s5;
	s2 =	sadd.s32 @!p1 s1, s6  }
0x2f9: {  	[hbm4b:s2+s5] =	stream.linear.scatter @!p1 [tilespmem:s4], [sflag:$0x7], $0x80, $0x38;
	[tilespmem:$0x1F6F8] =	vst v63  }
0x2fa: {  	s5 =	simm.s32 $0x0  }
0x2fb: {  	s2 =	simm.s32 $0xF219;
	s5 =	simm.s32 @!p1 $0x200  }
.LBB3_51:
0x2fc: {  	v0 =	vld.msk [tilespmem:s2+$0x0], $0x1;
	s0 =	sadd.s32 $0xFFFFFFFF, s0;
	s3 =	sadd.s32 s3, s5  }
0x2fd: {  	p1 =	sne.s32 s0, $0x0;
	_ =	sdelay $0x3  }
0x2fe: {  	(v2sf) =	vpush v0, $0x0;
	_ =	sdelay $0xe  }
.Ltmp49:
0x2ff: {  	s6 =	spop (v2sf);
	(pc) =	sbr.rel @p1 .LBB3_51-.Ltmp49, $4  }
0x300: {  	s5 =	simm.s32 $0x0;
	p2 =	sgt.u32 s6, $0x270F0  }
0x301: {  	s4 =	sadd.s32 $0x80, s4;
	s5 =	simm.s32 @!p2 $0x200;
	s7 =	sand.u32 @!p2 $0x3FFF8, s6  }
0x302: {  	s2 =	sadd.s32 $0x1, s2;
	s6 =	sand.u32 @!p2 $0x7, s6;
	s7 =	sadd.s32 @!p2 s1, s7  }
0x303: {  	[hbm4b:s7+s6] =	stream.linear.scatter @!p2 [tilespmem:s4], [sflag:$0x7], $0x80, $0x38;
	[tilespmem:$0x1F6F8] =	vst v63  }
.LBB3_52:
0x304: {  	s0 =	sadd.s32 s3, s5  }
0x305: {  	s3 =	sshrl.u32 s0, $0x2  }
.LBB3_53:
0x306: {  	s0 =	simm.s32 $0x7  }
0x307: {  	_ =	swait.ge [sflag:s0], s3  }
0x308: {  	s1 =	ssub.s32 $0x0, s3;
	[sflag:s0] =	ssyncset.done $0x0  }
0x309: {  	[sflag:s0] =	ssyncadd.s32 s1  }
0x30a: {  	[sflag:s0] =	ssyncpa.u1 $0x1  }
.LBB3_54:
0x30b: {  	_ =	sfence;
	s0 =	simm.s32 $0x1  }
0x30c: {  	[sflag:s0] =	ssyncpa.u1 $0x1  }
0x30d: {  	_ =	strace $0x9000004D  }
0x30e: {  	[bflag:$0x2] =	sbarrier.arrive $0xFFFF  }
0x30f: {  	s0 =	rddreg [dreg:$0x4]  }
0x310: {  	s0 =	sadd.s32 @!p0 $0x100000, s0  }
0x311: {  	[sflag:s0] =	ssyncadd.tile.s32 @!p0 $0x1;
	_ =	shalt  }
.Lfunc_end3:
_tile_overlayer_lowered:
.L_overlay_start_3:
0x312: {  	(tag) =	ssettag $0x3  }
0x313: {  	s0 =	rddreg [dreg:$0x0];
	s2 =	stileid.u32  }
0x314: {  	s1 =	rddreg [dreg:$0x1];
	p0 =	sne.s32 s2, $0x0  }
0x315: {  	s3 =	rddreg [dreg:$0x2];
	[bflag:$0x3] =	sbarrier.arrive $0xFFFF;
	s2 =	simm.s32 @!p0 $0x1C01  }
0x316: {  	[timem:s3], [sflag:s2] =	dma.local @!p0 [hbm:s0], s1  }
0x317: {  	s0 =	simm.s32 @!p0 $0x1  }
0x318: {  	_ =	swait.ge @!p0 [sflag:s0], s1  }
0x319: {  	s1 =	ssub.s32 @!p0 $0x0, s1;
	[sflag:s0] =	ssyncset.done @!p0 $0x0  }
0x31a: {  	[sflag:s0] =	ssyncadd.s32 @!p0 s1  }
0x31b: {  	[bflag:$0x3] =	sbarrier.arrive $0xFFFF  }
0x31c: {  	_ =	shalt  }

</sc_bundles>
